<compile_context>
chip_gen: v7x
topology: tpu7x:2x2x1
jax: 0.10.2.dev20260603
libtpu: 0.0.44.dev20260713+nightly
codegen_flags: <defaults>
</compile_context>

<pallas_src>
import functools

import jax
import jax.numpy as jnp
from jax import lax
from jax.experimental import pallas as pl
from jax.experimental.pallas import tpu as pltpu
from jax.experimental.pallas import tpu_sc as plsc

NC = 2
NS = 16
NW = NC * NS
CHUNK = 125


def _sc_mesh():
  return plsc.VectorSubcoreMesh(
      core_axis_name="c", subcore_axis_name="s", num_cores=NC, num_subcores=NS)


def _make_deg_kernel(E, NP):
  per_w = E // NW
  n_it = per_w // CHUNK
  rows_per_tile = NP // NS

  @functools.partial(
      pl.kernel,
      out_type=jax.ShapeDtypeStruct((NC, NP, 16), jnp.float32),
      mesh=_sc_mesh(),
      scratch_types=[
          pltpu.VMEM_SHARED((NP, 16), jnp.float32),
          pltpu.VMEM((n_it, CHUNK), jnp.int32),
          pltpu.VMEM((CHUNK, 16), jnp.float32),
          pltpu.VMEM((128, 16), jnp.float32),
          pltpu.SemaphoreType.DMA,
      ],
  )
  def deg_kernel(col_hbm, out_hbm, acc, cbuf, ones_buf, zbuf, ss):
    c = lax.axis_index("c")
    s = lax.axis_index("s")
    wid = c * NS + s
    zeros16 = jnp.zeros((16,), jnp.float32)
    ones16 = jnp.ones((16,), jnp.float32)

    def fill_body(i, _):
      zbuf[i] = zeros16
      return 0
    lax.fori_loop(0, 128, fill_body, 0)

    def ones_body(i, _):
      ones_buf[i] = ones16
      return 0
    lax.fori_loop(0, CHUNK, ones_body, 0)

    for k in range(rows_per_tile // 128):
      pltpu.sync_copy(zbuf, acc.at[pl.ds(s * rows_per_tile + k * 128, 128)])

    pltpu.sync_copy(col_hbm.at[wid], cbuf)
    plsc.subcore_barrier()

    def step(i, _):
      pltpu.sync_copy(ones_buf, acc.at[cbuf.at[i]], add=True)
      return 0
    lax.fori_loop(0, n_it, step, 0)

    plsc.subcore_barrier()
    pltpu.sync_copy(acc.at[pl.ds(s * rows_per_tile, rows_per_tile)],
                    out_hbm.at[c, pl.ds(s * rows_per_tile, rows_per_tile)])

  return deg_kernel


def _make_edge_kernel(E, NP, D):
  per_w = E // NW
  n_it = per_w // CHUNK
  rows_per_tile = NP // NS

  @functools.partial(
      pl.kernel,
      out_type=jax.ShapeDtypeStruct((NC, NP, D), jnp.float32),
      mesh=_sc_mesh(),
      scratch_types=[
          pltpu.VMEM_SHARED((NP, D), jnp.float32),
          pltpu.VMEM((1, CHUNK), jnp.int32),
          pltpu.VMEM((1, CHUNK), jnp.int32),
          pltpu.VMEM((1, CHUNK), jnp.int32),
          pltpu.VMEM((1, CHUNK), jnp.int32),
          pltpu.VMEM((CHUNK, D), jnp.float32),
          pltpu.VMEM((CHUNK, D), jnp.float32),
          pltpu.SemaphoreType.DMA,
          pltpu.SemaphoreType.DMA,
          pltpu.SemaphoreType.DMA,
          pltpu.SemaphoreType.DMA,
          pltpu.SemaphoreType.DMA,
          pltpu.SemaphoreType.DMA,
          pltpu.SemaphoreType.DMA,
          pltpu.SemaphoreType.DMA,
      ],
  )
  def edge_kernel(g_hbm, row_hbm, col_hbm, out_hbm, acc, rb0, rb1, cb0, cb1,
                  rows0, rows1, ir0, ir1, ic0, ic1, gs0, gs1, ss0, ss1):
    c = lax.axis_index("c")
    s = lax.axis_index("s")
    wid = c * NS + s
    zeros16 = jnp.zeros((16,), jnp.float32)


    def iload(src_hbm, j, buf, sem):
      pltpu.async_copy(src_hbm.at[wid, j], buf, sem)

    def iwait(buf, sem):
      pltpu.make_async_copy(row_hbm.at[0, 0], buf, sem).wait()

    def gather(ibuf, buf, sem):
      pltpu.async_copy(g_hbm.at[ibuf.at[0]], buf, sem)

    def gwait(ibuf, buf, sem):
      pltpu.make_async_copy(g_hbm.at[ibuf.at[0]], buf, sem).wait()

    def scat(ibuf, buf, sem):
      pltpu.async_copy(buf, acc.at[ibuf.at[0]], sem, add=True)

    def swait(ibuf, buf, sem):
      pltpu.make_async_copy(buf, acc.at[ibuf.at[0]], sem).wait()

    n_pair = n_it // 2
    iload(row_hbm, 0, rb0, ir0)
    iload(col_hbm, 0, cb0, ic0)
    iload(row_hbm, 1, rb1, ir1)
    iload(col_hbm, 1, cb1, ic1)

    def zero_body(i, _):
      for j in range(D // 16):
        rows0[i, pl.ds(j * 16, 16)] = zeros16
      return 0
    lax.fori_loop(0, CHUNK, zero_body, 0)
    iwait(rb1, ir1)
    gather(rb1, rows1, gs1)
    nz, rem = rows_per_tile // CHUNK, rows_per_tile % CHUNK
    for k in range(nz):
      pltpu.sync_copy(rows0, acc.at[pl.ds(s * rows_per_tile + k * CHUNK, CHUNK)])
    if rem:
      pltpu.sync_copy(rows0.at[pl.ds(0, rem)],
                      acc.at[pl.ds(s * rows_per_tile + nz * CHUNK, rem)])
    iwait(rb0, ir0)
    gather(rb0, rows0, gs0)
    plsc.subcore_barrier()

    def step(i, _):
      gwait(rb0, rows0, gs0)

      @pl.when(i < n_pair - 1)
      def _():
        iload(row_hbm, 2 * i + 2, rb0, ir0)
      iwait(cb0, ic0)
      scat(cb0, rows0, ss0)
      swait(cb0, rows0, ss0)

      @pl.when(i < n_pair - 1)
      def _():
        iload(col_hbm, 2 * i + 2, cb0, ic0)
        iwait(rb0, ir0)
        gather(rb0, rows0, gs0)

      gwait(rb1, rows1, gs1)

      @pl.when(i < n_pair - 1)
      def _():
        iload(row_hbm, 2 * i + 3, rb1, ir1)
      iwait(cb1, ic1)
      scat(cb1, rows1, ss1)
      swait(cb1, rows1, ss1)

      @pl.when(i < n_pair - 1)
      def _():
        iload(col_hbm, 2 * i + 3, cb1, ic1)
        iwait(rb1, ir1)
        gather(rb1, rows1, gs1)
      return 0
    lax.fori_loop(0, n_pair, step, 0)

    plsc.subcore_barrier()
    pltpu.sync_copy(acc.at[pl.ds(s * rows_per_tile, rows_per_tile)],
                    out_hbm.at[c, pl.ds(s * rows_per_tile, rows_per_tile)])

  return edge_kernel


def _prescale_body(degp_ref, x_ref, dinv_ref, g_ref):
  dsum = degp_ref[0] + degp_ref[1]
  deg = jnp.sum(dsum, axis=1, keepdims=True) + 1.0
  dinv = lax.rsqrt(deg)
  dinv_ref[...] = dinv
  g_ref[...] = x_ref[...] * dinv


def _layer_body(parts_ref, g_ref, dinv_ref, w_ref, b_ref, gout_ref):
  g = g_ref[...]
  dinv = dinv_ref[...]
  agg = (parts_ref[0] + parts_ref[1] + g) * dinv
  h = jnp.maximum(
      lax.dot_general(agg, w_ref[...], (((1,), (0,)), ((), ())),
                      preferred_element_type=jnp.float32) + b_ref[...], 0.0)
  gout_ref[...] = h * dinv


def _final_body(N, BLK, parts_ref, g_ref, dinv_ref, w_ref, b_ref, wo_ref,
                bo_ref, out_ref, acc_ref):
  i = pl.program_id(0)

  @pl.when(i == 0)
  def _():
    acc_ref[...] = jnp.zeros_like(acc_ref)

  g = g_ref[...]
  dinv = dinv_ref[...]
  agg = (parts_ref[0] + parts_ref[1] + g) * dinv
  h = jnp.maximum(
      lax.dot_general(agg, w_ref[...], (((1,), (0,)), ((), ())),
                      preferred_element_type=jnp.float32) + b_ref[...], 0.0)
  rid = lax.broadcasted_iota(jnp.int32, h.shape, 0) + i * BLK
  h = jnp.where(rid < N, h, 0.0)
  acc_ref[...] += jnp.sum(h, axis=0, keepdims=True)
  pooled = acc_ref[...] * (1.0 / N)
  out_ref[...] = lax.dot_general(pooled, wo_ref[...], (((1,), (0,)), ((), ())),
                                 preferred_element_type=jnp.float32) + bo_ref[...]


def kernel(x, edge_index, W1, b1, W2, b2, W3, b3, Wout, bout):
  N, D = x.shape
  E = edge_index.shape[1]
  OUT = Wout.shape[1]
  NP = ((N + 1023) // 1024) * 1024
  BLK = 1024
  GRID = NP // BLK
  per_w = E // NW
  n_it = per_w // CHUNK

  row = edge_index[0].reshape(NW, n_it, 1, CHUNK)
  col = edge_index[1].reshape(NW, n_it, 1, CHUNK)
  x_pad = jnp.zeros((NP, D), x.dtype).at[:N].set(x)

  deg_parts = _make_deg_kernel(E, NP)(edge_index[1].reshape(NW, -1, CHUNK))

  dinv, g = pl.pallas_call(
      _prescale_body,
      grid=(GRID,),
      in_specs=[
          pl.BlockSpec((NC, BLK, 16), lambda i: (0, i, 0)),
          pl.BlockSpec((BLK, D), lambda i: (i, 0)),
      ],
      out_specs=[
          pl.BlockSpec((BLK, 1), lambda i: (i, 0)),
          pl.BlockSpec((BLK, D), lambda i: (i, 0)),
      ],
      out_shape=[
          jax.ShapeDtypeStruct((NP, 1), jnp.float32),
          jax.ShapeDtypeStruct((NP, D), jnp.float32),
      ],
  )(deg_parts, x_pad)

  edge_kernel = _make_edge_kernel(E, NP, D)

  layer_call = pl.pallas_call(
      _layer_body,
      grid=(GRID,),
      in_specs=[
          pl.BlockSpec((NC, BLK, D), lambda i: (0, i, 0)),
          pl.BlockSpec((BLK, D), lambda i: (i, 0)),
          pl.BlockSpec((BLK, 1), lambda i: (i, 0)),
          pl.BlockSpec((D, D), lambda i: (0, 0)),
          pl.BlockSpec((1, D), lambda i: (0, 0)),
      ],
      out_specs=pl.BlockSpec((BLK, D), lambda i: (i, 0)),
      out_shape=jax.ShapeDtypeStruct((NP, D), jnp.float32),
  )

  for W, b in ((W1, b1), (W2, b2)):
    parts = edge_kernel(g, row, col)
    g = layer_call(parts, g, dinv, W, b.reshape(1, D))

  parts = edge_kernel(g, row, col)
  out = pl.pallas_call(
      functools.partial(_final_body, N, BLK),
      grid=(GRID,),
      in_specs=[
          pl.BlockSpec((NC, BLK, D), lambda i: (0, i, 0)),
          pl.BlockSpec((BLK, D), lambda i: (i, 0)),
          pl.BlockSpec((BLK, 1), lambda i: (i, 0)),
          pl.BlockSpec((D, D), lambda i: (0, 0)),
          pl.BlockSpec((1, D), lambda i: (0, 0)),
          pl.BlockSpec((D, OUT), lambda i: (0, 0)),
          pl.BlockSpec((1, OUT), lambda i: (0, 0)),
      ],
      out_specs=pl.BlockSpec((1, OUT), lambda i: (0, 0)),
      out_shape=jax.ShapeDtypeStruct((1, OUT), jnp.float32),
      scratch_shapes=[pltpu.VMEM((1, D), jnp.float32)],
  )(parts, g, dinv, W3, b3.reshape(1, D), Wout, bout.reshape(1, OUT))
  return out

# --- scband reference (transcript-rebuilt; emitter-appended) ---
"""Pipeline reference for scband-gcnnet-13649406067507 (READ-ONLY COPY).

The authoritative reference and input builder live on the scoring server;
editing this copy changes nothing except your own understanding.
"""

import jax, jax.numpy as jnp
import numpy as np

N = 10000
E = 320000
D = 128
HID = 128
OUT = 10


def setup_inputs(seed: int = 0) -> dict:
    key = jax.random.key(seed)
    ks = jax.random.split(key, 12)
    x = jax.random.normal(ks[0], (N, D), dtype=jnp.float32)
    edge_index = jax.random.randint(ks[1], (2, E), 0, N, dtype=jnp.int32)
    W1 = jax.random.normal(ks[2], (D, HID), dtype=jnp.float32) * 0.05
    b1 = jnp.zeros((HID,), dtype=jnp.float32)
    W2 = jax.random.normal(ks[3], (HID, HID), dtype=jnp.float32) * 0.05
    b2 = jnp.zeros((HID,), dtype=jnp.float32)
    W3 = jax.random.normal(ks[4], (HID, HID), dtype=jnp.float32) * 0.05
    b3 = jnp.zeros((HID,), dtype=jnp.float32)
    Wout = jax.random.normal(ks[5], (HID, OUT), dtype=jnp.float32) * 0.05
    bout = jnp.zeros((OUT,), dtype=jnp.float32)
    return {"x": x, "edge_index": edge_index, "W1": W1, "b1": b1, "W2": W2, "b2": b2, "W3": W3, "b3": b3, "Wout": Wout, "bout": bout}


def _gcn_norm(edge_index, num_nodes, dtype):
    # gcn_norm with add_self_loops=True, improved=False
    row = edge_index[0]
    col = edge_index[1]
    loop = jnp.arange(num_nodes, dtype=row.dtype)
    row = jnp.concatenate([row, loop])
    col = jnp.concatenate([col, loop])
    ew = jnp.ones(row.shape[0], dtype=dtype)
    deg = jax.ops.segment_sum(ew, col, num_segments=num_nodes)
    deg_inv_sqrt = jnp.where(deg > 0, jax.lax.rsqrt(jnp.maximum(deg, 1e-12)), 0.0)
    norm = deg_inv_sqrt[row] * ew * deg_inv_sqrt[col]
    return row, col, norm


def reference(x, edge_index, W1, b1, W2, b2, W3, b3, Wout, bout):
    num_nodes = x.shape[0]
    row, col, norm = _gcn_norm(edge_index, num_nodes, x.dtype)
    h = x
    for W, b in ((W1, b1), (W2, b2), (W3, b3)):
        # GCNConv.forward: propagate (gather x_j * edge_weight, scatter-add at dst), then matmul weight + bias
        msg = h[row] * norm[:, None]
        agg = jax.ops.segment_sum(msg, col, num_segments=num_nodes)
        h = jax.nn.relu(jnp.matmul(agg, W) + b)
        # gnn_dropout=0.0 -> identity; gnn_emb_normalization=False
    # readout 'mean' with batch=zeros -> global mean pool over all nodes -> [1, HID]
    pooled = jnp.mean(h, axis=0, keepdims=True)
    out = jnp.matmul(pooled, Wout) + bout
    return out

if __name__ == "__main__":
    import jax
    _d = setup_inputs()
    print(jax.jit(kernel)(*tuple(_d.values())))

</pallas_src>

<mosaic_0001>
#map = affine_map<(d0, d1) -> (0, 0)>
#map1 = affine_map<(d0, d1) -> (0, 0, 0, 0)>
#map2 = affine_map<(d0, d1) -> (0, 0, 0)>
module attributes {stable_mosaic.version = 14 : i64} {
  func.func @edge_kernel(%arg0: i32, %arg1: i32, %arg2: memref<10240x128xf32, #tpu.memory_space<hbm>>, %arg3: memref<32x80x1x125xi32, #tpu.memory_space<hbm>>, %arg4: memref<32x80x1x125xi32, #tpu.memory_space<hbm>>, %arg5: memref<2x10240x128xf32, #tpu.memory_space<hbm>>, %arg6: memref<10240x128xf32, #tpu.memory_space<vmem_shared>>, %arg7: memref<1x125xi32, #tpu.memory_space<vmem>>, %arg8: memref<1x125xi32, #tpu.memory_space<vmem>>, %arg9: memref<1x125xi32, #tpu.memory_space<vmem>>, %arg10: memref<1x125xi32, #tpu.memory_space<vmem>>, %arg11: memref<125x128xf32, #tpu.memory_space<vmem>>, %arg12: memref<125x128xf32, #tpu.memory_space<vmem>>, %arg13: memref<!tpu.dma_semaphore, #tpu.memory_space<semaphore_mem>>, %arg14: memref<!tpu.dma_semaphore, #tpu.memory_space<semaphore_mem>>, %arg15: memref<!tpu.dma_semaphore, #tpu.memory_space<semaphore_mem>>, %arg16: memref<!tpu.dma_semaphore, #tpu.memory_space<semaphore_mem>>, %arg17: memref<!tpu.dma_semaphore, #tpu.memory_space<semaphore_mem>>, %arg18: memref<!tpu.dma_semaphore, #tpu.memory_space<semaphore_mem>>, %arg19: memref<!tpu.dma_semaphore, #tpu.memory_space<semaphore_mem>>, %arg20: memref<!tpu.dma_semaphore, #tpu.memory_space<semaphore_mem>>) attributes {dimension_semantics = [#tpu.dimension_semantics<core_parallel>, #tpu.dimension_semantics<subcore_parallel>], iteration_bounds = array<i64: 2, 16>, scalar_prefetch = 0 : i64, scratch_operands = 15 : i64, tpu.core_type = #tpu.core_type<sc_vector_subcore>, window_params = [{transform_indices = #map}, {transform_indices = #map1}, {transform_indices = #map1}, {transform_indices = #map2}]} {
    %mul3A = arith.constant 16 : i32
    %mul3A_0 = arith.muli %arg0, %mul3A : i32
    %add3A = arith.addi %mul3A_0, %arg1 : i32
    %broadcast_in_dim3A = arith.constant 0.000000e+00 : f32
    %broadcast_in_dim3A_1 = vector.broadcast %broadcast_in_dim3A : f32 to vector<16xf32>
    %dma_start3A = arith.constant 0 : i32
    %dma_start3A_2 = arith.constant 0 : i32
    %dma_start3A_3 = arith.constant 0 : i32
    %dma_start3A_4 = tpu.memref_slice %arg3[%add3A, %dma_start3A, %dma_start3A_2, %dma_start3A_3] : memref<32x80x1x125xi32, #tpu.memory_space<hbm>> -> memref<1x1x1x125xi32, #tpu.memory_space<hbm>>
    %dma_start3A_5 = tpu.memref_squeeze %dma_start3A_4 : memref<1x1x1x125xi32, #tpu.memory_space<hbm>> -> memref<1x125xi32, #tpu.memory_space<hbm>>
    %dma_start3A_6 = arith.constant 0 : i32
    %dma_start3A_7 = arith.constant 0 : i32
    %dma_start3A_8 = tpu.memref_slice %arg3[%add3A, %dma_start3A, %dma_start3A_6, %dma_start3A_7] : memref<32x80x1x125xi32, #tpu.memory_space<hbm>> -> memref<1x1x1x125xi32, #tpu.memory_space<hbm>>
    %dma_start3A_9 = tpu.memref_squeeze %dma_start3A_8 : memref<1x1x1x125xi32, #tpu.memory_space<hbm>> -> memref<1x125xi32, #tpu.memory_space<hbm>>
    tpu.enqueue_dma source(%dma_start3A_9 : memref<1x125xi32, #tpu.memory_space<hbm>>) target(%arg7 : memref<1x125xi32, #tpu.memory_space<vmem>>) target_semaphore(%arg13 : memref<!tpu.dma_semaphore, #tpu.memory_space<semaphore_mem>>)
    %dma_start3A_10 = arith.constant 0 : i32
    %dma_start3A_11 = arith.constant 0 : i32
    %dma_start3A_12 = arith.constant 0 : i32
    %dma_start3A_13 = tpu.memref_slice %arg4[%add3A, %dma_start3A_10, %dma_start3A_11, %dma_start3A_12] : memref<32x80x1x125xi32, #tpu.memory_space<hbm>> -> memref<1x1x1x125xi32, #tpu.memory_space<hbm>>
    %dma_start3A_14 = tpu.memref_squeeze %dma_start3A_13 : memref<1x1x1x125xi32, #tpu.memory_space<hbm>> -> memref<1x125xi32, #tpu.memory_space<hbm>>
    %dma_start3A_15 = arith.constant 0 : i32
    %dma_start3A_16 = arith.constant 0 : i32
    %dma_start3A_17 = tpu.memref_slice %arg4[%add3A, %dma_start3A_10, %dma_start3A_15, %dma_start3A_16] : memref<32x80x1x125xi32, #tpu.memory_space<hbm>> -> memref<1x1x1x125xi32, #tpu.memory_space<hbm>>
    %dma_start3A_18 = tpu.memref_squeeze %dma_start3A_17 : memref<1x1x1x125xi32, #tpu.memory_space<hbm>> -> memref<1x125xi32, #tpu.memory_space<hbm>>
    tpu.enqueue_dma source(%dma_start3A_18 : memref<1x125xi32, #tpu.memory_space<hbm>>) target(%arg9 : memref<1x125xi32, #tpu.memory_space<vmem>>) target_semaphore(%arg15 : memref<!tpu.dma_semaphore, #tpu.memory_space<semaphore_mem>>)
    %dma_start3A_19 = arith.constant 1 : i32
    %dma_start3A_20 = arith.constant 0 : i32
    %dma_start3A_21 = arith.constant 0 : i32
    %dma_start3A_22 = tpu.memref_slice %arg3[%add3A, %dma_start3A_19, %dma_start3A_20, %dma_start3A_21] : memref<32x80x1x125xi32, #tpu.memory_space<hbm>> -> memref<1x1x1x125xi32, #tpu.memory_space<hbm>>
    %dma_start3A_23 = tpu.memref_squeeze %dma_start3A_22 : memref<1x1x1x125xi32, #tpu.memory_space<hbm>> -> memref<1x125xi32, #tpu.memory_space<hbm>>
    %dma_start3A_24 = arith.constant 0 : i32
    %dma_start3A_25 = arith.constant 0 : i32
    %dma_start3A_26 = tpu.memref_slice %arg3[%add3A, %dma_start3A_19, %dma_start3A_24, %dma_start3A_25] : memref<32x80x1x125xi32, #tpu.memory_space<hbm>> -> memref<1x1x1x125xi32, #tpu.memory_space<hbm>>
    %dma_start3A_27 = tpu.memref_squeeze %dma_start3A_26 : memref<1x1x1x125xi32, #tpu.memory_space<hbm>> -> memref<1x125xi32, #tpu.memory_space<hbm>>
    tpu.enqueue_dma source(%dma_start3A_27 : memref<1x125xi32, #tpu.memory_space<hbm>>) target(%arg8 : memref<1x125xi32, #tpu.memory_space<vmem>>) target_semaphore(%arg14 : memref<!tpu.dma_semaphore, #tpu.memory_space<semaphore_mem>>)
    %dma_start3A_28 = arith.constant 1 : i32
    %dma_start3A_29 = arith.constant 0 : i32
    %dma_start3A_30 = arith.constant 0 : i32
    %dma_start3A_31 = tpu.memref_slice %arg4[%add3A, %dma_start3A_28, %dma_start3A_29, %dma_start3A_30] : memref<32x80x1x125xi32, #tpu.memory_space<hbm>> -> memref<1x1x1x125xi32, #tpu.memory_space<hbm>>
    %dma_start3A_32 = tpu.memref_squeeze %dma_start3A_31 : memref<1x1x1x125xi32, #tpu.memory_space<hbm>> -> memref<1x125xi32, #tpu.memory_space<hbm>>
    %dma_start3A_33 = arith.constant 0 : i32
    %dma_start3A_34 = arith.constant 0 : i32
    %dma_start3A_35 = tpu.memref_slice %arg4[%add3A, %dma_start3A_28, %dma_start3A_33, %dma_start3A_34] : memref<32x80x1x125xi32, #tpu.memory_space<hbm>> -> memref<1x1x1x125xi32, #tpu.memory_space<hbm>>
    %dma_start3A_36 = tpu.memref_squeeze %dma_start3A_35 : memref<1x1x1x125xi32, #tpu.memory_space<hbm>> -> memref<1x125xi32, #tpu.memory_space<hbm>>
    tpu.enqueue_dma source(%dma_start3A_36 : memref<1x125xi32, #tpu.memory_space<hbm>>) target(%arg10 : memref<1x125xi32, #tpu.memory_space<vmem>>) target_semaphore(%arg16 : memref<!tpu.dma_semaphore, #tpu.memory_space<semaphore_mem>>)
    %scan3A = arith.constant 0 : i32
    %scan3A_37 = arith.constant 0 : i32
    %scan3A_38 = arith.constant 125 : i32
    %scan3A_39 = arith.addi %scan3A_37, %scan3A_38 : i32
    %scan3A_40 = arith.constant 1 : i32
    %scan3A_41 = scf.for %scan3A_112 = %scan3A_37 to %scan3A_39 step %scan3A_40 iter_args(%scan3A_113 = %scan3A) -> (i32)  : i32 {
      %swap3A = arith.index_cast %scan3A_112 : i32 to index
      %swap3A_114 = arith.constant 0 : index
      %swap3A_115 = tpu.vector_load %arg11[%swap3A, %swap3A_114] {strides = array<i32>} : memref<125x128xf32, #tpu.memory_space<vmem>>, vector<1x16xf32>,
      %swap3A_116 = vector.shape_cast %swap3A_115 : vector<1x16xf32> to vector<16xf32>
      %swap3A_117 = vector.shape_cast %broadcast_in_dim3A_1 : vector<16xf32> to vector<1x16xf32>
      tpu.vector_store %arg11[%swap3A, %swap3A_114], %swap3A_117 {strides = array<i32>} : memref<125x128xf32, #tpu.memory_space<vmem>>, vector<1x16xf32>,
      %swap3A_118 = arith.index_cast %scan3A_112 : i32 to index
      %swap3A_119 = arith.constant 16 : index
      %swap3A_120 = tpu.vector_load %arg11[%swap3A_118, %swap3A_119] {strides = array<i32>} : memref<125x128xf32, #tpu.memory_space<vmem>>, vector<1x16xf32>,
      %swap3A_121 = vector.shape_cast %swap3A_120 : vector<1x16xf32> to vector<16xf32>
      %swap3A_122 = vector.shape_cast %broadcast_in_dim3A_1 : vector<16xf32> to vector<1x16xf32>
      tpu.vector_store %arg11[%swap3A_118, %swap3A_119], %swap3A_122 {strides = array<i32>} : memref<125x128xf32, #tpu.memory_space<vmem>>, vector<1x16xf32>,
      %swap3A_123 = arith.index_cast %scan3A_112 : i32 to index
      %swap3A_124 = arith.constant 32 : index
      %swap3A_125 = tpu.vector_load %arg11[%swap3A_123, %swap3A_124] {strides = array<i32>} : memref<125x128xf32, #tpu.memory_space<vmem>>, vector<1x16xf32>,
      %swap3A_126 = vector.shape_cast %swap3A_125 : vector<1x16xf32> to vector<16xf32>
      %swap3A_127 = vector.shape_cast %broadcast_in_dim3A_1 : vector<16xf32> to vector<1x16xf32>
      tpu.vector_store %arg11[%swap3A_123, %swap3A_124], %swap3A_127 {strides = array<i32>} : memref<125x128xf32, #tpu.memory_space<vmem>>, vector<1x16xf32>,
      %swap3A_128 = arith.index_cast %scan3A_112 : i32 to index
      %swap3A_129 = arith.constant 48 : index
      %swap3A_130 = tpu.vector_load %arg11[%swap3A_128, %swap3A_129] {strides = array<i32>} : memref<125x128xf32, #tpu.memory_space<vmem>>, vector<1x16xf32>,
      %swap3A_131 = vector.shape_cast %swap3A_130 : vector<1x16xf32> to vector<16xf32>
      %swap3A_132 = vector.shape_cast %broadcast_in_dim3A_1 : vector<16xf32> to vector<1x16xf32>
      tpu.vector_store %arg11[%swap3A_128, %swap3A_129], %swap3A_132 {strides = array<i32>} : memref<125x128xf32, #tpu.memory_space<vmem>>, vector<1x16xf32>,
      %swap3A_133 = arith.index_cast %scan3A_112 : i32 to index
      %swap3A_134 = arith.constant 64 : index
      %swap3A_135 = tpu.vector_load %arg11[%swap3A_133, %swap3A_134] {strides = array<i32>} : memref<125x128xf32, #tpu.memory_space<vmem>>, vector<1x16xf32>,
      %swap3A_136 = vector.shape_cast %swap3A_135 : vector<1x16xf32> to vector<16xf32>
      %swap3A_137 = vector.shape_cast %broadcast_in_dim3A_1 : vector<16xf32> to vector<1x16xf32>
      tpu.vector_store %arg11[%swap3A_133, %swap3A_134], %swap3A_137 {strides = array<i32>} : memref<125x128xf32, #tpu.memory_space<vmem>>, vector<1x16xf32>,
      %swap3A_138 = arith.index_cast %scan3A_112 : i32 to index
      %swap3A_139 = arith.constant 80 : index
      %swap3A_140 = tpu.vector_load %arg11[%swap3A_138, %swap3A_139] {strides = array<i32>} : memref<125x128xf32, #tpu.memory_space<vmem>>, vector<1x16xf32>,
      %swap3A_141 = vector.shape_cast %swap3A_140 : vector<1x16xf32> to vector<16xf32>
      %swap3A_142 = vector.shape_cast %broadcast_in_dim3A_1 : vector<16xf32> to vector<1x16xf32>
      tpu.vector_store %arg11[%swap3A_138, %swap3A_139], %swap3A_142 {strides = array<i32>} : memref<125x128xf32, #tpu.memory_space<vmem>>, vector<1x16xf32>,
      %swap3A_143 = arith.index_cast %scan3A_112 : i32 to index
      %swap3A_144 = arith.constant 96 : index
      %swap3A_145 = tpu.vector_load %arg11[%swap3A_143, %swap3A_144] {strides = array<i32>} : memref<125x128xf32, #tpu.memory_space<vmem>>, vector<1x16xf32>,
      %swap3A_146 = vector.shape_cast %swap3A_145 : vector<1x16xf32> to vector<16xf32>
      %swap3A_147 = vector.shape_cast %broadcast_in_dim3A_1 : vector<16xf32> to vector<1x16xf32>
      tpu.vector_store %arg11[%swap3A_143, %swap3A_144], %swap3A_147 {strides = array<i32>} : memref<125x128xf32, #tpu.memory_space<vmem>>, vector<1x16xf32>,
      %swap3A_148 = arith.index_cast %scan3A_112 : i32 to index
      %swap3A_149 = arith.constant 112 : index
      %swap3A_150 = tpu.vector_load %arg11[%swap3A_148, %swap3A_149] {strides = array<i32>} : memref<125x128xf32, #tpu.memory_space<vmem>>, vector<1x16xf32>,
      %swap3A_151 = vector.shape_cast %swap3A_150 : vector<1x16xf32> to vector<16xf32>
      %swap3A_152 = vector.shape_cast %broadcast_in_dim3A_1 : vector<16xf32> to vector<1x16xf32>
      tpu.vector_store %arg11[%swap3A_148, %swap3A_149], %swap3A_152 {strides = array<i32>} : memref<125x128xf32, #tpu.memory_space<vmem>>, vector<1x16xf32>,
      %scan3A_153 = arith.constant 0 : i32
      scf.yield %scan3A_153 : i32
    }
    %scan3A_42 = arith.constant 125 : i32
    %dma_wait3A = arith.constant 0 : i32
    %dma_wait3A_43 = arith.constant 0 : i32
    %dma_wait3A_44 = arith.constant 0 : i32
    %dma_wait3A_45 = arith.constant 0 : i32
    %dma_wait3A_46 = tpu.memref_slice %arg3[%dma_wait3A, %dma_wait3A_43, %dma_wait3A_44, %dma_wait3A_45] : memref<32x80x1x125xi32, #tpu.memory_space<hbm>> -> memref<1x1x1x125xi32, #tpu.memory_space<hbm>>
    %dma_wait3A_47 = tpu.memref_squeeze %dma_wait3A_46 : memref<1x1x1x125xi32, #tpu.memory_space<hbm>> -> memref<1x125xi32, #tpu.memory_space<hbm>>
    %dma_wait3A_48 = arith.constant 0 : i32
    %dma_wait3A_49 = arith.constant 0 : i32
    %dma_wait3A_50 = tpu.memref_slice %arg3[%dma_wait3A, %dma_wait3A_43, %dma_wait3A_48, %dma_wait3A_49] : memref<32x80x1x125xi32, #tpu.memory_space<hbm>> -> memref<1x1x1x125xi32, #tpu.memory_space<hbm>>
    %dma_wait3A_51 = tpu.memref_squeeze %dma_wait3A_50 : memref<1x1x1x125xi32, #tpu.memory_space<hbm>> -> memref<1x125xi32, #tpu.memory_space<hbm>>
    tpu.wait_dma2 semaphore(%arg14 : memref<!tpu.dma_semaphore, #tpu.memory_space<semaphore_mem>>) src(%dma_wait3A_51 : memref<1x125xi32, #tpu.memory_space<hbm>>) dst(%arg8 : memref<1x125xi32, #tpu.memory_space<vmem>>)
    %dma_start3A_52 = arith.constant 0 : i32
    %dma_start3A_53 = arith.constant 0 : i32
    %dma_start3A_54 = tpu.memref_slice %arg8[%dma_start3A_52, %dma_start3A_53] : memref<1x125xi32, #tpu.memory_space<vmem>> -> memref<1x125xi32, #tpu.memory_space<vmem>>
    %dma_start3A_55 = tpu.memref_squeeze %dma_start3A_54 : memref<1x125xi32, #tpu.memory_space<vmem>> -> memref<125xi32, #tpu.memory_space<vmem>>
    %dma_start3A_56 = arith.constant 0 : i32
    %dma_start3A_57 = arith.constant 0 : i32
    %dma_start3A_58 = tpu.memref_slice %arg2[%dma_start3A_56, %dma_start3A_57] : memref<10240x128xf32, #tpu.memory_space<hbm>> -> memref<10240x128xf32, #tpu.memory_space<hbm>>
    tpu.enqueue_indirect_dma source(%dma_start3A_58 : memref<10240x128xf32, #tpu.memory_space<hbm>>) target(%arg12 : memref<125x128xf32, #tpu.memory_space<vmem>>) offsets(%dma_start3A_55 : memref<125xi32, #tpu.memory_space<vmem>>) semaphore(%arg18 : memref<!tpu.dma_semaphore, #tpu.memory_space<semaphore_mem>>)
    %mul3A_59 = arith.constant 640 : i32
    %mul3A_60 = arith.muli %arg1, %mul3A_59 : i32
    %add3A_61 = arith.constant 0 : i32
    %add3A_62 = arith.addi %mul3A_60, %add3A_61 : i32
    "tpu.region"() ({
      %run_scoped3A = tpu.sem_alloc : memref<!tpu.dma_semaphore, #tpu.memory_space<semaphore_mem>>
      %dma_start3A_112 = arith.constant 0 : i32
      %dma_start3A_113 = tpu.memref_slice %arg6[%add3A_62, %dma_start3A_112] : memref<10240x128xf32, #tpu.memory_space<vmem_shared>> -> memref<125x128xf32, #tpu.memory_space<vmem_shared>>
      %dma_start3A_114 = arith.constant 0 : i32
      %dma_start3A_115 = tpu.memref_slice %arg6[%add3A_62, %dma_start3A_114] : memref<10240x128xf32, #tpu.memory_space<vmem_shared>> -> memref<125x128xf32, #tpu.memory_space<vmem_shared>>
      tpu.enqueue_dma source(%arg11 : memref<125x128xf32, #tpu.memory_space<vmem>>) target(%dma_start3A_115 : memref<125x128xf32, #tpu.memory_space<vmem_shared>>) target_semaphore(%run_scoped3A : memref<!tpu.dma_semaphore, #tpu.memory_space<semaphore_mem>>)
      %dma_wait3A_116 = arith.constant 0 : i32
      %dma_wait3A_117 = tpu.memref_slice %arg6[%add3A_62, %dma_wait3A_116] : memref<10240x128xf32, #tpu.memory_space<vmem_shared>> -> memref<125x128xf32, #tpu.memory_space<vmem_shared>>
      %dma_wait3A_118 = arith.constant 0 : i32
      %dma_wait3A_119 = tpu.memref_slice %arg6[%add3A_62, %dma_wait3A_118] : memref<10240x128xf32, #tpu.memory_space<vmem_shared>> -> memref<125x128xf32, #tpu.memory_space<vmem_shared>>
      tpu.wait_dma2 semaphore(%run_scoped3A : memref<!tpu.dma_semaphore, #tpu.memory_space<semaphore_mem>>) src(%arg11 : memref<125x128xf32, #tpu.memory_space<vmem>>) dst(%dma_wait3A_119 : memref<125x128xf32, #tpu.memory_space<vmem_shared>>)
      tpu.yield
    }) : () -> ()
    %mul3A_63 = arith.constant 640 : i32
    %mul3A_64 = arith.muli %arg1, %mul3A_63 : i32
    %add3A_65 = arith.constant 125 : i32
    %add3A_66 = arith.addi %mul3A_64, %add3A_65 : i32
    "tpu.region"() ({
      %run_scoped3A = tpu.sem_alloc : memref<!tpu.dma_semaphore, #tpu.memory_space<semaphore_mem>>
      %dma_start3A_112 = arith.constant 0 : i32
      %dma_start3A_113 = tpu.memref_slice %arg6[%add3A_66, %dma_start3A_112] : memref<10240x128xf32, #tpu.memory_space<vmem_shared>> -> memref<125x128xf32, #tpu.memory_space<vmem_shared>>
      %dma_start3A_114 = arith.constant 0 : i32
      %dma_start3A_115 = tpu.memref_slice %arg6[%add3A_66, %dma_start3A_114] : memref<10240x128xf32, #tpu.memory_space<vmem_shared>> -> memref<125x128xf32, #tpu.memory_space<vmem_shared>>
      tpu.enqueue_dma source(%arg11 : memref<125x128xf32, #tpu.memory_space<vmem>>) target(%dma_start3A_115 : memref<125x128xf32, #tpu.memory_space<vmem_shared>>) target_semaphore(%run_scoped3A : memref<!tpu.dma_semaphore, #tpu.memory_space<semaphore_mem>>)
      %dma_wait3A_116 = arith.constant 0 : i32
      %dma_wait3A_117 = tpu.memref_slice %arg6[%add3A_66, %dma_wait3A_116] : memref<10240x128xf32, #tpu.memory_space<vmem_shared>> -> memref<125x128xf32, #tpu.memory_space<vmem_shared>>
      %dma_wait3A_118 = arith.constant 0 : i32
      %dma_wait3A_119 = tpu.memref_slice %arg6[%add3A_66, %dma_wait3A_118] : memref<10240x128xf32, #tpu.memory_space<vmem_shared>> -> memref<125x128xf32, #tpu.memory_space<vmem_shared>>
      tpu.wait_dma2 semaphore(%run_scoped3A : memref<!tpu.dma_semaphore, #tpu.memory_space<semaphore_mem>>) src(%arg11 : memref<125x128xf32, #tpu.memory_space<vmem>>) dst(%dma_wait3A_119 : memref<125x128xf32, #tpu.memory_space<vmem_shared>>)
      tpu.yield
    }) : () -> ()
    %mul3A_67 = arith.constant 640 : i32
    %mul3A_68 = arith.muli %arg1, %mul3A_67 : i32
    %add3A_69 = arith.constant 250 : i32
    %add3A_70 = arith.addi %mul3A_68, %add3A_69 : i32
    "tpu.region"() ({
      %run_scoped3A = tpu.sem_alloc : memref<!tpu.dma_semaphore, #tpu.memory_space<semaphore_mem>>
      %dma_start3A_112 = arith.constant 0 : i32
      %dma_start3A_113 = tpu.memref_slice %arg6[%add3A_70, %dma_start3A_112] : memref<10240x128xf32, #tpu.memory_space<vmem_shared>> -> memref<125x128xf32, #tpu.memory_space<vmem_shared>>
      %dma_start3A_114 = arith.constant 0 : i32
      %dma_start3A_115 = tpu.memref_slice %arg6[%add3A_70, %dma_start3A_114] : memref<10240x128xf32, #tpu.memory_space<vmem_shared>> -> memref<125x128xf32, #tpu.memory_space<vmem_shared>>
      tpu.enqueue_dma source(%arg11 : memref<125x128xf32, #tpu.memory_space<vmem>>) target(%dma_start3A_115 : memref<125x128xf32, #tpu.memory_space<vmem_shared>>) target_semaphore(%run_scoped3A : memref<!tpu.dma_semaphore, #tpu.memory_space<semaphore_mem>>)
      %dma_wait3A_116 = arith.constant 0 : i32
      %dma_wait3A_117 = tpu.memref_slice %arg6[%add3A_70, %dma_wait3A_116] : memref<10240x128xf32, #tpu.memory_space<vmem_shared>> -> memref<125x128xf32, #tpu.memory_space<vmem_shared>>
      %dma_wait3A_118 = arith.constant 0 : i32
      %dma_wait3A_119 = tpu.memref_slice %arg6[%add3A_70, %dma_wait3A_118] : memref<10240x128xf32, #tpu.memory_space<vmem_shared>> -> memref<125x128xf32, #tpu.memory_space<vmem_shared>>
      tpu.wait_dma2 semaphore(%run_scoped3A : memref<!tpu.dma_semaphore, #tpu.memory_space<semaphore_mem>>) src(%arg11 : memref<125x128xf32, #tpu.memory_space<vmem>>) dst(%dma_wait3A_119 : memref<125x128xf32, #tpu.memory_space<vmem_shared>>)
      tpu.yield
    }) : () -> ()
    %mul3A_71 = arith.constant 640 : i32
    %mul3A_72 = arith.muli %arg1, %mul3A_71 : i32
    %add3A_73 = arith.constant 375 : i32
    %add3A_74 = arith.addi %mul3A_72, %add3A_73 : i32
    "tpu.region"() ({
      %run_scoped3A = tpu.sem_alloc : memref<!tpu.dma_semaphore, #tpu.memory_space<semaphore_mem>>
      %dma_start3A_112 = arith.constant 0 : i32
      %dma_start3A_113 = tpu.memref_slice %arg6[%add3A_74, %dma_start3A_112] : memref<10240x128xf32, #tpu.memory_space<vmem_shared>> -> memref<125x128xf32, #tpu.memory_space<vmem_shared>>
      %dma_start3A_114 = arith.constant 0 : i32
      %dma_start3A_115 = tpu.memref_slice %arg6[%add3A_74, %dma_start3A_114] : memref<10240x128xf32, #tpu.memory_space<vmem_shared>> -> memref<125x128xf32, #tpu.memory_space<vmem_shared>>
      tpu.enqueue_dma source(%arg11 : memref<125x128xf32, #tpu.memory_space<vmem>>) target(%dma_start3A_115 : memref<125x128xf32, #tpu.memory_space<vmem_shared>>) target_semaphore(%run_scoped3A : memref<!tpu.dma_semaphore, #tpu.memory_space<semaphore_mem>>)
      %dma_wait3A_116 = arith.constant 0 : i32
      %dma_wait3A_117 = tpu.memref_slice %arg6[%add3A_74, %dma_wait3A_116] : memref<10240x128xf32, #tpu.memory_space<vmem_shared>> -> memref<125x128xf32, #tpu.memory_space<vmem_shared>>
      %dma_wait3A_118 = arith.constant 0 : i32
      %dma_wait3A_119 = tpu.memref_slice %arg6[%add3A_74, %dma_wait3A_118] : memref<10240x128xf32, #tpu.memory_space<vmem_shared>> -> memref<125x128xf32, #tpu.memory_space<vmem_shared>>
      tpu.wait_dma2 semaphore(%run_scoped3A : memref<!tpu.dma_semaphore, #tpu.memory_space<semaphore_mem>>) src(%arg11 : memref<125x128xf32, #tpu.memory_space<vmem>>) dst(%dma_wait3A_119 : memref<125x128xf32, #tpu.memory_space<vmem_shared>>)
      tpu.yield
    }) : () -> ()
    %mul3A_75 = arith.constant 640 : i32
    %mul3A_76 = arith.muli %arg1, %mul3A_75 : i32
    %add3A_77 = arith.constant 500 : i32
    %add3A_78 = arith.addi %mul3A_76, %add3A_77 : i32
    "tpu.region"() ({
      %run_scoped3A = tpu.sem_alloc : memref<!tpu.dma_semaphore, #tpu.memory_space<semaphore_mem>>
      %dma_start3A_112 = arith.constant 0 : i32
      %dma_start3A_113 = tpu.memref_slice %arg6[%add3A_78, %dma_start3A_112] : memref<10240x128xf32, #tpu.memory_space<vmem_shared>> -> memref<125x128xf32, #tpu.memory_space<vmem_shared>>
      %dma_start3A_114 = arith.constant 0 : i32
      %dma_start3A_115 = tpu.memref_slice %arg6[%add3A_78, %dma_start3A_114] : memref<10240x128xf32, #tpu.memory_space<vmem_shared>> -> memref<125x128xf32, #tpu.memory_space<vmem_shared>>
      tpu.enqueue_dma source(%arg11 : memref<125x128xf32, #tpu.memory_space<vmem>>) target(%dma_start3A_115 : memref<125x128xf32, #tpu.memory_space<vmem_shared>>) target_semaphore(%run_scoped3A : memref<!tpu.dma_semaphore, #tpu.memory_space<semaphore_mem>>)
      %dma_wait3A_116 = arith.constant 0 : i32
      %dma_wait3A_117 = tpu.memref_slice %arg6[%add3A_78, %dma_wait3A_116] : memref<10240x128xf32, #tpu.memory_space<vmem_shared>> -> memref<125x128xf32, #tpu.memory_space<vmem_shared>>
      %dma_wait3A_118 = arith.constant 0 : i32
      %dma_wait3A_119 = tpu.memref_slice %arg6[%add3A_78, %dma_wait3A_118] : memref<10240x128xf32, #tpu.memory_space<vmem_shared>> -> memref<125x128xf32, #tpu.memory_space<vmem_shared>>
      tpu.wait_dma2 semaphore(%run_scoped3A : memref<!tpu.dma_semaphore, #tpu.memory_space<semaphore_mem>>) src(%arg11 : memref<125x128xf32, #tpu.memory_space<vmem>>) dst(%dma_wait3A_119 : memref<125x128xf32, #tpu.memory_space<vmem_shared>>)
      tpu.yield
    }) : () -> ()
    %mul3A_79 = arith.constant 640 : i32
    %mul3A_80 = arith.muli %arg1, %mul3A_79 : i32
    %add3A_81 = arith.constant 625 : i32
    %add3A_82 = arith.addi %mul3A_80, %add3A_81 : i32
    "tpu.region"() ({
      %run_scoped3A = tpu.sem_alloc : memref<!tpu.dma_semaphore, #tpu.memory_space<semaphore_mem>>
      %dma_start3A_112 = arith.constant 0 : i32
      %dma_start3A_113 = arith.constant 0 : i32
      %dma_start3A_114 = tpu.memref_slice %arg11[%dma_start3A_112, %dma_start3A_113] : memref<125x128xf32, #tpu.memory_space<vmem>> -> memref<15x128xf32, #tpu.memory_space<vmem>>
      %dma_start3A_115 = arith.constant 0 : i32
      %dma_start3A_116 = tpu.memref_slice %arg6[%add3A_82, %dma_start3A_115] : memref<10240x128xf32, #tpu.memory_space<vmem_shared>> -> memref<15x128xf32, #tpu.memory_space<vmem_shared>>
      %dma_start3A_117 = arith.constant 0 : i32
      %dma_start3A_118 = tpu.memref_slice %arg6[%add3A_82, %dma_start3A_117] : memref<10240x128xf32, #tpu.memory_space<vmem_shared>> -> memref<15x128xf32, #tpu.memory_space<vmem_shared>>
      %dma_start3A_119 = arith.constant 0 : i32
      %dma_start3A_120 = arith.constant 0 : i32
      %dma_start3A_121 = tpu.memref_slice %arg11[%dma_start3A_119, %dma_start3A_120] : memref<125x128xf32, #tpu.memory_space<vmem>> -> memref<15x128xf32, #tpu.memory_space<vmem>>
      tpu.enqueue_dma source(%dma_start3A_121 : memref<15x128xf32, #tpu.memory_space<vmem>>) target(%dma_start3A_118 : memref<15x128xf32, #tpu.memory_space<vmem_shared>>) target_semaphore(%run_scoped3A : memref<!tpu.dma_semaphore, #tpu.memory_space<semaphore_mem>>)
      %dma_wait3A_122 = arith.constant 0 : i32
      %dma_wait3A_123 = arith.constant 0 : i32
      %dma_wait3A_124 = tpu.memref_slice %arg11[%dma_wait3A_122, %dma_wait3A_123] : memref<125x128xf32, #tpu.memory_space<vmem>> -> memref<15x128xf32, #tpu.memory_space<vmem>>
      %dma_wait3A_125 = arith.constant 0 : i32
      %dma_wait3A_126 = tpu.memref_slice %arg6[%add3A_82, %dma_wait3A_125] : memref<10240x128xf32, #tpu.memory_space<vmem_shared>> -> memref<15x128xf32, #tpu.memory_space<vmem_shared>>
      %dma_wait3A_127 = arith.constant 0 : i32
      %dma_wait3A_128 = tpu.memref_slice %arg6[%add3A_82, %dma_wait3A_127] : memref<10240x128xf32, #tpu.memory_space<vmem_shared>> -> memref<15x128xf32, #tpu.memory_space<vmem_shared>>
      %dma_wait3A_129 = arith.constant 0 : i32
      %dma_wait3A_130 = arith.constant 0 : i32
      %dma_wait3A_131 = tpu.memref_slice %arg11[%dma_wait3A_129, %dma_wait3A_130] : memref<125x128xf32, #tpu.memory_space<vmem>> -> memref<15x128xf32, #tpu.memory_space<vmem>>
      tpu.wait_dma2 semaphore(%run_scoped3A : memref<!tpu.dma_semaphore, #tpu.memory_space<semaphore_mem>>) src(%dma_wait3A_131 : memref<15x128xf32, #tpu.memory_space<vmem>>) dst(%dma_wait3A_128 : memref<15x128xf32, #tpu.memory_space<vmem_shared>>)
      tpu.yield
    }) : () -> ()
    %dma_wait3A_83 = arith.constant 0 : i32
    %dma_wait3A_84 = arith.constant 0 : i32
    %dma_wait3A_85 = arith.constant 0 : i32
    %dma_wait3A_86 = arith.constant 0 : i32
    %dma_wait3A_87 = tpu.memref_slice %arg3[%dma_wait3A_83, %dma_wait3A_84, %dma_wait3A_85, %dma_wait3A_86] : memref<32x80x1x125xi32, #tpu.memory_space<hbm>> -> memref<1x1x1x125xi32, #tpu.memory_space<hbm>>
    %dma_wait3A_88 = tpu.memref_squeeze %dma_wait3A_87 : memref<1x1x1x125xi32, #tpu.memory_space<hbm>> -> memref<1x125xi32, #tpu.memory_space<hbm>>
    %dma_wait3A_89 = arith.constant 0 : i32
    %dma_wait3A_90 = arith.constant 0 : i32
    %dma_wait3A_91 = tpu.memref_slice %arg3[%dma_wait3A_83, %dma_wait3A_84, %dma_wait3A_89, %dma_wait3A_90] : memref<32x80x1x125xi32, #tpu.memory_space<hbm>> -> memref<1x1x1x125xi32, #tpu.memory_space<hbm>>
    %dma_wait3A_92 = tpu.memref_squeeze %dma_wait3A_91 : memref<1x1x1x125xi32, #tpu.memory_space<hbm>> -> memref<1x125xi32, #tpu.memory_space<hbm>>
    tpu.wait_dma2 semaphore(%arg13 : memref<!tpu.dma_semaphore, #tpu.memory_space<semaphore_mem>>) src(%dma_wait3A_92 : memref<1x125xi32, #tpu.memory_space<hbm>>) dst(%arg7 : memref<1x125xi32, #tpu.memory_space<vmem>>)
    %dma_start3A_93 = arith.constant 0 : i32
    %dma_start3A_94 = arith.constant 0 : i32
    %dma_start3A_95 = tpu.memref_slice %arg7[%dma_start3A_93, %dma_start3A_94] : memref<1x125xi32, #tpu.memory_space<vmem>> -> memref<1x125xi32, #tpu.memory_space<vmem>>
    %dma_start3A_96 = tpu.memref_squeeze %dma_start3A_95 : memref<1x125xi32, #tpu.memory_space<vmem>> -> memref<125xi32, #tpu.memory_space<vmem>>
    %dma_start3A_97 = arith.constant 0 : i32
    %dma_start3A_98 = arith.constant 0 : i32
    %dma_start3A_99 = tpu.memref_slice %arg2[%dma_start3A_97, %dma_start3A_98] : memref<10240x128xf32, #tpu.memory_space<hbm>> -> memref<10240x128xf32, #tpu.memory_space<hbm>>
    tpu.enqueue_indirect_dma source(%dma_start3A_99 : memref<10240x128xf32, #tpu.memory_space<hbm>>) target(%arg11 : memref<125x128xf32, #tpu.memory_space<vmem>>) offsets(%dma_start3A_96 : memref<125xi32, #tpu.memory_space<vmem>>) semaphore(%arg17 : memref<!tpu.dma_semaphore, #tpu.memory_space<semaphore_mem>>)
    %barrier3A = arith.constant 0 : index
    tpu.barrier barrier_id(%barrier3A)
    %scan3A_100 = arith.constant 0 : i32
    %scan3A_101 = arith.constant 0 : i32
    %scan3A_102 = arith.constant 40 : i32
    %scan3A_103 = arith.addi %scan3A_101, %scan3A_102 : i32
    %scan3A_104 = arith.constant 1 : i32
    %scan3A_105 = scf.for %scan3A_112 = %scan3A_101 to %scan3A_103 step %scan3A_104 iter_args(%scan3A_113 = %scan3A_100) -> (i32)  : i32 {
      %dma_wait3A_114 = arith.constant 0 : i32
      %dma_wait3A_115 = arith.constant 0 : i32
      %dma_wait3A_116 = tpu.memref_slice %arg7[%dma_wait3A_114, %dma_wait3A_115] : memref<1x125xi32, #tpu.memory_space<vmem>> -> memref<1x125xi32, #tpu.memory_space<vmem>>
      %dma_wait3A_117 = tpu.memref_squeeze %dma_wait3A_116 : memref<1x125xi32, #tpu.memory_space<vmem>> -> memref<125xi32, #tpu.memory_space<vmem>>
      %dma_wait3A_118 = arith.constant 0 : i32
      %dma_wait3A_119 = arith.constant 0 : i32
      %dma_wait3A_120 = tpu.memref_slice %arg2[%dma_wait3A_118, %dma_wait3A_119] : memref<10240x128xf32, #tpu.memory_space<hbm>> -> memref<10240x128xf32, #tpu.memory_space<hbm>>
      tpu.wait_indirect_dma semaphore(%arg17 : memref<!tpu.dma_semaphore, #tpu.memory_space<semaphore_mem>>) src(%dma_wait3A_120 : memref<10240x128xf32, #tpu.memory_space<hbm>>) dst(%arg11 : memref<125x128xf32, #tpu.memory_space<vmem>>)
      %lt3A = arith.constant 39 : i32
      %lt3A_121 = arith.cmpi slt, %scan3A_112, %lt3A : i32
      %convert_element_type3A = arith.extui %lt3A_121 : i1 to i32
      %cond3A = arith.constant 0 : i32
      %cond3A_122 = arith.cmpi ne, %convert_element_type3A, %cond3A : i32
      scf.if %cond3A_122 {
        %mul3A_194 = arith.constant 2 : i32
        %mul3A_195 = arith.muli %mul3A_194, %scan3A_112 : i32
        %add3A_196 = arith.constant 2 : i32
        %add3A_197 = arith.addi %mul3A_195, %add3A_196 : i32
        %dma_start3A_198 = arith.constant 0 : i32
        %dma_start3A_199 = arith.constant 0 : i32
        %dma_start3A_200 = tpu.memref_slice %arg3[%add3A, %add3A_197, %dma_start3A_198, %dma_start3A_199] : memref<32x80x1x125xi32, #tpu.memory_space<hbm>> -> memref<1x1x1x125xi32, #tpu.memory_space<hbm>>
        %dma_start3A_201 = tpu.memref_squeeze %dma_start3A_200 : memref<1x1x1x125xi32, #tpu.memory_space<hbm>> -> memref<1x125xi32, #tpu.memory_space<hbm>>
        %dma_start3A_202 = arith.constant 0 : i32
        %dma_start3A_203 = arith.constant 0 : i32
        %dma_start3A_204 = tpu.memref_slice %arg3[%add3A, %add3A_197, %dma_start3A_202, %dma_start3A_203] : memref<32x80x1x125xi32, #tpu.memory_space<hbm>> -> memref<1x1x1x125xi32, #tpu.memory_space<hbm>>
        %dma_start3A_205 = tpu.memref_squeeze %dma_start3A_204 : memref<1x1x1x125xi32, #tpu.memory_space<hbm>> -> memref<1x125xi32, #tpu.memory_space<hbm>>
        tpu.enqueue_dma source(%dma_start3A_205 : memref<1x125xi32, #tpu.memory_space<hbm>>) target(%arg7 : memref<1x125xi32, #tpu.memory_space<vmem>>) target_semaphore(%arg13 : memref<!tpu.dma_semaphore, #tpu.memory_space<semaphore_mem>>)
      } else {
      }
      %dma_wait3A_123 = arith.constant 0 : i32
      %dma_wait3A_124 = arith.constant 0 : i32
      %dma_wait3A_125 = arith.constant 0 : i32
      %dma_wait3A_126 = arith.constant 0 : i32
      %dma_wait3A_127 = tpu.memref_slice %arg3[%dma_wait3A_123, %dma_wait3A_124, %dma_wait3A_125, %dma_wait3A_126] : memref<32x80x1x125xi32, #tpu.memory_space<hbm>> -> memref<1x1x1x125xi32, #tpu.memory_space<hbm>>
      %dma_wait3A_128 = tpu.memref_squeeze %dma_wait3A_127 : memref<1x1x1x125xi32, #tpu.memory_space<hbm>> -> memref<1x125xi32, #tpu.memory_space<hbm>>
      %dma_wait3A_129 = arith.constant 0 : i32
      %dma_wait3A_130 = arith.constant 0 : i32
      %dma_wait3A_131 = tpu.memref_slice %arg3[%dma_wait3A_123, %dma_wait3A_124, %dma_wait3A_129, %dma_wait3A_130] : memref<32x80x1x125xi32, #tpu.memory_space<hbm>> -> memref<1x1x1x125xi32, #tpu.memory_space<hbm>>
      %dma_wait3A_132 = tpu.memref_squeeze %dma_wait3A_131 : memref<1x1x1x125xi32, #tpu.memory_space<hbm>> -> memref<1x125xi32, #tpu.memory_space<hbm>>
      tpu.wait_dma2 semaphore(%arg15 : memref<!tpu.dma_semaphore, #tpu.memory_space<semaphore_mem>>) src(%dma_wait3A_132 : memref<1x125xi32, #tpu.memory_space<hbm>>) dst(%arg9 : memref<1x125xi32, #tpu.memory_space<vmem>>)
      %dma_start3A_133 = arith.constant 0 : i32
      %dma_start3A_134 = arith.constant 0 : i32
      %dma_start3A_135 = tpu.memref_slice %arg9[%dma_start3A_133, %dma_start3A_134] : memref<1x125xi32, #tpu.memory_space<vmem>> -> memref<1x125xi32, #tpu.memory_space<vmem>>
      %dma_start3A_136 = tpu.memref_squeeze %dma_start3A_135 : memref<1x125xi32, #tpu.memory_space<vmem>> -> memref<125xi32, #tpu.memory_space<vmem>>
      %dma_start3A_137 = arith.constant 0 : i32
      %dma_start3A_138 = arith.constant 0 : i32
      %dma_start3A_139 = tpu.memref_slice %arg6[%dma_start3A_137, %dma_start3A_138] : memref<10240x128xf32, #tpu.memory_space<vmem_shared>> -> memref<10240x128xf32, #tpu.memory_space<vmem_shared>>
      tpu.enqueue_indirect_dma source(%arg11 : memref<125x128xf32, #tpu.memory_space<vmem>>) target(%dma_start3A_139 : memref<10240x128xf32, #tpu.memory_space<vmem_shared>>) offsets(%dma_start3A_136 : memref<125xi32, #tpu.memory_space<vmem>>) semaphore(%arg19 : memref<!tpu.dma_semaphore, #tpu.memory_space<semaphore_mem>>) {add = true}
      %dma_wait3A_140 = arith.constant 0 : i32
      %dma_wait3A_141 = arith.constant 0 : i32
      %dma_wait3A_142 = tpu.memref_slice %arg9[%dma_wait3A_140, %dma_wait3A_141] : memref<1x125xi32, #tpu.memory_space<vmem>> -> memref<1x125xi32, #tpu.memory_space<vmem>>
      %dma_wait3A_143 = tpu.memref_squeeze %dma_wait3A_142 : memref<1x125xi32, #tpu.memory_space<vmem>> -> memref<125xi32, #tpu.memory_space<vmem>>
      %dma_wait3A_144 = arith.constant 0 : i32
      %dma_wait3A_145 = arith.constant 0 : i32
      %dma_wait3A_146 = tpu.memref_slice %arg6[%dma_wait3A_144, %dma_wait3A_145] : memref<10240x128xf32, #tpu.memory_space<vmem_shared>> -> memref<10240x128xf32, #tpu.memory_space<vmem_shared>>
      tpu.wait_indirect_dma semaphore(%arg19 : memref<!tpu.dma_semaphore, #tpu.memory_space<semaphore_mem>>) src(%arg11 : memref<125x128xf32, #tpu.memory_space<vmem>>) dst(%dma_wait3A_146 : memref<10240x128xf32, #tpu.memory_space<vmem_shared>>)
      %lt3A_147 = arith.constant 39 : i32
      %lt3A_148 = arith.cmpi slt, %scan3A_112, %lt3A_147 : i32
      %convert_element_type3A_149 = arith.extui %lt3A_148 : i1 to i32
      %cond3A_150 = arith.constant 0 : i32
      %cond3A_151 = arith.cmpi ne, %convert_element_type3A_149, %cond3A_150 : i32
      scf.if %cond3A_151 {
        %mul3A_194 = arith.constant 2 : i32
        %mul3A_195 = arith.muli %mul3A_194, %scan3A_112 : i32
        %add3A_196 = arith.constant 2 : i32
        %add3A_197 = arith.addi %mul3A_195, %add3A_196 : i32
        %dma_start3A_198 = arith.constant 0 : i32
        %dma_start3A_199 = arith.constant 0 : i32
        %dma_start3A_200 = tpu.memref_slice %arg4[%add3A, %add3A_197, %dma_start3A_198, %dma_start3A_199] : memref<32x80x1x125xi32, #tpu.memory_space<hbm>> -> memref<1x1x1x125xi32, #tpu.memory_space<hbm>>
        %dma_start3A_201 = tpu.memref_squeeze %dma_start3A_200 : memref<1x1x1x125xi32, #tpu.memory_space<hbm>> -> memref<1x125xi32, #tpu.memory_space<hbm>>
        %dma_start3A_202 = arith.constant 0 : i32
        %dma_start3A_203 = arith.constant 0 : i32
        %dma_start3A_204 = tpu.memref_slice %arg4[%add3A, %add3A_197, %dma_start3A_202, %dma_start3A_203] : memref<32x80x1x125xi32, #tpu.memory_space<hbm>> -> memref<1x1x1x125xi32, #tpu.memory_space<hbm>>
        %dma_start3A_205 = tpu.memref_squeeze %dma_start3A_204 : memref<1x1x1x125xi32, #tpu.memory_space<hbm>> -> memref<1x125xi32, #tpu.memory_space<hbm>>
        tpu.enqueue_dma source(%dma_start3A_205 : memref<1x125xi32, #tpu.memory_space<hbm>>) target(%arg9 : memref<1x125xi32, #tpu.memory_space<vmem>>) target_semaphore(%arg15 : memref<!tpu.dma_semaphore, #tpu.memory_space<semaphore_mem>>)
        %dma_wait3A_206 = arith.constant 0 : i32
        %dma_wait3A_207 = arith.constant 0 : i32
        %dma_wait3A_208 = arith.constant 0 : i32
        %dma_wait3A_209 = arith.constant 0 : i32
        %dma_wait3A_210 = tpu.memref_slice %arg3[%dma_wait3A_206, %dma_wait3A_207, %dma_wait3A_208, %dma_wait3A_209] : memref<32x80x1x125xi32, #tpu.memory_space<hbm>> -> memref<1x1x1x125xi32, #tpu.memory_space<hbm>>
        %dma_wait3A_211 = tpu.memref_squeeze %dma_wait3A_210 : memref<1x1x1x125xi32, #tpu.memory_space<hbm>> -> memref<1x125xi32, #tpu.memory_space<hbm>>
        %dma_wait3A_212 = arith.constant 0 : i32
        %dma_wait3A_213 = arith.constant 0 : i32
        %dma_wait3A_214 = tpu.memref_slice %arg3[%dma_wait3A_206, %dma_wait3A_207, %dma_wait3A_212, %dma_wait3A_213] : memref<32x80x1x125xi32, #tpu.memory_space<hbm>> -> memref<1x1x1x125xi32, #tpu.memory_space<hbm>>
        %dma_wait3A_215 = tpu.memref_squeeze %dma_wait3A_214 : memref<1x1x1x125xi32, #tpu.memory_space<hbm>> -> memref<1x125xi32, #tpu.memory_space<hbm>>
        tpu.wait_dma2 semaphore(%arg13 : memref<!tpu.dma_semaphore, #tpu.memory_space<semaphore_mem>>) src(%dma_wait3A_215 : memref<1x125xi32, #tpu.memory_space<hbm>>) dst(%arg7 : memref<1x125xi32, #tpu.memory_space<vmem>>)
        %dma_start3A_216 = arith.constant 0 : i32
        %dma_start3A_217 = arith.constant 0 : i32
        %dma_start3A_218 = tpu.memref_slice %arg7[%dma_start3A_216, %dma_start3A_217] : memref<1x125xi32, #tpu.memory_space<vmem>> -> memref<1x125xi32, #tpu.memory_space<vmem>>
        %dma_start3A_219 = tpu.memref_squeeze %dma_start3A_218 : memref<1x125xi32, #tpu.memory_space<vmem>> -> memref<125xi32, #tpu.memory_space<vmem>>
        %dma_start3A_220 = arith.constant 0 : i32
        %dma_start3A_221 = arith.constant 0 : i32
        %dma_start3A_222 = tpu.memref_slice %arg2[%dma_start3A_220, %dma_start3A_221] : memref<10240x128xf32, #tpu.memory_space<hbm>> -> memref<10240x128xf32, #tpu.memory_space<hbm>>
        tpu.enqueue_indirect_dma source(%dma_start3A_222 : memref<10240x128xf32, #tpu.memory_space<hbm>>) target(%arg11 : memref<125x128xf32, #tpu.memory_space<vmem>>) offsets(%dma_start3A_219 : memref<125xi32, #tpu.memory_space<vmem>>) semaphore(%arg17 : memref<!tpu.dma_semaphore, #tpu.memory_space<semaphore_mem>>)
      } else {
      }
      %dma_wait3A_152 = arith.constant 0 : i32
      %dma_wait3A_153 = arith.constant 0 : i32
      %dma_wait3A_154 = tpu.memref_slice %arg8[%dma_wait3A_152, %dma_wait3A_153] : memref<1x125xi32, #tpu.memory_space<vmem>> -> memref<1x125xi32, #tpu.memory_space<vmem>>
      %dma_wait3A_155 = tpu.memref_squeeze %dma_wait3A_154 : memref<1x125xi32, #tpu.memory_space<vmem>> -> memref<125xi32, #tpu.memory_space<vmem>>
      %dma_wait3A_156 = arith.constant 0 : i32
      %dma_wait3A_157 = arith.constant 0 : i32
      %dma_wait3A_158 = tpu.memref_slice %arg2[%dma_wait3A_156, %dma_wait3A_157] : memref<10240x128xf32, #tpu.memory_space<hbm>> -> memref<10240x128xf32, #tpu.memory_space<hbm>>
      tpu.wait_indirect_dma semaphore(%arg18 : memref<!tpu.dma_semaphore, #tpu.memory_space<semaphore_mem>>) src(%dma_wait3A_158 : memref<10240x128xf32, #tpu.memory_space<hbm>>) dst(%arg12 : memref<125x128xf32, #tpu.memory_space<vmem>>)
      %lt3A_159 = arith.constant 39 : i32
      %lt3A_160 = arith.cmpi slt, %scan3A_112, %lt3A_159 : i32
      %convert_element_type3A_161 = arith.extui %lt3A_160 : i1 to i32
      %cond3A_162 = arith.constant 0 : i32
      %cond3A_163 = arith.cmpi ne, %convert_element_type3A_161, %cond3A_162 : i32
      scf.if %cond3A_163 {
        %mul3A_194 = arith.constant 2 : i32
        %mul3A_195 = arith.muli %mul3A_194, %scan3A_112 : i32
        %add3A_196 = arith.constant 3 : i32
        %add3A_197 = arith.addi %mul3A_195, %add3A_196 : i32
        %dma_start3A_198 = arith.constant 0 : i32
        %dma_start3A_199 = arith.constant 0 : i32
        %dma_start3A_200 = tpu.memref_slice %arg3[%add3A, %add3A_197, %dma_start3A_198, %dma_start3A_199] : memref<32x80x1x125xi32, #tpu.memory_space<hbm>> -> memref<1x1x1x125xi32, #tpu.memory_space<hbm>>
        %dma_start3A_201 = tpu.memref_squeeze %dma_start3A_200 : memref<1x1x1x125xi32, #tpu.memory_space<hbm>> -> memref<1x125xi32, #tpu.memory_space<hbm>>
        %dma_start3A_202 = arith.constant 0 : i32
        %dma_start3A_203 = arith.constant 0 : i32
        %dma_start3A_204 = tpu.memref_slice %arg3[%add3A, %add3A_197, %dma_start3A_202, %dma_start3A_203] : memref<32x80x1x125xi32, #tpu.memory_space<hbm>> -> memref<1x1x1x125xi32, #tpu.memory_space<hbm>>
        %dma_start3A_205 = tpu.memref_squeeze %dma_start3A_204 : memref<1x1x1x125xi32, #tpu.memory_space<hbm>> -> memref<1x125xi32, #tpu.memory_space<hbm>>
        tpu.enqueue_dma source(%dma_start3A_205 : memref<1x125xi32, #tpu.memory_space<hbm>>) target(%arg8 : memref<1x125xi32, #tpu.memory_space<vmem>>) target_semaphore(%arg14 : memref<!tpu.dma_semaphore, #tpu.memory_space<semaphore_mem>>)
      } else {
      }
      %dma_wait3A_164 = arith.constant 0 : i32
      %dma_wait3A_165 = arith.constant 0 : i32
      %dma_wait3A_166 = arith.constant 0 : i32
      %dma_wait3A_167 = arith.constant 0 : i32
      %dma_wait3A_168 = tpu.memref_slice %arg3[%dma_wait3A_164, %dma_wait3A_165, %dma_wait3A_166, %dma_wait3A_167] : memref<32x80x1x125xi32, #tpu.memory_space<hbm>> -> memref<1x1x1x125xi32, #tpu.memory_space<hbm>>
      %dma_wait3A_169 = tpu.memref_squeeze %dma_wait3A_168 : memref<1x1x1x125xi32, #tpu.memory_space<hbm>> -> memref<1x125xi32, #tpu.memory_space<hbm>>
      %dma_wait3A_170 = arith.constant 0 : i32
      %dma_wait3A_171 = arith.constant 0 : i32
      %dma_wait3A_172 = tpu.memref_slice %arg3[%dma_wait3A_164, %dma_wait3A_165, %dma_wait3A_170, %dma_wait3A_171] : memref<32x80x1x125xi32, #tpu.memory_space<hbm>> -> memref<1x1x1x125xi32, #tpu.memory_space<hbm>>
      %dma_wait3A_173 = tpu.memref_squeeze %dma_wait3A_172 : memref<1x1x1x125xi32, #tpu.memory_space<hbm>> -> memref<1x125xi32, #tpu.memory_space<hbm>>
      tpu.wait_dma2 semaphore(%arg16 : memref<!tpu.dma_semaphore, #tpu.memory_space<semaphore_mem>>) src(%dma_wait3A_173 : memref<1x125xi32, #tpu.memory_space<hbm>>) dst(%arg10 : memref<1x125xi32, #tpu.memory_space<vmem>>)
      %dma_start3A_174 = arith.constant 0 : i32
      %dma_start3A_175 = arith.constant 0 : i32
      %dma_start3A_176 = tpu.memref_slice %arg10[%dma_start3A_174, %dma_start3A_175] : memref<1x125xi32, #tpu.memory_space<vmem>> -> memref<1x125xi32, #tpu.memory_space<vmem>>
      %dma_start3A_177 = tpu.memref_squeeze %dma_start3A_176 : memref<1x125xi32, #tpu.memory_space<vmem>> -> memref<125xi32, #tpu.memory_space<vmem>>
      %dma_start3A_178 = arith.constant 0 : i32
      %dma_start3A_179 = arith.constant 0 : i32
      %dma_start3A_180 = tpu.memref_slice %arg6[%dma_start3A_178, %dma_start3A_179] : memref<10240x128xf32, #tpu.memory_space<vmem_shared>> -> memref<10240x128xf32, #tpu.memory_space<vmem_shared>>
      tpu.enqueue_indirect_dma source(%arg12 : memref<125x128xf32, #tpu.memory_space<vmem>>) target(%dma_start3A_180 : memref<10240x128xf32, #tpu.memory_space<vmem_shared>>) offsets(%dma_start3A_177 : memref<125xi32, #tpu.memory_space<vmem>>) semaphore(%arg20 : memref<!tpu.dma_semaphore, #tpu.memory_space<semaphore_mem>>) {add = true}
      %dma_wait3A_181 = arith.constant 0 : i32
      %dma_wait3A_182 = arith.constant 0 : i32
      %dma_wait3A_183 = tpu.memref_slice %arg10[%dma_wait3A_181, %dma_wait3A_182] : memref<1x125xi32, #tpu.memory_space<vmem>> -> memref<1x125xi32, #tpu.memory_space<vmem>>
      %dma_wait3A_184 = tpu.memref_squeeze %dma_wait3A_183 : memref<1x125xi32, #tpu.memory_space<vmem>> -> memref<125xi32, #tpu.memory_space<vmem>>
      %dma_wait3A_185 = arith.constant 0 : i32
      %dma_wait3A_186 = arith.constant 0 : i32
      %dma_wait3A_187 = tpu.memref_slice %arg6[%dma_wait3A_185, %dma_wait3A_186] : memref<10240x128xf32, #tpu.memory_space<vmem_shared>> -> memref<10240x128xf32, #tpu.memory_space<vmem_shared>>
      tpu.wait_indirect_dma semaphore(%arg20 : memref<!tpu.dma_semaphore, #tpu.memory_space<semaphore_mem>>) src(%arg12 : memref<125x128xf32, #tpu.memory_space<vmem>>) dst(%dma_wait3A_187 : memref<10240x128xf32, #tpu.memory_space<vmem_shared>>)
      %lt3A_188 = arith.constant 39 : i32
      %lt3A_189 = arith.cmpi slt, %scan3A_112, %lt3A_188 : i32
      %convert_element_type3A_190 = arith.extui %lt3A_189 : i1 to i32
      %cond3A_191 = arith.constant 0 : i32
      %cond3A_192 = arith.cmpi ne, %convert_element_type3A_190, %cond3A_191 : i32
      scf.if %cond3A_192 {
        %mul3A_194 = arith.constant 2 : i32
        %mul3A_195 = arith.muli %mul3A_194, %scan3A_112 : i32
        %add3A_196 = arith.constant 3 : i32
        %add3A_197 = arith.addi %mul3A_195, %add3A_196 : i32
        %dma_start3A_198 = arith.constant 0 : i32
        %dma_start3A_199 = arith.constant 0 : i32
        %dma_start3A_200 = tpu.memref_slice %arg4[%add3A, %add3A_197, %dma_start3A_198, %dma_start3A_199] : memref<32x80x1x125xi32, #tpu.memory_space<hbm>> -> memref<1x1x1x125xi32, #tpu.memory_space<hbm>>
        %dma_start3A_201 = tpu.memref_squeeze %dma_start3A_200 : memref<1x1x1x125xi32, #tpu.memory_space<hbm>> -> memref<1x125xi32, #tpu.memory_space<hbm>>
        %dma_start3A_202 = arith.constant 0 : i32
        %dma_start3A_203 = arith.constant 0 : i32
        %dma_start3A_204 = tpu.memref_slice %arg4[%add3A, %add3A_197, %dma_start3A_202, %dma_start3A_203] : memref<32x80x1x125xi32, #tpu.memory_space<hbm>> -> memref<1x1x1x125xi32, #tpu.memory_space<hbm>>
        %dma_start3A_205 = tpu.memref_squeeze %dma_start3A_204 : memref<1x1x1x125xi32, #tpu.memory_space<hbm>> -> memref<1x125xi32, #tpu.memory_space<hbm>>
        tpu.enqueue_dma source(%dma_start3A_205 : memref<1x125xi32, #tpu.memory_space<hbm>>) target(%arg10 : memref<1x125xi32, #tpu.memory_space<vmem>>) target_semaphore(%arg16 : memref<!tpu.dma_semaphore, #tpu.memory_space<semaphore_mem>>)
        %dma_wait3A_206 = arith.constant 0 : i32
        %dma_wait3A_207 = arith.constant 0 : i32
        %dma_wait3A_208 = arith.constant 0 : i32
        %dma_wait3A_209 = arith.constant 0 : i32
        %dma_wait3A_210 = tpu.memref_slice %arg3[%dma_wait3A_206, %dma_wait3A_207, %dma_wait3A_208, %dma_wait3A_209] : memref<32x80x1x125xi32, #tpu.memory_space<hbm>> -> memref<1x1x1x125xi32, #tpu.memory_space<hbm>>
        %dma_wait3A_211 = tpu.memref_squeeze %dma_wait3A_210 : memref<1x1x1x125xi32, #tpu.memory_space<hbm>> -> memref<1x125xi32, #tpu.memory_space<hbm>>
        %dma_wait3A_212 = arith.constant 0 : i32
        %dma_wait3A_213 = arith.constant 0 : i32
        %dma_wait3A_214 = tpu.memref_slice %arg3[%dma_wait3A_206, %dma_wait3A_207, %dma_wait3A_212, %dma_wait3A_213] : memref<32x80x1x125xi32, #tpu.memory_space<hbm>> -> memref<1x1x1x125xi32, #tpu.memory_space<hbm>>
        %dma_wait3A_215 = tpu.memref_squeeze %dma_wait3A_214 : memref<1x1x1x125xi32, #tpu.memory_space<hbm>> -> memref<1x125xi32, #tpu.memory_space<hbm>>
        tpu.wait_dma2 semaphore(%arg14 : memref<!tpu.dma_semaphore, #tpu.memory_space<semaphore_mem>>) src(%dma_wait3A_215 : memref<1x125xi32, #tpu.memory_space<hbm>>) dst(%arg8 : memref<1x125xi32, #tpu.memory_space<vmem>>)
        %dma_start3A_216 = arith.constant 0 : i32
        %dma_start3A_217 = arith.constant 0 : i32
        %dma_start3A_218 = tpu.memref_slice %arg8[%dma_start3A_216, %dma_start3A_217] : memref<1x125xi32, #tpu.memory_space<vmem>> -> memref<1x125xi32, #tpu.memory_space<vmem>>
        %dma_start3A_219 = tpu.memref_squeeze %dma_start3A_218 : memref<1x125xi32, #tpu.memory_space<vmem>> -> memref<125xi32, #tpu.memory_space<vmem>>
        %dma_start3A_220 = arith.constant 0 : i32
        %dma_start3A_221 = arith.constant 0 : i32
        %dma_start3A_222 = tpu.memref_slice %arg2[%dma_start3A_220, %dma_start3A_221] : memref<10240x128xf32, #tpu.memory_space<hbm>> -> memref<10240x128xf32, #tpu.memory_space<hbm>>
        tpu.enqueue_indirect_dma source(%dma_start3A_222 : memref<10240x128xf32, #tpu.memory_space<hbm>>) target(%arg12 : memref<125x128xf32, #tpu.memory_space<vmem>>) offsets(%dma_start3A_219 : memref<125xi32, #tpu.memory_space<vmem>>) semaphore(%arg18 : memref<!tpu.dma_semaphore, #tpu.memory_space<semaphore_mem>>)
      } else {
      }
      %scan3A_193 = arith.constant 0 : i32
      scf.yield %scan3A_193 : i32
    }
    %scan3A_106 = arith.constant 40 : i32
    %barrier3A_107 = arith.constant 0 : index
    tpu.barrier barrier_id(%barrier3A_107)
    %mul3A_108 = arith.constant 640 : i32
    %mul3A_109 = arith.muli %arg1, %mul3A_108 : i32
    %mul3A_110 = arith.constant 640 : i32
    %mul3A_111 = arith.muli %arg1, %mul3A_110 : i32
    "tpu.region"() ({
      %run_scoped3A = tpu.sem_alloc : memref<!tpu.dma_semaphore, #tpu.memory_space<semaphore_mem>>
      %dma_start3A_112 = arith.constant 0 : i32
      %dma_start3A_113 = tpu.memref_slice %arg5[%arg0, %mul3A_111, %dma_start3A_112] : memref<2x10240x128xf32, #tpu.memory_space<hbm>> -> memref<1x640x128xf32, #tpu.memory_space<hbm>>
      %dma_start3A_114 = tpu.memref_squeeze %dma_start3A_113 : memref<1x640x128xf32, #tpu.memory_space<hbm>> -> memref<640x128xf32, #tpu.memory_space<hbm>>
      %dma_start3A_115 = arith.constant 0 : i32
      %dma_start3A_116 = tpu.memref_slice %arg6[%mul3A_109, %dma_start3A_115] : memref<10240x128xf32, #tpu.memory_space<vmem_shared>> -> memref<640x128xf32, #tpu.memory_space<vmem_shared>>
      tpu.enqueue_dma source(%dma_start3A_116 : memref<640x128xf32, #tpu.memory_space<vmem_shared>>) target(%dma_start3A_114 : memref<640x128xf32, #tpu.memory_space<hbm>>) target_semaphore(%run_scoped3A : memref<!tpu.dma_semaphore, #tpu.memory_space<semaphore_mem>>)
      %dma_wait3A_117 = arith.constant 0 : i32
      %dma_wait3A_118 = tpu.memref_slice %arg5[%arg0, %mul3A_111, %dma_wait3A_117] : memref<2x10240x128xf32, #tpu.memory_space<hbm>> -> memref<1x640x128xf32, #tpu.memory_space<hbm>>
      %dma_wait3A_119 = tpu.memref_squeeze %dma_wait3A_118 : memref<1x640x128xf32, #tpu.memory_space<hbm>> -> memref<640x128xf32, #tpu.memory_space<hbm>>
      %dma_wait3A_120 = arith.constant 0 : i32
      %dma_wait3A_121 = tpu.memref_slice %arg6[%mul3A_109, %dma_wait3A_120] : memref<10240x128xf32, #tpu.memory_space<vmem_shared>> -> memref<640x128xf32, #tpu.memory_space<vmem_shared>>
      tpu.wait_dma2 semaphore(%run_scoped3A : memref<!tpu.dma_semaphore, #tpu.memory_space<semaphore_mem>>) src(%dma_wait3A_121 : memref<640x128xf32, #tpu.memory_space<vmem_shared>>) dst(%dma_wait3A_119 : memref<640x128xf32, #tpu.memory_space<hbm>>)
      tpu.yield
    }) : () -> ()
    return
  }
}

#map = affine_map<(d0, d1) -> (0, 0, 0)>
module attributes {stable_mosaic.version = 14 : i64} {
  func.func @deg_kernel(%arg0: i32, %arg1: i32, %arg2: memref<32x80x125xi32, #tpu.memory_space<hbm>>, %arg3: memref<2x10240x16xf32, #tpu.memory_space<hbm>>, %arg4: memref<10240x16xf32, #tpu.memory_space<vmem_shared>>, %arg5: memref<80x125xi32, #tpu.memory_space<vmem>>, %arg6: memref<125x16xf32, #tpu.memory_space<vmem>>, %arg7: memref<128x16xf32, #tpu.memory_space<vmem>>, %arg8: memref<!tpu.dma_semaphore, #tpu.memory_space<semaphore_mem>>) attributes {dimension_semantics = [#tpu.dimension_semantics<core_parallel>, #tpu.dimension_semantics<subcore_parallel>], iteration_bounds = array<i64: 2, 16>, scalar_prefetch = 0 : i64, scratch_operands = 5 : i64, tpu.core_type = #tpu.core_type<sc_vector_subcore>, window_params = [{transform_indices = #map}, {transform_indices = #map}]} {
    %mul3A = arith.constant 16 : i32
    %mul3A_0 = arith.muli %arg0, %mul3A : i32
    %add3A = arith.addi %mul3A_0, %arg1 : i32
    %broadcast_in_dim3A = arith.constant 0.000000e+00 : f32
    %broadcast_in_dim3A_1 = vector.broadcast %broadcast_in_dim3A : f32 to vector<16xf32>
    %broadcast_in_dim3A_2 = arith.constant 1.000000e+00 : f32
    %broadcast_in_dim3A_3 = vector.broadcast %broadcast_in_dim3A_2 : f32 to vector<16xf32>
    %scan3A = arith.constant 0 : i32
    %scan3A_4 = arith.constant 0 : i32
    %scan3A_5 = arith.constant 128 : i32
    %scan3A_6 = arith.addi %scan3A_4, %scan3A_5 : i32
    %scan3A_7 = arith.constant 1 : i32
    %scan3A_8 = scf.for %scan3A_49 = %scan3A_4 to %scan3A_6 step %scan3A_7 iter_args(%scan3A_50 = %scan3A) -> (i32)  : i32 {
      %swap3A = arith.index_cast %scan3A_49 : i32 to index
      %swap3A_51 = arith.constant 0 : index
      %swap3A_52 = tpu.vector_load %arg7[%swap3A, %swap3A_51] {strides = array<i32>} : memref<128x16xf32, #tpu.memory_space<vmem>>, vector<1x16xf32>,
      %swap3A_53 = vector.shape_cast %swap3A_52 : vector<1x16xf32> to vector<16xf32>
      %swap3A_54 = vector.shape_cast %broadcast_in_dim3A_1 : vector<16xf32> to vector<1x16xf32>
      tpu.vector_store %arg7[%swap3A, %swap3A_51], %swap3A_54 {strides = array<i32>} : memref<128x16xf32, #tpu.memory_space<vmem>>, vector<1x16xf32>,
      %scan3A_55 = arith.constant 0 : i32
      scf.yield %scan3A_55 : i32
    }
    %scan3A_9 = arith.constant 128 : i32
    %scan3A_10 = arith.constant 0 : i32
    %scan3A_11 = arith.constant 0 : i32
    %scan3A_12 = arith.constant 125 : i32
    %scan3A_13 = arith.addi %scan3A_11, %scan3A_12 : i32
    %scan3A_14 = arith.constant 1 : i32
    %scan3A_15 = scf.for %scan3A_49 = %scan3A_11 to %scan3A_13 step %scan3A_14 iter_args(%scan3A_50 = %scan3A_10) -> (i32)  : i32 {
      %swap3A = arith.index_cast %scan3A_49 : i32 to index
      %swap3A_51 = arith.constant 0 : index
      %swap3A_52 = tpu.vector_load %arg6[%swap3A, %swap3A_51] {strides = array<i32>} : memref<125x16xf32, #tpu.memory_space<vmem>>, vector<1x16xf32>,
      %swap3A_53 = vector.shape_cast %swap3A_52 : vector<1x16xf32> to vector<16xf32>
      %swap3A_54 = vector.shape_cast %broadcast_in_dim3A_3 : vector<16xf32> to vector<1x16xf32>
      tpu.vector_store %arg6[%swap3A, %swap3A_51], %swap3A_54 {strides = array<i32>} : memref<125x16xf32, #tpu.memory_space<vmem>>, vector<1x16xf32>,
      %scan3A_55 = arith.constant 0 : i32
      scf.yield %scan3A_55 : i32
    }
    %scan3A_16 = arith.constant 125 : i32
    %mul3A_17 = arith.constant 640 : i32
    %mul3A_18 = arith.muli %arg1, %mul3A_17 : i32
    %add3A_19 = arith.constant 0 : i32
    %add3A_20 = arith.addi %mul3A_18, %add3A_19 : i32
    "tpu.region"() ({
      %run_scoped3A = tpu.sem_alloc : memref<!tpu.dma_semaphore, #tpu.memory_space<semaphore_mem>>
      %dma_start3A = arith.constant 0 : i32
      %dma_start3A_49 = tpu.memref_slice %arg4[%add3A_20, %dma_start3A] : memref<10240x16xf32, #tpu.memory_space<vmem_shared>> -> memref<128x16xf32, #tpu.memory_space<vmem_shared>>
      %dma_start3A_50 = arith.constant 0 : i32
      %dma_start3A_51 = tpu.memref_slice %arg4[%add3A_20, %dma_start3A_50] : memref<10240x16xf32, #tpu.memory_space<vmem_shared>> -> memref<128x16xf32, #tpu.memory_space<vmem_shared>>
      tpu.enqueue_dma source(%arg7 : memref<128x16xf32, #tpu.memory_space<vmem>>) target(%dma_start3A_51 : memref<128x16xf32, #tpu.memory_space<vmem_shared>>) target_semaphore(%run_scoped3A : memref<!tpu.dma_semaphore, #tpu.memory_space<semaphore_mem>>)
      %dma_wait3A = arith.constant 0 : i32
      %dma_wait3A_52 = tpu.memref_slice %arg4[%add3A_20, %dma_wait3A] : memref<10240x16xf32, #tpu.memory_space<vmem_shared>> -> memref<128x16xf32, #tpu.memory_space<vmem_shared>>
      %dma_wait3A_53 = arith.constant 0 : i32
      %dma_wait3A_54 = tpu.memref_slice %arg4[%add3A_20, %dma_wait3A_53] : memref<10240x16xf32, #tpu.memory_space<vmem_shared>> -> memref<128x16xf32, #tpu.memory_space<vmem_shared>>
      tpu.wait_dma2 semaphore(%run_scoped3A : memref<!tpu.dma_semaphore, #tpu.memory_space<semaphore_mem>>) src(%arg7 : memref<128x16xf32, #tpu.memory_space<vmem>>) dst(%dma_wait3A_54 : memref<128x16xf32, #tpu.memory_space<vmem_shared>>)
      tpu.yield
    }) : () -> ()
    %mul3A_21 = arith.constant 640 : i32
    %mul3A_22 = arith.muli %arg1, %mul3A_21 : i32
    %add3A_23 = arith.constant 128 : i32
    %add3A_24 = arith.addi %mul3A_22, %add3A_23 : i32
    "tpu.region"() ({
      %run_scoped3A = tpu.sem_alloc : memref<!tpu.dma_semaphore, #tpu.memory_space<semaphore_mem>>
      %dma_start3A = arith.constant 0 : i32
      %dma_start3A_49 = tpu.memref_slice %arg4[%add3A_24, %dma_start3A] : memref<10240x16xf32, #tpu.memory_space<vmem_shared>> -> memref<128x16xf32, #tpu.memory_space<vmem_shared>>
      %dma_start3A_50 = arith.constant 0 : i32
      %dma_start3A_51 = tpu.memref_slice %arg4[%add3A_24, %dma_start3A_50] : memref<10240x16xf32, #tpu.memory_space<vmem_shared>> -> memref<128x16xf32, #tpu.memory_space<vmem_shared>>
      tpu.enqueue_dma source(%arg7 : memref<128x16xf32, #tpu.memory_space<vmem>>) target(%dma_start3A_51 : memref<128x16xf32, #tpu.memory_space<vmem_shared>>) target_semaphore(%run_scoped3A : memref<!tpu.dma_semaphore, #tpu.memory_space<semaphore_mem>>)
      %dma_wait3A = arith.constant 0 : i32
      %dma_wait3A_52 = tpu.memref_slice %arg4[%add3A_24, %dma_wait3A] : memref<10240x16xf32, #tpu.memory_space<vmem_shared>> -> memref<128x16xf32, #tpu.memory_space<vmem_shared>>
      %dma_wait3A_53 = arith.constant 0 : i32
      %dma_wait3A_54 = tpu.memref_slice %arg4[%add3A_24, %dma_wait3A_53] : memref<10240x16xf32, #tpu.memory_space<vmem_shared>> -> memref<128x16xf32, #tpu.memory_space<vmem_shared>>
      tpu.wait_dma2 semaphore(%run_scoped3A : memref<!tpu.dma_semaphore, #tpu.memory_space<semaphore_mem>>) src(%arg7 : memref<128x16xf32, #tpu.memory_space<vmem>>) dst(%dma_wait3A_54 : memref<128x16xf32, #tpu.memory_space<vmem_shared>>)
      tpu.yield
    }) : () -> ()
    %mul3A_25 = arith.constant 640 : i32
    %mul3A_26 = arith.muli %arg1, %mul3A_25 : i32
    %add3A_27 = arith.constant 256 : i32
    %add3A_28 = arith.addi %mul3A_26, %add3A_27 : i32
    "tpu.region"() ({
      %run_scoped3A = tpu.sem_alloc : memref<!tpu.dma_semaphore, #tpu.memory_space<semaphore_mem>>
      %dma_start3A = arith.constant 0 : i32
      %dma_start3A_49 = tpu.memref_slice %arg4[%add3A_28, %dma_start3A] : memref<10240x16xf32, #tpu.memory_space<vmem_shared>> -> memref<128x16xf32, #tpu.memory_space<vmem_shared>>
      %dma_start3A_50 = arith.constant 0 : i32
      %dma_start3A_51 = tpu.memref_slice %arg4[%add3A_28, %dma_start3A_50] : memref<10240x16xf32, #tpu.memory_space<vmem_shared>> -> memref<128x16xf32, #tpu.memory_space<vmem_shared>>
      tpu.enqueue_dma source(%arg7 : memref<128x16xf32, #tpu.memory_space<vmem>>) target(%dma_start3A_51 : memref<128x16xf32, #tpu.memory_space<vmem_shared>>) target_semaphore(%run_scoped3A : memref<!tpu.dma_semaphore, #tpu.memory_space<semaphore_mem>>)
      %dma_wait3A = arith.constant 0 : i32
      %dma_wait3A_52 = tpu.memref_slice %arg4[%add3A_28, %dma_wait3A] : memref<10240x16xf32, #tpu.memory_space<vmem_shared>> -> memref<128x16xf32, #tpu.memory_space<vmem_shared>>
      %dma_wait3A_53 = arith.constant 0 : i32
      %dma_wait3A_54 = tpu.memref_slice %arg4[%add3A_28, %dma_wait3A_53] : memref<10240x16xf32, #tpu.memory_space<vmem_shared>> -> memref<128x16xf32, #tpu.memory_space<vmem_shared>>
      tpu.wait_dma2 semaphore(%run_scoped3A : memref<!tpu.dma_semaphore, #tpu.memory_space<semaphore_mem>>) src(%arg7 : memref<128x16xf32, #tpu.memory_space<vmem>>) dst(%dma_wait3A_54 : memref<128x16xf32, #tpu.memory_space<vmem_shared>>)
      tpu.yield
    }) : () -> ()
    %mul3A_29 = arith.constant 640 : i32
    %mul3A_30 = arith.muli %arg1, %mul3A_29 : i32
    %add3A_31 = arith.constant 384 : i32
    %add3A_32 = arith.addi %mul3A_30, %add3A_31 : i32
    "tpu.region"() ({
      %run_scoped3A = tpu.sem_alloc : memref<!tpu.dma_semaphore, #tpu.memory_space<semaphore_mem>>
      %dma_start3A = arith.constant 0 : i32
      %dma_start3A_49 = tpu.memref_slice %arg4[%add3A_32, %dma_start3A] : memref<10240x16xf32, #tpu.memory_space<vmem_shared>> -> memref<128x16xf32, #tpu.memory_space<vmem_shared>>
      %dma_start3A_50 = arith.constant 0 : i32
      %dma_start3A_51 = tpu.memref_slice %arg4[%add3A_32, %dma_start3A_50] : memref<10240x16xf32, #tpu.memory_space<vmem_shared>> -> memref<128x16xf32, #tpu.memory_space<vmem_shared>>
      tpu.enqueue_dma source(%arg7 : memref<128x16xf32, #tpu.memory_space<vmem>>) target(%dma_start3A_51 : memref<128x16xf32, #tpu.memory_space<vmem_shared>>) target_semaphore(%run_scoped3A : memref<!tpu.dma_semaphore, #tpu.memory_space<semaphore_mem>>)
      %dma_wait3A = arith.constant 0 : i32
      %dma_wait3A_52 = tpu.memref_slice %arg4[%add3A_32, %dma_wait3A] : memref<10240x16xf32, #tpu.memory_space<vmem_shared>> -> memref<128x16xf32, #tpu.memory_space<vmem_shared>>
      %dma_wait3A_53 = arith.constant 0 : i32
      %dma_wait3A_54 = tpu.memref_slice %arg4[%add3A_32, %dma_wait3A_53] : memref<10240x16xf32, #tpu.memory_space<vmem_shared>> -> memref<128x16xf32, #tpu.memory_space<vmem_shared>>
      tpu.wait_dma2 semaphore(%run_scoped3A : memref<!tpu.dma_semaphore, #tpu.memory_space<semaphore_mem>>) src(%arg7 : memref<128x16xf32, #tpu.memory_space<vmem>>) dst(%dma_wait3A_54 : memref<128x16xf32, #tpu.memory_space<vmem_shared>>)
      tpu.yield
    }) : () -> ()
    %mul3A_33 = arith.constant 640 : i32
    %mul3A_34 = arith.muli %arg1, %mul3A_33 : i32
    %add3A_35 = arith.constant 512 : i32
    %add3A_36 = arith.addi %mul3A_34, %add3A_35 : i32
    "tpu.region"() ({
      %run_scoped3A = tpu.sem_alloc : memref<!tpu.dma_semaphore, #tpu.memory_space<semaphore_mem>>
      %dma_start3A = arith.constant 0 : i32
      %dma_start3A_49 = tpu.memref_slice %arg4[%add3A_36, %dma_start3A] : memref<10240x16xf32, #tpu.memory_space<vmem_shared>> -> memref<128x16xf32, #tpu.memory_space<vmem_shared>>
      %dma_start3A_50 = arith.constant 0 : i32
      %dma_start3A_51 = tpu.memref_slice %arg4[%add3A_36, %dma_start3A_50] : memref<10240x16xf32, #tpu.memory_space<vmem_shared>> -> memref<128x16xf32, #tpu.memory_space<vmem_shared>>
      tpu.enqueue_dma source(%arg7 : memref<128x16xf32, #tpu.memory_space<vmem>>) target(%dma_start3A_51 : memref<128x16xf32, #tpu.memory_space<vmem_shared>>) target_semaphore(%run_scoped3A : memref<!tpu.dma_semaphore, #tpu.memory_space<semaphore_mem>>)
      %dma_wait3A = arith.constant 0 : i32
      %dma_wait3A_52 = tpu.memref_slice %arg4[%add3A_36, %dma_wait3A] : memref<10240x16xf32, #tpu.memory_space<vmem_shared>> -> memref<128x16xf32, #tpu.memory_space<vmem_shared>>
      %dma_wait3A_53 = arith.constant 0 : i32
      %dma_wait3A_54 = tpu.memref_slice %arg4[%add3A_36, %dma_wait3A_53] : memref<10240x16xf32, #tpu.memory_space<vmem_shared>> -> memref<128x16xf32, #tpu.memory_space<vmem_shared>>
      tpu.wait_dma2 semaphore(%run_scoped3A : memref<!tpu.dma_semaphore, #tpu.memory_space<semaphore_mem>>) src(%arg7 : memref<128x16xf32, #tpu.memory_space<vmem>>) dst(%dma_wait3A_54 : memref<128x16xf32, #tpu.memory_space<vmem_shared>>)
      tpu.yield
    }) : () -> ()
    "tpu.region"() ({
      %run_scoped3A = tpu.sem_alloc : memref<!tpu.dma_semaphore, #tpu.memory_space<semaphore_mem>>
      %dma_start3A = arith.constant 0 : i32
      %dma_start3A_49 = arith.constant 0 : i32
      %dma_start3A_50 = tpu.memref_slice %arg2[%add3A, %dma_start3A, %dma_start3A_49] : memref<32x80x125xi32, #tpu.memory_space<hbm>> -> memref<1x80x125xi32, #tpu.memory_space<hbm>>
      %dma_start3A_51 = tpu.memref_squeeze %dma_start3A_50 : memref<1x80x125xi32, #tpu.memory_space<hbm>> -> memref<80x125xi32, #tpu.memory_space<hbm>>
      %dma_start3A_52 = arith.constant 0 : i32
      %dma_start3A_53 = arith.constant 0 : i32
      %dma_start3A_54 = tpu.memref_slice %arg2[%add3A, %dma_start3A_52, %dma_start3A_53] : memref<32x80x125xi32, #tpu.memory_space<hbm>> -> memref<1x80x125xi32, #tpu.memory_space<hbm>>
      %dma_start3A_55 = tpu.memref_squeeze %dma_start3A_54 : memref<1x80x125xi32, #tpu.memory_space<hbm>> -> memref<80x125xi32, #tpu.memory_space<hbm>>
      tpu.enqueue_dma source(%dma_start3A_55 : memref<80x125xi32, #tpu.memory_space<hbm>>) target(%arg5 : memref<80x125xi32, #tpu.memory_space<vmem>>) target_semaphore(%run_scoped3A : memref<!tpu.dma_semaphore, #tpu.memory_space<semaphore_mem>>)
      %dma_wait3A = arith.constant 0 : i32
      %dma_wait3A_56 = arith.constant 0 : i32
      %dma_wait3A_57 = tpu.memref_slice %arg2[%add3A, %dma_wait3A, %dma_wait3A_56] : memref<32x80x125xi32, #tpu.memory_space<hbm>> -> memref<1x80x125xi32, #tpu.memory_space<hbm>>
      %dma_wait3A_58 = tpu.memref_squeeze %dma_wait3A_57 : memref<1x80x125xi32, #tpu.memory_space<hbm>> -> memref<80x125xi32, #tpu.memory_space<hbm>>
      %dma_wait3A_59 = arith.constant 0 : i32
      %dma_wait3A_60 = arith.constant 0 : i32
      %dma_wait3A_61 = tpu.memref_slice %arg2[%add3A, %dma_wait3A_59, %dma_wait3A_60] : memref<32x80x125xi32, #tpu.memory_space<hbm>> -> memref<1x80x125xi32, #tpu.memory_space<hbm>>
      %dma_wait3A_62 = tpu.memref_squeeze %dma_wait3A_61 : memref<1x80x125xi32, #tpu.memory_space<hbm>> -> memref<80x125xi32, #tpu.memory_space<hbm>>
      tpu.wait_dma2 semaphore(%run_scoped3A : memref<!tpu.dma_semaphore, #tpu.memory_space<semaphore_mem>>) src(%dma_wait3A_62 : memref<80x125xi32, #tpu.memory_space<hbm>>) dst(%arg5 : memref<80x125xi32, #tpu.memory_space<vmem>>)
      tpu.yield
    }) : () -> ()
    %barrier3A = arith.constant 0 : index
    tpu.barrier barrier_id(%barrier3A)
    %scan3A_37 = arith.constant 0 : i32
    %scan3A_38 = arith.constant 0 : i32
    %scan3A_39 = arith.constant 80 : i32
    %scan3A_40 = arith.addi %scan3A_38, %scan3A_39 : i32
    %scan3A_41 = arith.constant 1 : i32
    %scan3A_42 = scf.for %scan3A_49 = %scan3A_38 to %scan3A_40 step %scan3A_41 iter_args(%scan3A_50 = %scan3A_37) -> (i32)  : i32 {
      "tpu.region"() ({
        %run_scoped3A = tpu.sem_alloc : memref<!tpu.dma_semaphore, #tpu.memory_space<semaphore_mem>>
        %dma_start3A = arith.constant 0 : i32
        %dma_start3A_52 = tpu.memref_slice %arg5[%scan3A_49, %dma_start3A] : memref<80x125xi32, #tpu.memory_space<vmem>> -> memref<1x125xi32, #tpu.memory_space<vmem>>
        %dma_start3A_53 = tpu.memref_squeeze %dma_start3A_52 : memref<1x125xi32, #tpu.memory_space<vmem>> -> memref<125xi32, #tpu.memory_space<vmem>>
        %dma_start3A_54 = arith.constant 0 : i32
        %dma_start3A_55 = arith.constant 0 : i32
        %dma_start3A_56 = tpu.memref_slice %arg4[%dma_start3A_54, %dma_start3A_55] : memref<10240x16xf32, #tpu.memory_space<vmem_shared>> -> memref<10240x16xf32, #tpu.memory_space<vmem_shared>>
        tpu.enqueue_indirect_dma source(%arg6 : memref<125x16xf32, #tpu.memory_space<vmem>>) target(%dma_start3A_56 : memref<10240x16xf32, #tpu.memory_space<vmem_shared>>) offsets(%dma_start3A_53 : memref<125xi32, #tpu.memory_space<vmem>>) semaphore(%run_scoped3A : memref<!tpu.dma_semaphore, #tpu.memory_space<semaphore_mem>>) {add = true}
        %dma_wait3A = arith.constant 0 : i32
        %dma_wait3A_57 = tpu.memref_slice %arg5[%scan3A_49, %dma_wait3A] : memref<80x125xi32, #tpu.memory_space<vmem>> -> memref<1x125xi32, #tpu.memory_space<vmem>>
        %dma_wait3A_58 = tpu.memref_squeeze %dma_wait3A_57 : memref<1x125xi32, #tpu.memory_space<vmem>> -> memref<125xi32, #tpu.memory_space<vmem>>
        %dma_wait3A_59 = arith.constant 0 : i32
        %dma_wait3A_60 = arith.constant 0 : i32
        %dma_wait3A_61 = tpu.memref_slice %arg4[%dma_wait3A_59, %dma_wait3A_60] : memref<10240x16xf32, #tpu.memory_space<vmem_shared>> -> memref<10240x16xf32, #tpu.memory_space<vmem_shared>>
        tpu.wait_indirect_dma semaphore(%run_scoped3A : memref<!tpu.dma_semaphore, #tpu.memory_space<semaphore_mem>>) src(%arg6 : memref<125x16xf32, #tpu.memory_space<vmem>>) dst(%dma_wait3A_61 : memref<10240x16xf32, #tpu.memory_space<vmem_shared>>)
        tpu.yield
      }) : () -> ()
      %scan3A_51 = arith.constant 0 : i32
      scf.yield %scan3A_51 : i32
    }
    %scan3A_43 = arith.constant 80 : i32
    %barrier3A_44 = arith.constant 0 : index
    tpu.barrier barrier_id(%barrier3A_44)
    %mul3A_45 = arith.constant 640 : i32
    %mul3A_46 = arith.muli %arg1, %mul3A_45 : i32
    %mul3A_47 = arith.constant 640 : i32
    %mul3A_48 = arith.muli %arg1, %mul3A_47 : i32
    "tpu.region"() ({
      %run_scoped3A = tpu.sem_alloc : memref<!tpu.dma_semaphore, #tpu.memory_space<semaphore_mem>>
      %dma_start3A = arith.constant 0 : i32
      %dma_start3A_49 = tpu.memref_slice %arg3[%arg0, %mul3A_48, %dma_start3A] : memref<2x10240x16xf32, #tpu.memory_space<hbm>> -> memref<1x640x16xf32, #tpu.memory_space<hbm>>
      %dma_start3A_50 = tpu.memref_squeeze %dma_start3A_49 : memref<1x640x16xf32, #tpu.memory_space<hbm>> -> memref<640x16xf32, #tpu.memory_space<hbm>>
      %dma_start3A_51 = arith.constant 0 : i32
      %dma_start3A_52 = tpu.memref_slice %arg4[%mul3A_46, %dma_start3A_51] : memref<10240x16xf32, #tpu.memory_space<vmem_shared>> -> memref<640x16xf32, #tpu.memory_space<vmem_shared>>
      tpu.enqueue_dma source(%dma_start3A_52 : memref<640x16xf32, #tpu.memory_space<vmem_shared>>) target(%dma_start3A_50 : memref<640x16xf32, #tpu.memory_space<hbm>>) target_semaphore(%run_scoped3A : memref<!tpu.dma_semaphore, #tpu.memory_space<semaphore_mem>>)
      %dma_wait3A = arith.constant 0 : i32
      %dma_wait3A_53 = tpu.memref_slice %arg3[%arg0, %mul3A_48, %dma_wait3A] : memref<2x10240x16xf32, #tpu.memory_space<hbm>> -> memref<1x640x16xf32, #tpu.memory_space<hbm>>
      %dma_wait3A_54 = tpu.memref_squeeze %dma_wait3A_53 : memref<1x640x16xf32, #tpu.memory_space<hbm>> -> memref<640x16xf32, #tpu.memory_space<hbm>>
      %dma_wait3A_55 = arith.constant 0 : i32
      %dma_wait3A_56 = tpu.memref_slice %arg4[%mul3A_46, %dma_wait3A_55] : memref<10240x16xf32, #tpu.memory_space<vmem_shared>> -> memref<640x16xf32, #tpu.memory_space<vmem_shared>>
      tpu.wait_dma2 semaphore(%run_scoped3A : memref<!tpu.dma_semaphore, #tpu.memory_space<semaphore_mem>>) src(%dma_wait3A_56 : memref<640x16xf32, #tpu.memory_space<vmem_shared>>) dst(%dma_wait3A_54 : memref<640x16xf32, #tpu.memory_space<hbm>>)
      tpu.yield
    }) : () -> ()
    return
  }
}

#map = affine_map<(d0, d1) -> (0, 0)>
#map1 = affine_map<(d0, d1) -> (0, 0, 0, 0)>
#map2 = affine_map<(d0, d1) -> (0, 0, 0)>
module attributes {stable_mosaic.version = 14 : i64} {
  func.func @edge_kernel(%arg0: i32, %arg1: i32, %arg2: memref<10240x128xf32, #tpu.memory_space<hbm>>, %arg3: memref<32x80x1x125xi32, #tpu.memory_space<hbm>>, %arg4: memref<32x80x1x125xi32, #tpu.memory_space<hbm>>, %arg5: memref<2x10240x128xf32, #tpu.memory_space<hbm>>, %arg6: memref<10240x128xf32, #tpu.memory_space<vmem_shared>>, %arg7: memref<1x125xi32, #tpu.memory_space<vmem>>, %arg8: memref<1x125xi32, #tpu.memory_space<vmem>>, %arg9: memref<1x125xi32, #tpu.memory_space<vmem>>, %arg10: memref<1x125xi32, #tpu.memory_space<vmem>>, %arg11: memref<125x128xf32, #tpu.memory_space<vmem>>, %arg12: memref<125x128xf32, #tpu.memory_space<vmem>>, %arg13: memref<!tpu.dma_semaphore, #tpu.memory_space<semaphore_mem>>, %arg14: memref<!tpu.dma_semaphore, #tpu.memory_space<semaphore_mem>>, %arg15: memref<!tpu.dma_semaphore, #tpu.memory_space<semaphore_mem>>, %arg16: memref<!tpu.dma_semaphore, #tpu.memory_space<semaphore_mem>>, %arg17: memref<!tpu.dma_semaphore, #tpu.memory_space<semaphore_mem>>, %arg18: memref<!tpu.dma_semaphore, #tpu.memory_space<semaphore_mem>>, %arg19: memref<!tpu.dma_semaphore, #tpu.memory_space<semaphore_mem>>, %arg20: memref<!tpu.dma_semaphore, #tpu.memory_space<semaphore_mem>>) attributes {dimension_semantics = [#tpu.dimension_semantics<core_parallel>, #tpu.dimension_semantics<subcore_parallel>], iteration_bounds = array<i64: 2, 16>, scalar_prefetch = 0 : i64, scratch_operands = 15 : i64, tpu.core_type = #tpu.core_type<sc_vector_subcore>, window_params = [{transform_indices = #map}, {transform_indices = #map1}, {transform_indices = #map1}, {transform_indices = #map2}]} {
    %mul3A = arith.constant 16 : i32
    %mul3A_0 = arith.muli %arg0, %mul3A : i32
    %add3A = arith.addi %mul3A_0, %arg1 : i32
    %broadcast_in_dim3A = arith.constant 0.000000e+00 : f32
    %broadcast_in_dim3A_1 = vector.broadcast %broadcast_in_dim3A : f32 to vector<16xf32>
    %dma_start3A = arith.constant 0 : i32
    %dma_start3A_2 = arith.constant 0 : i32
    %dma_start3A_3 = arith.constant 0 : i32
    %dma_start3A_4 = tpu.memref_slice %arg3[%add3A, %dma_start3A, %dma_start3A_2, %dma_start3A_3] : memref<32x80x1x125xi32, #tpu.memory_space<hbm>> -> memref<1x1x1x125xi32, #tpu.memory_space<hbm>>
    %dma_start3A_5 = tpu.memref_squeeze %dma_start3A_4 : memref<1x1x1x125xi32, #tpu.memory_space<hbm>> -> memref<1x125xi32, #tpu.memory_space<hbm>>
    %dma_start3A_6 = arith.constant 0 : i32
    %dma_start3A_7 = arith.constant 0 : i32
    %dma_start3A_8 = tpu.memref_slice %arg3[%add3A, %dma_start3A, %dma_start3A_6, %dma_start3A_7] : memref<32x80x1x125xi32, #tpu.memory_space<hbm>> -> memref<1x1x1x125xi32, #tpu.memory_space<hbm>>
    %dma_start3A_9 = tpu.memref_squeeze %dma_start3A_8 : memref<1x1x1x125xi32, #tpu.memory_space<hbm>> -> memref<1x125xi32, #tpu.memory_space<hbm>>
    tpu.enqueue_dma source(%dma_start3A_9 : memref<1x125xi32, #tpu.memory_space<hbm>>) target(%arg7 : memref<1x125xi32, #tpu.memory_space<vmem>>) target_semaphore(%arg13 : memref<!tpu.dma_semaphore, #tpu.memory_space<semaphore_mem>>)
    %dma_start3A_10 = arith.constant 0 : i32
    %dma_start3A_11 = arith.constant 0 : i32
    %dma_start3A_12 = arith.constant 0 : i32
    %dma_start3A_13 = tpu.memref_slice %arg4[%add3A, %dma_start3A_10, %dma_start3A_11, %dma_start3A_12] : memref<32x80x1x125xi32, #tpu.memory_space<hbm>> -> memref<1x1x1x125xi32, #tpu.memory_space<hbm>>
    %dma_start3A_14 = tpu.memref_squeeze %dma_start3A_13 : memref<1x1x1x125xi32, #tpu.memory_space<hbm>> -> memref<1x125xi32, #tpu.memory_space<hbm>>
    %dma_start3A_15 = arith.constant 0 : i32
    %dma_start3A_16 = arith.constant 0 : i32
    %dma_start3A_17 = tpu.memref_slice %arg4[%add3A, %dma_start3A_10, %dma_start3A_15, %dma_start3A_16] : memref<32x80x1x125xi32, #tpu.memory_space<hbm>> -> memref<1x1x1x125xi32, #tpu.memory_space<hbm>>
    %dma_start3A_18 = tpu.memref_squeeze %dma_start3A_17 : memref<1x1x1x125xi32, #tpu.memory_space<hbm>> -> memref<1x125xi32, #tpu.memory_space<hbm>>
    tpu.enqueue_dma source(%dma_start3A_18 : memref<1x125xi32, #tpu.memory_space<hbm>>) target(%arg9 : memref<1x125xi32, #tpu.memory_space<vmem>>) target_semaphore(%arg15 : memref<!tpu.dma_semaphore, #tpu.memory_space<semaphore_mem>>)
    %dma_start3A_19 = arith.constant 1 : i32
    %dma_start3A_20 = arith.constant 0 : i32
    %dma_start3A_21 = arith.constant 0 : i32
    %dma_start3A_22 = tpu.memref_slice %arg3[%add3A, %dma_start3A_19, %dma_start3A_20, %dma_start3A_21] : memref<32x80x1x125xi32, #tpu.memory_space<hbm>> -> memref<1x1x1x125xi32, #tpu.memory_space<hbm>>
    %dma_start3A_23 = tpu.memref_squeeze %dma_start3A_22 : memref<1x1x1x125xi32, #tpu.memory_space<hbm>> -> memref<1x125xi32, #tpu.memory_space<hbm>>
    %dma_start3A_24 = arith.constant 0 : i32
    %dma_start3A_25 = arith.constant 0 : i32
    %dma_start3A_26 = tpu.memref_slice %arg3[%add3A, %dma_start3A_19, %dma_start3A_24, %dma_start3A_25] : memref<32x80x1x125xi32, #tpu.memory_space<hbm>> -> memref<1x1x1x125xi32, #tpu.memory_space<hbm>>
    %dma_start3A_27 = tpu.memref_squeeze %dma_start3A_26 : memref<1x1x1x125xi32, #tpu.memory_space<hbm>> -> memref<1x125xi32, #tpu.memory_space<hbm>>
    tpu.enqueue_dma source(%dma_start3A_27 : memref<1x125xi32, #tpu.memory_space<hbm>>) target(%arg8 : memref<1x125xi32, #tpu.memory_space<vmem>>) target_semaphore(%arg14 : memref<!tpu.dma_semaphore, #tpu.memory_space<semaphore_mem>>)
    %dma_start3A_28 = arith.constant 1 : i32
    %dma_start3A_29 = arith.constant 0 : i32
    %dma_start3A_30 = arith.constant 0 : i32
    %dma_start3A_31 = tpu.memref_slice %arg4[%add3A, %dma_start3A_28, %dma_start3A_29, %dma_start3A_30] : memref<32x80x1x125xi32, #tpu.memory_space<hbm>> -> memref<1x1x1x125xi32, #tpu.memory_space<hbm>>
    %dma_start3A_32 = tpu.memref_squeeze %dma_start3A_31 : memref<1x1x1x125xi32, #tpu.memory_space<hbm>> -> memref<1x125xi32, #tpu.memory_space<hbm>>
    %dma_start3A_33 = arith.constant 0 : i32
    %dma_start3A_34 = arith.constant 0 : i32
    %dma_start3A_35 = tpu.memref_slice %arg4[%add3A, %dma_start3A_28, %dma_start3A_33, %dma_start3A_34] : memref<32x80x1x125xi32, #tpu.memory_space<hbm>> -> memref<1x1x1x125xi32, #tpu.memory_space<hbm>>
    %dma_start3A_36 = tpu.memref_squeeze %dma_start3A_35 : memref<1x1x1x125xi32, #tpu.memory_space<hbm>> -> memref<1x125xi32, #tpu.memory_space<hbm>>
    tpu.enqueue_dma source(%dma_start3A_36 : memref<1x125xi32, #tpu.memory_space<hbm>>) target(%arg10 : memref<1x125xi32, #tpu.memory_space<vmem>>) target_semaphore(%arg16 : memref<!tpu.dma_semaphore, #tpu.memory_space<semaphore_mem>>)
    %scan3A = arith.constant 0 : i32
    %scan3A_37 = arith.constant 0 : i32
    %scan3A_38 = arith.constant 125 : i32
    %scan3A_39 = arith.addi %scan3A_37, %scan3A_38 : i32
    %scan3A_40 = arith.constant 1 : i32
    %scan3A_41 = scf.for %scan3A_112 = %scan3A_37 to %scan3A_39 step %scan3A_40 iter_args(%scan3A_113 = %scan3A) -> (i32)  : i32 {
      %swap3A = arith.index_cast %scan3A_112 : i32 to index
      %swap3A_114 = arith.constant 0 : index
      %swap3A_115 = tpu.vector_load %arg11[%swap3A, %swap3A_114] {strides = array<i32>} : memref<125x128xf32, #tpu.memory_space<vmem>>, vector<1x16xf32>,
      %swap3A_116 = vector.shape_cast %swap3A_115 : vector<1x16xf32> to vector<16xf32>
      %swap3A_117 = vector.shape_cast %broadcast_in_dim3A_1 : vector<16xf32> to vector<1x16xf32>
      tpu.vector_store %arg11[%swap3A, %swap3A_114], %swap3A_117 {strides = array<i32>} : memref<125x128xf32, #tpu.memory_space<vmem>>, vector<1x16xf32>,
      %swap3A_118 = arith.index_cast %scan3A_112 : i32 to index
      %swap3A_119 = arith.constant 16 : index
      %swap3A_120 = tpu.vector_load %arg11[%swap3A_118, %swap3A_119] {strides = array<i32>} : memref<125x128xf32, #tpu.memory_space<vmem>>, vector<1x16xf32>,
      %swap3A_121 = vector.shape_cast %swap3A_120 : vector<1x16xf32> to vector<16xf32>
      %swap3A_122 = vector.shape_cast %broadcast_in_dim3A_1 : vector<16xf32> to vector<1x16xf32>
      tpu.vector_store %arg11[%swap3A_118, %swap3A_119], %swap3A_122 {strides = array<i32>} : memref<125x128xf32, #tpu.memory_space<vmem>>, vector<1x16xf32>,
      %swap3A_123 = arith.index_cast %scan3A_112 : i32 to index
      %swap3A_124 = arith.constant 32 : index
      %swap3A_125 = tpu.vector_load %arg11[%swap3A_123, %swap3A_124] {strides = array<i32>} : memref<125x128xf32, #tpu.memory_space<vmem>>, vector<1x16xf32>,
      %swap3A_126 = vector.shape_cast %swap3A_125 : vector<1x16xf32> to vector<16xf32>
      %swap3A_127 = vector.shape_cast %broadcast_in_dim3A_1 : vector<16xf32> to vector<1x16xf32>
      tpu.vector_store %arg11[%swap3A_123, %swap3A_124], %swap3A_127 {strides = array<i32>} : memref<125x128xf32, #tpu.memory_space<vmem>>, vector<1x16xf32>,
      %swap3A_128 = arith.index_cast %scan3A_112 : i32 to index
      %swap3A_129 = arith.constant 48 : index
      %swap3A_130 = tpu.vector_load %arg11[%swap3A_128, %swap3A_129] {strides = array<i32>} : memref<125x128xf32, #tpu.memory_space<vmem>>, vector<1x16xf32>,
      %swap3A_131 = vector.shape_cast %swap3A_130 : vector<1x16xf32> to vector<16xf32>
      %swap3A_132 = vector.shape_cast %broadcast_in_dim3A_1 : vector<16xf32> to vector<1x16xf32>
      tpu.vector_store %arg11[%swap3A_128, %swap3A_129], %swap3A_132 {strides = array<i32>} : memref<125x128xf32, #tpu.memory_space<vmem>>, vector<1x16xf32>,
      %swap3A_133 = arith.index_cast %scan3A_112 : i32 to index
      %swap3A_134 = arith.constant 64 : index
      %swap3A_135 = tpu.vector_load %arg11[%swap3A_133, %swap3A_134] {strides = array<i32>} : memref<125x128xf32, #tpu.memory_space<vmem>>, vector<1x16xf32>,
      %swap3A_136 = vector.shape_cast %swap3A_135 : vector<1x16xf32> to vector<16xf32>
      %swap3A_137 = vector.shape_cast %broadcast_in_dim3A_1 : vector<16xf32> to vector<1x16xf32>
      tpu.vector_store %arg11[%swap3A_133, %swap3A_134], %swap3A_137 {strides = array<i32>} : memref<125x128xf32, #tpu.memory_space<vmem>>, vector<1x16xf32>,
      %swap3A_138 = arith.index_cast %scan3A_112 : i32 to index
      %swap3A_139 = arith.constant 80 : index
      %swap3A_140 = tpu.vector_load %arg11[%swap3A_138, %swap3A_139] {strides = array<i32>} : memref<125x128xf32, #tpu.memory_space<vmem>>, vector<1x16xf32>,
      %swap3A_141 = vector.shape_cast %swap3A_140 : vector<1x16xf32> to vector<16xf32>
      %swap3A_142 = vector.shape_cast %broadcast_in_dim3A_1 : vector<16xf32> to vector<1x16xf32>
      tpu.vector_store %arg11[%swap3A_138, %swap3A_139], %swap3A_142 {strides = array<i32>} : memref<125x128xf32, #tpu.memory_space<vmem>>, vector<1x16xf32>,
      %swap3A_143 = arith.index_cast %scan3A_112 : i32 to index
      %swap3A_144 = arith.constant 96 : index
      %swap3A_145 = tpu.vector_load %arg11[%swap3A_143, %swap3A_144] {strides = array<i32>} : memref<125x128xf32, #tpu.memory_space<vmem>>, vector<1x16xf32>,
      %swap3A_146 = vector.shape_cast %swap3A_145 : vector<1x16xf32> to vector<16xf32>
      %swap3A_147 = vector.shape_cast %broadcast_in_dim3A_1 : vector<16xf32> to vector<1x16xf32>
      tpu.vector_store %arg11[%swap3A_143, %swap3A_144], %swap3A_147 {strides = array<i32>} : memref<125x128xf32, #tpu.memory_space<vmem>>, vector<1x16xf32>,
      %swap3A_148 = arith.index_cast %scan3A_112 : i32 to index
      %swap3A_149 = arith.constant 112 : index
      %swap3A_150 = tpu.vector_load %arg11[%swap3A_148, %swap3A_149] {strides = array<i32>} : memref<125x128xf32, #tpu.memory_space<vmem>>, vector<1x16xf32>,
      %swap3A_151 = vector.shape_cast %swap3A_150 : vector<1x16xf32> to vector<16xf32>
      %swap3A_152 = vector.shape_cast %broadcast_in_dim3A_1 : vector<16xf32> to vector<1x16xf32>
      tpu.vector_store %arg11[%swap3A_148, %swap3A_149], %swap3A_152 {strides = array<i32>} : memref<125x128xf32, #tpu.memory_space<vmem>>, vector<1x16xf32>,
      %scan3A_153 = arith.constant 0 : i32
      scf.yield %scan3A_153 : i32
    }
    %scan3A_42 = arith.constant 125 : i32
    %dma_wait3A = arith.constant 0 : i32
    %dma_wait3A_43 = arith.constant 0 : i32
    %dma_wait3A_44 = arith.constant 0 : i32
    %dma_wait3A_45 = arith.constant 0 : i32
    %dma_wait3A_46 = tpu.memref_slice %arg3[%dma_wait3A, %dma_wait3A_43, %dma_wait3A_44, %dma_wait3A_45] : memref<32x80x1x125xi32, #tpu.memory_space<hbm>> -> memref<1x1x1x125xi32, #tpu.memory_space<hbm>>
    %dma_wait3A_47 = tpu.memref_squeeze %dma_wait3A_46 : memref<1x1x1x125xi32, #tpu.memory_space<hbm>> -> memref<1x125xi32, #tpu.memory_space<hbm>>
    %dma_wait3A_48 = arith.constant 0 : i32
    %dma_wait3A_49 = arith.constant 0 : i32
    %dma_wait3A_50 = tpu.memref_slice %arg3[%dma_wait3A, %dma_wait3A_43, %dma_wait3A_48, %dma_wait3A_49] : memref<32x80x1x125xi32, #tpu.memory_space<hbm>> -> memref<1x1x1x125xi32, #tpu.memory_space<hbm>>
    %dma_wait3A_51 = tpu.memref_squeeze %dma_wait3A_50 : memref<1x1x1x125xi32, #tpu.memory_space<hbm>> -> memref<1x125xi32, #tpu.memory_space<hbm>>
    tpu.wait_dma2 semaphore(%arg14 : memref<!tpu.dma_semaphore, #tpu.memory_space<semaphore_mem>>) src(%dma_wait3A_51 : memref<1x125xi32, #tpu.memory_space<hbm>>) dst(%arg8 : memref<1x125xi32, #tpu.memory_space<vmem>>)
    %dma_start3A_52 = arith.constant 0 : i32
    %dma_start3A_53 = arith.constant 0 : i32
    %dma_start3A_54 = tpu.memref_slice %arg8[%dma_start3A_52, %dma_start3A_53] : memref<1x125xi32, #tpu.memory_space<vmem>> -> memref<1x125xi32, #tpu.memory_space<vmem>>
    %dma_start3A_55 = tpu.memref_squeeze %dma_start3A_54 : memref<1x125xi32, #tpu.memory_space<vmem>> -> memref<125xi32, #tpu.memory_space<vmem>>
    %dma_start3A_56 = arith.constant 0 : i32
    %dma_start3A_57 = arith.constant 0 : i32
    %dma_start3A_58 = tpu.memref_slice %arg2[%dma_start3A_56, %dma_start3A_57] : memref<10240x128xf32, #tpu.memory_space<hbm>> -> memref<10240x128xf32, #tpu.memory_space<hbm>>
    tpu.enqueue_indirect_dma source(%dma_start3A_58 : memref<10240x128xf32, #tpu.memory_space<hbm>>) target(%arg12 : memref<125x128xf32, #tpu.memory_space<vmem>>) offsets(%dma_start3A_55 : memref<125xi32, #tpu.memory_space<vmem>>) semaphore(%arg18 : memref<!tpu.dma_semaphore, #tpu.memory_space<semaphore_mem>>)
    %mul3A_59 = arith.constant 640 : i32
    %mul3A_60 = arith.muli %arg1, %mul3A_59 : i32
    %add3A_61 = arith.constant 0 : i32
    %add3A_62 = arith.addi %mul3A_60, %add3A_61 : i32
    "tpu.region"() ({
      %run_scoped3A = tpu.sem_alloc : memref<!tpu.dma_semaphore, #tpu.memory_space<semaphore_mem>>
      %dma_start3A_112 = arith.constant 0 : i32
      %dma_start3A_113 = tpu.memref_slice %arg6[%add3A_62, %dma_start3A_112] : memref<10240x128xf32, #tpu.memory_space<vmem_shared>> -> memref<125x128xf32, #tpu.memory_space<vmem_shared>>
      %dma_start3A_114 = arith.constant 0 : i32
      %dma_start3A_115 = tpu.memref_slice %arg6[%add3A_62, %dma_start3A_114] : memref<10240x128xf32, #tpu.memory_space<vmem_shared>> -> memref<125x128xf32, #tpu.memory_space<vmem_shared>>
      tpu.enqueue_dma source(%arg11 : memref<125x128xf32, #tpu.memory_space<vmem>>) target(%dma_start3A_115 : memref<125x128xf32, #tpu.memory_space<vmem_shared>>) target_semaphore(%run_scoped3A : memref<!tpu.dma_semaphore, #tpu.memory_space<semaphore_mem>>)
      %dma_wait3A_116 = arith.constant 0 : i32
      %dma_wait3A_117 = tpu.memref_slice %arg6[%add3A_62, %dma_wait3A_116] : memref<10240x128xf32, #tpu.memory_space<vmem_shared>> -> memref<125x128xf32, #tpu.memory_space<vmem_shared>>
      %dma_wait3A_118 = arith.constant 0 : i32
      %dma_wait3A_119 = tpu.memref_slice %arg6[%add3A_62, %dma_wait3A_118] : memref<10240x128xf32, #tpu.memory_space<vmem_shared>> -> memref<125x128xf32, #tpu.memory_space<vmem_shared>>
      tpu.wait_dma2 semaphore(%run_scoped3A : memref<!tpu.dma_semaphore, #tpu.memory_space<semaphore_mem>>) src(%arg11 : memref<125x128xf32, #tpu.memory_space<vmem>>) dst(%dma_wait3A_119 : memref<125x128xf32, #tpu.memory_space<vmem_shared>>)
      tpu.yield
    }) : () -> ()
    %mul3A_63 = arith.constant 640 : i32
    %mul3A_64 = arith.muli %arg1, %mul3A_63 : i32
    %add3A_65 = arith.constant 125 : i32
    %add3A_66 = arith.addi %mul3A_64, %add3A_65 : i32
    "tpu.region"() ({
      %run_scoped3A = tpu.sem_alloc : memref<!tpu.dma_semaphore, #tpu.memory_space<semaphore_mem>>
      %dma_start3A_112 = arith.constant 0 : i32
      %dma_start3A_113 = tpu.memref_slice %arg6[%add3A_66, %dma_start3A_112] : memref<10240x128xf32, #tpu.memory_space<vmem_shared>> -> memref<125x128xf32, #tpu.memory_space<vmem_shared>>
      %dma_start3A_114 = arith.constant 0 : i32
      %dma_start3A_115 = tpu.memref_slice %arg6[%add3A_66, %dma_start3A_114] : memref<10240x128xf32, #tpu.memory_space<vmem_shared>> -> memref<125x128xf32, #tpu.memory_space<vmem_shared>>
      tpu.enqueue_dma source(%arg11 : memref<125x128xf32, #tpu.memory_space<vmem>>) target(%dma_start3A_115 : memref<125x128xf32, #tpu.memory_space<vmem_shared>>) target_semaphore(%run_scoped3A : memref<!tpu.dma_semaphore, #tpu.memory_space<semaphore_mem>>)
      %dma_wait3A_116 = arith.constant 0 : i32
      %dma_wait3A_117 = tpu.memref_slice %arg6[%add3A_66, %dma_wait3A_116] : memref<10240x128xf32, #tpu.memory_space<vmem_shared>> -> memref<125x128xf32, #tpu.memory_space<vmem_shared>>
      %dma_wait3A_118 = arith.constant 0 : i32
      %dma_wait3A_119 = tpu.memref_slice %arg6[%add3A_66, %dma_wait3A_118] : memref<10240x128xf32, #tpu.memory_space<vmem_shared>> -> memref<125x128xf32, #tpu.memory_space<vmem_shared>>
      tpu.wait_dma2 semaphore(%run_scoped3A : memref<!tpu.dma_semaphore, #tpu.memory_space<semaphore_mem>>) src(%arg11 : memref<125x128xf32, #tpu.memory_space<vmem>>) dst(%dma_wait3A_119 : memref<125x128xf32, #tpu.memory_space<vmem_shared>>)
      tpu.yield
    }) : () -> ()
    %mul3A_67 = arith.constant 640 : i32
    %mul3A_68 = arith.muli %arg1, %mul3A_67 : i32
    %add3A_69 = arith.constant 250 : i32
    %add3A_70 = arith.addi %mul3A_68, %add3A_69 : i32
    "tpu.region"() ({
      %run_scoped3A = tpu.sem_alloc : memref<!tpu.dma_semaphore, #tpu.memory_space<semaphore_mem>>
      %dma_start3A_112 = arith.constant 0 : i32
      %dma_start3A_113 = tpu.memref_slice %arg6[%add3A_70, %dma_start3A_112] : memref<10240x128xf32, #tpu.memory_space<vmem_shared>> -> memref<125x128xf32, #tpu.memory_space<vmem_shared>>
      %dma_start3A_114 = arith.constant 0 : i32
      %dma_start3A_115 = tpu.memref_slice %arg6[%add3A_70, %dma_start3A_114] : memref<10240x128xf32, #tpu.memory_space<vmem_shared>> -> memref<125x128xf32, #tpu.memory_space<vmem_shared>>
      tpu.enqueue_dma source(%arg11 : memref<125x128xf32, #tpu.memory_space<vmem>>) target(%dma_start3A_115 : memref<125x128xf32, #tpu.memory_space<vmem_shared>>) target_semaphore(%run_scoped3A : memref<!tpu.dma_semaphore, #tpu.memory_space<semaphore_mem>>)
      %dma_wait3A_116 = arith.constant 0 : i32
      %dma_wait3A_117 = tpu.memref_slice %arg6[%add3A_70, %dma_wait3A_116] : memref<10240x128xf32, #tpu.memory_space<vmem_shared>> -> memref<125x128xf32, #tpu.memory_space<vmem_shared>>
      %dma_wait3A_118 = arith.constant 0 : i32
      %dma_wait3A_119 = tpu.memref_slice %arg6[%add3A_70, %dma_wait3A_118] : memref<10240x128xf32, #tpu.memory_space<vmem_shared>> -> memref<125x128xf32, #tpu.memory_space<vmem_shared>>
      tpu.wait_dma2 semaphore(%run_scoped3A : memref<!tpu.dma_semaphore, #tpu.memory_space<semaphore_mem>>) src(%arg11 : memref<125x128xf32, #tpu.memory_space<vmem>>) dst(%dma_wait3A_119 : memref<125x128xf32, #tpu.memory_space<vmem_shared>>)
      tpu.yield
    }) : () -> ()
    %mul3A_71 = arith.constant 640 : i32
    %mul3A_72 = arith.muli %arg1, %mul3A_71 : i32
    %add3A_73 = arith.constant 375 : i32
    %add3A_74 = arith.addi %mul3A_72, %add3A_73 : i32
    "tpu.region"() ({
      %run_scoped3A = tpu.sem_alloc : memref<!tpu.dma_semaphore, #tpu.memory_space<semaphore_mem>>
      %dma_start3A_112 = arith.constant 0 : i32
      %dma_start3A_113 = tpu.memref_slice %arg6[%add3A_74, %dma_start3A_112] : memref<10240x128xf32, #tpu.memory_space<vmem_shared>> -> memref<125x128xf32, #tpu.memory_space<vmem_shared>>
      %dma_start3A_114 = arith.constant 0 : i32
      %dma_start3A_115 = tpu.memref_slice %arg6[%add3A_74, %dma_start3A_114] : memref<10240x128xf32, #tpu.memory_space<vmem_shared>> -> memref<125x128xf32, #tpu.memory_space<vmem_shared>>
      tpu.enqueue_dma source(%arg11 : memref<125x128xf32, #tpu.memory_space<vmem>>) target(%dma_start3A_115 : memref<125x128xf32, #tpu.memory_space<vmem_shared>>) target_semaphore(%run_scoped3A : memref<!tpu.dma_semaphore, #tpu.memory_space<semaphore_mem>>)
      %dma_wait3A_116 = arith.constant 0 : i32
      %dma_wait3A_117 = tpu.memref_slice %arg6[%add3A_74, %dma_wait3A_116] : memref<10240x128xf32, #tpu.memory_space<vmem_shared>> -> memref<125x128xf32, #tpu.memory_space<vmem_shared>>
      %dma_wait3A_118 = arith.constant 0 : i32
      %dma_wait3A_119 = tpu.memref_slice %arg6[%add3A_74, %dma_wait3A_118] : memref<10240x128xf32, #tpu.memory_space<vmem_shared>> -> memref<125x128xf32, #tpu.memory_space<vmem_shared>>
      tpu.wait_dma2 semaphore(%run_scoped3A : memref<!tpu.dma_semaphore, #tpu.memory_space<semaphore_mem>>) src(%arg11 : memref<125x128xf32, #tpu.memory_space<vmem>>) dst(%dma_wait3A_119 : memref<125x128xf32, #tpu.memory_space<vmem_shared>>)
      tpu.yield
    }) : () -> ()
    %mul3A_75 = arith.constant 640 : i32
    %mul3A_76 = arith.muli %arg1, %mul3A_75 : i32
    %add3A_77 = arith.constant 500 : i32
    %add3A_78 = arith.addi %mul3A_76, %add3A_77 : i32
    "tpu.region"() ({
      %run_scoped3A = tpu.sem_alloc : memref<!tpu.dma_semaphore, #tpu.memory_space<semaphore_mem>>
      %dma_start3A_112 = arith.constant 0 : i32
      %dma_start3A_113 = tpu.memref_slice %arg6[%add3A_78, %dma_start3A_112] : memref<10240x128xf32, #tpu.memory_space<vmem_shared>> -> memref<125x128xf32, #tpu.memory_space<vmem_shared>>
      %dma_start3A_114 = arith.constant 0 : i32
      %dma_start3A_115 = tpu.memref_slice %arg6[%add3A_78, %dma_start3A_114] : memref<10240x128xf32, #tpu.memory_space<vmem_shared>> -> memref<125x128xf32, #tpu.memory_space<vmem_shared>>
      tpu.enqueue_dma source(%arg11 : memref<125x128xf32, #tpu.memory_space<vmem>>) target(%dma_start3A_115 : memref<125x128xf32, #tpu.memory_space<vmem_shared>>) target_semaphore(%run_scoped3A : memref<!tpu.dma_semaphore, #tpu.memory_space<semaphore_mem>>)
      %dma_wait3A_116 = arith.constant 0 : i32
      %dma_wait3A_117 = tpu.memref_slice %arg6[%add3A_78, %dma_wait3A_116] : memref<10240x128xf32, #tpu.memory_space<vmem_shared>> -> memref<125x128xf32, #tpu.memory_space<vmem_shared>>
      %dma_wait3A_118 = arith.constant 0 : i32
      %dma_wait3A_119 = tpu.memref_slice %arg6[%add3A_78, %dma_wait3A_118] : memref<10240x128xf32, #tpu.memory_space<vmem_shared>> -> memref<125x128xf32, #tpu.memory_space<vmem_shared>>
      tpu.wait_dma2 semaphore(%run_scoped3A : memref<!tpu.dma_semaphore, #tpu.memory_space<semaphore_mem>>) src(%arg11 : memref<125x128xf32, #tpu.memory_space<vmem>>) dst(%dma_wait3A_119 : memref<125x128xf32, #tpu.memory_space<vmem_shared>>)
      tpu.yield
    }) : () -> ()
    %mul3A_79 = arith.constant 640 : i32
    %mul3A_80 = arith.muli %arg1, %mul3A_79 : i32
    %add3A_81 = arith.constant 625 : i32
    %add3A_82 = arith.addi %mul3A_80, %add3A_81 : i32
    "tpu.region"() ({
      %run_scoped3A = tpu.sem_alloc : memref<!tpu.dma_semaphore, #tpu.memory_space<semaphore_mem>>
      %dma_start3A_112 = arith.constant 0 : i32
      %dma_start3A_113 = arith.constant 0 : i32
      %dma_start3A_114 = tpu.memref_slice %arg11[%dma_start3A_112, %dma_start3A_113] : memref<125x128xf32, #tpu.memory_space<vmem>> -> memref<15x128xf32, #tpu.memory_space<vmem>>
      %dma_start3A_115 = arith.constant 0 : i32
      %dma_start3A_116 = tpu.memref_slice %arg6[%add3A_82, %dma_start3A_115] : memref<10240x128xf32, #tpu.memory_space<vmem_shared>> -> memref<15x128xf32, #tpu.memory_space<vmem_shared>>
      %dma_start3A_117 = arith.constant 0 : i32
      %dma_start3A_118 = tpu.memref_slice %arg6[%add3A_82, %dma_start3A_117] : memref<10240x128xf32, #tpu.memory_space<vmem_shared>> -> memref<15x128xf32, #tpu.memory_space<vmem_shared>>
      %dma_start3A_119 = arith.constant 0 : i32
      %dma_start3A_120 = arith.constant 0 : i32
      %dma_start3A_121 = tpu.memref_slice %arg11[%dma_start3A_119, %dma_start3A_120] : memref<125x128xf32, #tpu.memory_space<vmem>> -> memref<15x128xf32, #tpu.memory_space<vmem>>
      tpu.enqueue_dma source(%dma_start3A_121 : memref<15x128xf32, #tpu.memory_space<vmem>>) target(%dma_start3A_118 : memref<15x128xf32, #tpu.memory_space<vmem_shared>>) target_semaphore(%run_scoped3A : memref<!tpu.dma_semaphore, #tpu.memory_space<semaphore_mem>>)
      %dma_wait3A_122 = arith.constant 0 : i32
      %dma_wait3A_123 = arith.constant 0 : i32
      %dma_wait3A_124 = tpu.memref_slice %arg11[%dma_wait3A_122, %dma_wait3A_123] : memref<125x128xf32, #tpu.memory_space<vmem>> -> memref<15x128xf32, #tpu.memory_space<vmem>>
      %dma_wait3A_125 = arith.constant 0 : i32
      %dma_wait3A_126 = tpu.memref_slice %arg6[%add3A_82, %dma_wait3A_125] : memref<10240x128xf32, #tpu.memory_space<vmem_shared>> -> memref<15x128xf32, #tpu.memory_space<vmem_shared>>
      %dma_wait3A_127 = arith.constant 0 : i32
      %dma_wait3A_128 = tpu.memref_slice %arg6[%add3A_82, %dma_wait3A_127] : memref<10240x128xf32, #tpu.memory_space<vmem_shared>> -> memref<15x128xf32, #tpu.memory_space<vmem_shared>>
      %dma_wait3A_129 = arith.constant 0 : i32
      %dma_wait3A_130 = arith.constant 0 : i32
      %dma_wait3A_131 = tpu.memref_slice %arg11[%dma_wait3A_129, %dma_wait3A_130] : memref<125x128xf32, #tpu.memory_space<vmem>> -> memref<15x128xf32, #tpu.memory_space<vmem>>
      tpu.wait_dma2 semaphore(%run_scoped3A : memref<!tpu.dma_semaphore, #tpu.memory_space<semaphore_mem>>) src(%dma_wait3A_131 : memref<15x128xf32, #tpu.memory_space<vmem>>) dst(%dma_wait3A_128 : memref<15x128xf32, #tpu.memory_space<vmem_shared>>)
      tpu.yield
    }) : () -> ()
    %dma_wait3A_83 = arith.constant 0 : i32
    %dma_wait3A_84 = arith.constant 0 : i32
    %dma_wait3A_85 = arith.constant 0 : i32
    %dma_wait3A_86 = arith.constant 0 : i32
    %dma_wait3A_87 = tpu.memref_slice %arg3[%dma_wait3A_83, %dma_wait3A_84, %dma_wait3A_85, %dma_wait3A_86] : memref<32x80x1x125xi32, #tpu.memory_space<hbm>> -> memref<1x1x1x125xi32, #tpu.memory_space<hbm>>
    %dma_wait3A_88 = tpu.memref_squeeze %dma_wait3A_87 : memref<1x1x1x125xi32, #tpu.memory_space<hbm>> -> memref<1x125xi32, #tpu.memory_space<hbm>>
    %dma_wait3A_89 = arith.constant 0 : i32
    %dma_wait3A_90 = arith.constant 0 : i32
    %dma_wait3A_91 = tpu.memref_slice %arg3[%dma_wait3A_83, %dma_wait3A_84, %dma_wait3A_89, %dma_wait3A_90] : memref<32x80x1x125xi32, #tpu.memory_space<hbm>> -> memref<1x1x1x125xi32, #tpu.memory_space<hbm>>
    %dma_wait3A_92 = tpu.memref_squeeze %dma_wait3A_91 : memref<1x1x1x125xi32, #tpu.memory_space<hbm>> -> memref<1x125xi32, #tpu.memory_space<hbm>>
    tpu.wait_dma2 semaphore(%arg13 : memref<!tpu.dma_semaphore, #tpu.memory_space<semaphore_mem>>) src(%dma_wait3A_92 : memref<1x125xi32, #tpu.memory_space<hbm>>) dst(%arg7 : memref<1x125xi32, #tpu.memory_space<vmem>>)
    %dma_start3A_93 = arith.constant 0 : i32
    %dma_start3A_94 = arith.constant 0 : i32
    %dma_start3A_95 = tpu.memref_slice %arg7[%dma_start3A_93, %dma_start3A_94] : memref<1x125xi32, #tpu.memory_space<vmem>> -> memref<1x125xi32, #tpu.memory_space<vmem>>
    %dma_start3A_96 = tpu.memref_squeeze %dma_start3A_95 : memref<1x125xi32, #tpu.memory_space<vmem>> -> memref<125xi32, #tpu.memory_space<vmem>>
    %dma_start3A_97 = arith.constant 0 : i32
    %dma_start3A_98 = arith.constant 0 : i32
    %dma_start3A_99 = tpu.memref_slice %arg2[%dma_start3A_97, %dma_start3A_98] : memref<10240x128xf32, #tpu.memory_space<hbm>> -> memref<10240x128xf32, #tpu.memory_space<hbm>>
    tpu.enqueue_indirect_dma source(%dma_start3A_99 : memref<10240x128xf32, #tpu.memory_space<hbm>>) target(%arg11 : memref<125x128xf32, #tpu.memory_space<vmem>>) offsets(%dma_start3A_96 : memref<125xi32, #tpu.memory_space<vmem>>) semaphore(%arg17 : memref<!tpu.dma_semaphore, #tpu.memory_space<semaphore_mem>>)
    %barrier3A = arith.constant 0 : index
    tpu.barrier barrier_id(%barrier3A)
    %scan3A_100 = arith.constant 0 : i32
    %scan3A_101 = arith.constant 0 : i32
    %scan3A_102 = arith.constant 40 : i32
    %scan3A_103 = arith.addi %scan3A_101, %scan3A_102 : i32
    %scan3A_104 = arith.constant 1 : i32
    %scan3A_105 = scf.for %scan3A_112 = %scan3A_101 to %scan3A_103 step %scan3A_104 iter_args(%scan3A_113 = %scan3A_100) -> (i32)  : i32 {
      %dma_wait3A_114 = arith.constant 0 : i32
      %dma_wait3A_115 = arith.constant 0 : i32
      %dma_wait3A_116 = tpu.memref_slice %arg7[%dma_wait3A_114, %dma_wait3A_115] : memref<1x125xi32, #tpu.memory_space<vmem>> -> memref<1x125xi32, #tpu.memory_space<vmem>>
      %dma_wait3A_117 = tpu.memref_squeeze %dma_wait3A_116 : memref<1x125xi32, #tpu.memory_space<vmem>> -> memref<125xi32, #tpu.memory_space<vmem>>
      %dma_wait3A_118 = arith.constant 0 : i32
      %dma_wait3A_119 = arith.constant 0 : i32
      %dma_wait3A_120 = tpu.memref_slice %arg2[%dma_wait3A_118, %dma_wait3A_119] : memref<10240x128xf32, #tpu.memory_space<hbm>> -> memref<10240x128xf32, #tpu.memory_space<hbm>>
      tpu.wait_indirect_dma semaphore(%arg17 : memref<!tpu.dma_semaphore, #tpu.memory_space<semaphore_mem>>) src(%dma_wait3A_120 : memref<10240x128xf32, #tpu.memory_space<hbm>>) dst(%arg11 : memref<125x128xf32, #tpu.memory_space<vmem>>)
      %lt3A = arith.constant 39 : i32
      %lt3A_121 = arith.cmpi slt, %scan3A_112, %lt3A : i32
      %convert_element_type3A = arith.extui %lt3A_121 : i1 to i32
      %cond3A = arith.constant 0 : i32
      %cond3A_122 = arith.cmpi ne, %convert_element_type3A, %cond3A : i32
      scf.if %cond3A_122 {
        %mul3A_194 = arith.constant 2 : i32
        %mul3A_195 = arith.muli %mul3A_194, %scan3A_112 : i32
        %add3A_196 = arith.constant 2 : i32
        %add3A_197 = arith.addi %mul3A_195, %add3A_196 : i32
        %dma_start3A_198 = arith.constant 0 : i32
        %dma_start3A_199 = arith.constant 0 : i32
        %dma_start3A_200 = tpu.memref_slice %arg3[%add3A, %add3A_197, %dma_start3A_198, %dma_start3A_199] : memref<32x80x1x125xi32, #tpu.memory_space<hbm>> -> memref<1x1x1x125xi32, #tpu.memory_space<hbm>>
        %dma_start3A_201 = tpu.memref_squeeze %dma_start3A_200 : memref<1x1x1x125xi32, #tpu.memory_space<hbm>> -> memref<1x125xi32, #tpu.memory_space<hbm>>
        %dma_start3A_202 = arith.constant 0 : i32
        %dma_start3A_203 = arith.constant 0 : i32
        %dma_start3A_204 = tpu.memref_slice %arg3[%add3A, %add3A_197, %dma_start3A_202, %dma_start3A_203] : memref<32x80x1x125xi32, #tpu.memory_space<hbm>> -> memref<1x1x1x125xi32, #tpu.memory_space<hbm>>
        %dma_start3A_205 = tpu.memref_squeeze %dma_start3A_204 : memref<1x1x1x125xi32, #tpu.memory_space<hbm>> -> memref<1x125xi32, #tpu.memory_space<hbm>>
        tpu.enqueue_dma source(%dma_start3A_205 : memref<1x125xi32, #tpu.memory_space<hbm>>) target(%arg7 : memref<1x125xi32, #tpu.memory_space<vmem>>) target_semaphore(%arg13 : memref<!tpu.dma_semaphore, #tpu.memory_space<semaphore_mem>>)
      } else {
      }
      %dma_wait3A_123 = arith.constant 0 : i32
      %dma_wait3A_124 = arith.constant 0 : i32
      %dma_wait3A_125 = arith.constant 0 : i32
      %dma_wait3A_126 = arith.constant 0 : i32
      %dma_wait3A_127 = tpu.memref_slice %arg3[%dma_wait3A_123, %dma_wait3A_124, %dma_wait3A_125, %dma_wait3A_126] : memref<32x80x1x125xi32, #tpu.memory_space<hbm>> -> memref<1x1x1x125xi32, #tpu.memory_space<hbm>>
      %dma_wait3A_128 = tpu.memref_squeeze %dma_wait3A_127 : memref<1x1x1x125xi32, #tpu.memory_space<hbm>> -> memref<1x125xi32, #tpu.memory_space<hbm>>
      %dma_wait3A_129 = arith.constant 0 : i32
      %dma_wait3A_130 = arith.constant 0 : i32
      %dma_wait3A_131 = tpu.memref_slice %arg3[%dma_wait3A_123, %dma_wait3A_124, %dma_wait3A_129, %dma_wait3A_130] : memref<32x80x1x125xi32, #tpu.memory_space<hbm>> -> memref<1x1x1x125xi32, #tpu.memory_space<hbm>>
      %dma_wait3A_132 = tpu.memref_squeeze %dma_wait3A_131 : memref<1x1x1x125xi32, #tpu.memory_space<hbm>> -> memref<1x125xi32, #tpu.memory_space<hbm>>
      tpu.wait_dma2 semaphore(%arg15 : memref<!tpu.dma_semaphore, #tpu.memory_space<semaphore_mem>>) src(%dma_wait3A_132 : memref<1x125xi32, #tpu.memory_space<hbm>>) dst(%arg9 : memref<1x125xi32, #tpu.memory_space<vmem>>)
      %dma_start3A_133 = arith.constant 0 : i32
      %dma_start3A_134 = arith.constant 0 : i32
      %dma_start3A_135 = tpu.memref_slice %arg9[%dma_start3A_133, %dma_start3A_134] : memref<1x125xi32, #tpu.memory_space<vmem>> -> memref<1x125xi32, #tpu.memory_space<vmem>>
      %dma_start3A_136 = tpu.memref_squeeze %dma_start3A_135 : memref<1x125xi32, #tpu.memory_space<vmem>> -> memref<125xi32, #tpu.memory_space<vmem>>
      %dma_start3A_137 = arith.constant 0 : i32
      %dma_start3A_138 = arith.constant 0 : i32
      %dma_start3A_139 = tpu.memref_slice %arg6[%dma_start3A_137, %dma_start3A_138] : memref<10240x128xf32, #tpu.memory_space<vmem_shared>> -> memref<10240x128xf32, #tpu.memory_space<vmem_shared>>
      tpu.enqueue_indirect_dma source(%arg11 : memref<125x128xf32, #tpu.memory_space<vmem>>) target(%dma_start3A_139 : memref<10240x128xf32, #tpu.memory_space<vmem_shared>>) offsets(%dma_start3A_136 : memref<125xi32, #tpu.memory_space<vmem>>) semaphore(%arg19 : memref<!tpu.dma_semaphore, #tpu.memory_space<semaphore_mem>>) {add = true}
      %dma_wait3A_140 = arith.constant 0 : i32
      %dma_wait3A_141 = arith.constant 0 : i32
      %dma_wait3A_142 = tpu.memref_slice %arg9[%dma_wait3A_140, %dma_wait3A_141] : memref<1x125xi32, #tpu.memory_space<vmem>> -> memref<1x125xi32, #tpu.memory_space<vmem>>
      %dma_wait3A_143 = tpu.memref_squeeze %dma_wait3A_142 : memref<1x125xi32, #tpu.memory_space<vmem>> -> memref<125xi32, #tpu.memory_space<vmem>>
      %dma_wait3A_144 = arith.constant 0 : i32
      %dma_wait3A_145 = arith.constant 0 : i32
      %dma_wait3A_146 = tpu.memref_slice %arg6[%dma_wait3A_144, %dma_wait3A_145] : memref<10240x128xf32, #tpu.memory_space<vmem_shared>> -> memref<10240x128xf32, #tpu.memory_space<vmem_shared>>
      tpu.wait_indirect_dma semaphore(%arg19 : memref<!tpu.dma_semaphore, #tpu.memory_space<semaphore_mem>>) src(%arg11 : memref<125x128xf32, #tpu.memory_space<vmem>>) dst(%dma_wait3A_146 : memref<10240x128xf32, #tpu.memory_space<vmem_shared>>)
      %lt3A_147 = arith.constant 39 : i32
      %lt3A_148 = arith.cmpi slt, %scan3A_112, %lt3A_147 : i32
      %convert_element_type3A_149 = arith.extui %lt3A_148 : i1 to i32
      %cond3A_150 = arith.constant 0 : i32
      %cond3A_151 = arith.cmpi ne, %convert_element_type3A_149, %cond3A_150 : i32
      scf.if %cond3A_151 {
        %mul3A_194 = arith.constant 2 : i32
        %mul3A_195 = arith.muli %mul3A_194, %scan3A_112 : i32
        %add3A_196 = arith.constant 2 : i32
        %add3A_197 = arith.addi %mul3A_195, %add3A_196 : i32
        %dma_start3A_198 = arith.constant 0 : i32
        %dma_start3A_199 = arith.constant 0 : i32
        %dma_start3A_200 = tpu.memref_slice %arg4[%add3A, %add3A_197, %dma_start3A_198, %dma_start3A_199] : memref<32x80x1x125xi32, #tpu.memory_space<hbm>> -> memref<1x1x1x125xi32, #tpu.memory_space<hbm>>
        %dma_start3A_201 = tpu.memref_squeeze %dma_start3A_200 : memref<1x1x1x125xi32, #tpu.memory_space<hbm>> -> memref<1x125xi32, #tpu.memory_space<hbm>>
        %dma_start3A_202 = arith.constant 0 : i32
        %dma_start3A_203 = arith.constant 0 : i32
        %dma_start3A_204 = tpu.memref_slice %arg4[%add3A, %add3A_197, %dma_start3A_202, %dma_start3A_203] : memref<32x80x1x125xi32, #tpu.memory_space<hbm>> -> memref<1x1x1x125xi32, #tpu.memory_space<hbm>>
        %dma_start3A_205 = tpu.memref_squeeze %dma_start3A_204 : memref<1x1x1x125xi32, #tpu.memory_space<hbm>> -> memref<1x125xi32, #tpu.memory_space<hbm>>
        tpu.enqueue_dma source(%dma_start3A_205 : memref<1x125xi32, #tpu.memory_space<hbm>>) target(%arg9 : memref<1x125xi32, #tpu.memory_space<vmem>>) target_semaphore(%arg15 : memref<!tpu.dma_semaphore, #tpu.memory_space<semaphore_mem>>)
        %dma_wait3A_206 = arith.constant 0 : i32
        %dma_wait3A_207 = arith.constant 0 : i32
        %dma_wait3A_208 = arith.constant 0 : i32
        %dma_wait3A_209 = arith.constant 0 : i32
        %dma_wait3A_210 = tpu.memref_slice %arg3[%dma_wait3A_206, %dma_wait3A_207, %dma_wait3A_208, %dma_wait3A_209] : memref<32x80x1x125xi32, #tpu.memory_space<hbm>> -> memref<1x1x1x125xi32, #tpu.memory_space<hbm>>
        %dma_wait3A_211 = tpu.memref_squeeze %dma_wait3A_210 : memref<1x1x1x125xi32, #tpu.memory_space<hbm>> -> memref<1x125xi32, #tpu.memory_space<hbm>>
        %dma_wait3A_212 = arith.constant 0 : i32
        %dma_wait3A_213 = arith.constant 0 : i32
        %dma_wait3A_214 = tpu.memref_slice %arg3[%dma_wait3A_206, %dma_wait3A_207, %dma_wait3A_212, %dma_wait3A_213] : memref<32x80x1x125xi32, #tpu.memory_space<hbm>> -> memref<1x1x1x125xi32, #tpu.memory_space<hbm>>
        %dma_wait3A_215 = tpu.memref_squeeze %dma_wait3A_214 : memref<1x1x1x125xi32, #tpu.memory_space<hbm>> -> memref<1x125xi32, #tpu.memory_space<hbm>>
        tpu.wait_dma2 semaphore(%arg13 : memref<!tpu.dma_semaphore, #tpu.memory_space<semaphore_mem>>) src(%dma_wait3A_215 : memref<1x125xi32, #tpu.memory_space<hbm>>) dst(%arg7 : memref<1x125xi32, #tpu.memory_space<vmem>>)
        %dma_start3A_216 = arith.constant 0 : i32
        %dma_start3A_217 = arith.constant 0 : i32
        %dma_start3A_218 = tpu.memref_slice %arg7[%dma_start3A_216, %dma_start3A_217] : memref<1x125xi32, #tpu.memory_space<vmem>> -> memref<1x125xi32, #tpu.memory_space<vmem>>
        %dma_start3A_219 = tpu.memref_squeeze %dma_start3A_218 : memref<1x125xi32, #tpu.memory_space<vmem>> -> memref<125xi32, #tpu.memory_space<vmem>>
        %dma_start3A_220 = arith.constant 0 : i32
        %dma_start3A_221 = arith.constant 0 : i32
        %dma_start3A_222 = tpu.memref_slice %arg2[%dma_start3A_220, %dma_start3A_221] : memref<10240x128xf32, #tpu.memory_space<hbm>> -> memref<10240x128xf32, #tpu.memory_space<hbm>>
        tpu.enqueue_indirect_dma source(%dma_start3A_222 : memref<10240x128xf32, #tpu.memory_space<hbm>>) target(%arg11 : memref<125x128xf32, #tpu.memory_space<vmem>>) offsets(%dma_start3A_219 : memref<125xi32, #tpu.memory_space<vmem>>) semaphore(%arg17 : memref<!tpu.dma_semaphore, #tpu.memory_space<semaphore_mem>>)
      } else {
      }
      %dma_wait3A_152 = arith.constant 0 : i32
      %dma_wait3A_153 = arith.constant 0 : i32
      %dma_wait3A_154 = tpu.memref_slice %arg8[%dma_wait3A_152, %dma_wait3A_153] : memref<1x125xi32, #tpu.memory_space<vmem>> -> memref<1x125xi32, #tpu.memory_space<vmem>>
      %dma_wait3A_155 = tpu.memref_squeeze %dma_wait3A_154 : memref<1x125xi32, #tpu.memory_space<vmem>> -> memref<125xi32, #tpu.memory_space<vmem>>
      %dma_wait3A_156 = arith.constant 0 : i32
      %dma_wait3A_157 = arith.constant 0 : i32
      %dma_wait3A_158 = tpu.memref_slice %arg2[%dma_wait3A_156, %dma_wait3A_157] : memref<10240x128xf32, #tpu.memory_space<hbm>> -> memref<10240x128xf32, #tpu.memory_space<hbm>>
      tpu.wait_indirect_dma semaphore(%arg18 : memref<!tpu.dma_semaphore, #tpu.memory_space<semaphore_mem>>) src(%dma_wait3A_158 : memref<10240x128xf32, #tpu.memory_space<hbm>>) dst(%arg12 : memref<125x128xf32, #tpu.memory_space<vmem>>)
      %lt3A_159 = arith.constant 39 : i32
      %lt3A_160 = arith.cmpi slt, %scan3A_112, %lt3A_159 : i32
      %convert_element_type3A_161 = arith.extui %lt3A_160 : i1 to i32
      %cond3A_162 = arith.constant 0 : i32
      %cond3A_163 = arith.cmpi ne, %convert_element_type3A_161, %cond3A_162 : i32
      scf.if %cond3A_163 {
        %mul3A_194 = arith.constant 2 : i32
        %mul3A_195 = arith.muli %mul3A_194, %scan3A_112 : i32
        %add3A_196 = arith.constant 3 : i32
        %add3A_197 = arith.addi %mul3A_195, %add3A_196 : i32
        %dma_start3A_198 = arith.constant 0 : i32
        %dma_start3A_199 = arith.constant 0 : i32
        %dma_start3A_200 = tpu.memref_slice %arg3[%add3A, %add3A_197, %dma_start3A_198, %dma_start3A_199] : memref<32x80x1x125xi32, #tpu.memory_space<hbm>> -> memref<1x1x1x125xi32, #tpu.memory_space<hbm>>
        %dma_start3A_201 = tpu.memref_squeeze %dma_start3A_200 : memref<1x1x1x125xi32, #tpu.memory_space<hbm>> -> memref<1x125xi32, #tpu.memory_space<hbm>>
        %dma_start3A_202 = arith.constant 0 : i32
        %dma_start3A_203 = arith.constant 0 : i32
        %dma_start3A_204 = tpu.memref_slice %arg3[%add3A, %add3A_197, %dma_start3A_202, %dma_start3A_203] : memref<32x80x1x125xi32, #tpu.memory_space<hbm>> -> memref<1x1x1x125xi32, #tpu.memory_space<hbm>>
        %dma_start3A_205 = tpu.memref_squeeze %dma_start3A_204 : memref<1x1x1x125xi32, #tpu.memory_space<hbm>> -> memref<1x125xi32, #tpu.memory_space<hbm>>
        tpu.enqueue_dma source(%dma_start3A_205 : memref<1x125xi32, #tpu.memory_space<hbm>>) target(%arg8 : memref<1x125xi32, #tpu.memory_space<vmem>>) target_semaphore(%arg14 : memref<!tpu.dma_semaphore, #tpu.memory_space<semaphore_mem>>)
      } else {
      }
      %dma_wait3A_164 = arith.constant 0 : i32
      %dma_wait3A_165 = arith.constant 0 : i32
      %dma_wait3A_166 = arith.constant 0 : i32
      %dma_wait3A_167 = arith.constant 0 : i32
      %dma_wait3A_168 = tpu.memref_slice %arg3[%dma_wait3A_164, %dma_wait3A_165, %dma_wait3A_166, %dma_wait3A_167] : memref<32x80x1x125xi32, #tpu.memory_space<hbm>> -> memref<1x1x1x125xi32, #tpu.memory_space<hbm>>
      %dma_wait3A_169 = tpu.memref_squeeze %dma_wait3A_168 : memref<1x1x1x125xi32, #tpu.memory_space<hbm>> -> memref<1x125xi32, #tpu.memory_space<hbm>>
      %dma_wait3A_170 = arith.constant 0 : i32
      %dma_wait3A_171 = arith.constant 0 : i32
      %dma_wait3A_172 = tpu.memref_slice %arg3[%dma_wait3A_164, %dma_wait3A_165, %dma_wait3A_170, %dma_wait3A_171] : memref<32x80x1x125xi32, #tpu.memory_space<hbm>> -> memref<1x1x1x125xi32, #tpu.memory_space<hbm>>
      %dma_wait3A_173 = tpu.memref_squeeze %dma_wait3A_172 : memref<1x1x1x125xi32, #tpu.memory_space<hbm>> -> memref<1x125xi32, #tpu.memory_space<hbm>>
      tpu.wait_dma2 semaphore(%arg16 : memref<!tpu.dma_semaphore, #tpu.memory_space<semaphore_mem>>) src(%dma_wait3A_173 : memref<1x125xi32, #tpu.memory_space<hbm>>) dst(%arg10 : memref<1x125xi32, #tpu.memory_space<vmem>>)
      %dma_start3A_174 = arith.constant 0 : i32
      %dma_start3A_175 = arith.constant 0 : i32
      %dma_start3A_176 = tpu.memref_slice %arg10[%dma_start3A_174, %dma_start3A_175] : memref<1x125xi32, #tpu.memory_space<vmem>> -> memref<1x125xi32, #tpu.memory_space<vmem>>
      %dma_start3A_177 = tpu.memref_squeeze %dma_start3A_176 : memref<1x125xi32, #tpu.memory_space<vmem>> -> memref<125xi32, #tpu.memory_space<vmem>>
      %dma_start3A_178 = arith.constant 0 : i32
      %dma_start3A_179 = arith.constant 0 : i32
      %dma_start3A_180 = tpu.memref_slice %arg6[%dma_start3A_178, %dma_start3A_179] : memref<10240x128xf32, #tpu.memory_space<vmem_shared>> -> memref<10240x128xf32, #tpu.memory_space<vmem_shared>>
      tpu.enqueue_indirect_dma source(%arg12 : memref<125x128xf32, #tpu.memory_space<vmem>>) target(%dma_start3A_180 : memref<10240x128xf32, #tpu.memory_space<vmem_shared>>) offsets(%dma_start3A_177 : memref<125xi32, #tpu.memory_space<vmem>>) semaphore(%arg20 : memref<!tpu.dma_semaphore, #tpu.memory_space<semaphore_mem>>) {add = true}
      %dma_wait3A_181 = arith.constant 0 : i32
      %dma_wait3A_182 = arith.constant 0 : i32
      %dma_wait3A_183 = tpu.memref_slice %arg10[%dma_wait3A_181, %dma_wait3A_182] : memref<1x125xi32, #tpu.memory_space<vmem>> -> memref<1x125xi32, #tpu.memory_space<vmem>>
      %dma_wait3A_184 = tpu.memref_squeeze %dma_wait3A_183 : memref<1x125xi32, #tpu.memory_space<vmem>> -> memref<125xi32, #tpu.memory_space<vmem>>
      %dma_wait3A_185 = arith.constant 0 : i32
      %dma_wait3A_186 = arith.constant 0 : i32
      %dma_wait3A_187 = tpu.memref_slice %arg6[%dma_wait3A_185, %dma_wait3A_186] : memref<10240x128xf32, #tpu.memory_space<vmem_shared>> -> memref<10240x128xf32, #tpu.memory_space<vmem_shared>>
      tpu.wait_indirect_dma semaphore(%arg20 : memref<!tpu.dma_semaphore, #tpu.memory_space<semaphore_mem>>) src(%arg12 : memref<125x128xf32, #tpu.memory_space<vmem>>) dst(%dma_wait3A_187 : memref<10240x128xf32, #tpu.memory_space<vmem_shared>>)
      %lt3A_188 = arith.constant 39 : i32
      %lt3A_189 = arith.cmpi slt, %scan3A_112, %lt3A_188 : i32
      %convert_element_type3A_190 = arith.extui %lt3A_189 : i1 to i32
      %cond3A_191 = arith.constant 0 : i32
      %cond3A_192 = arith.cmpi ne, %convert_element_type3A_190, %cond3A_191 : i32
      scf.if %cond3A_192 {
        %mul3A_194 = arith.constant 2 : i32
        %mul3A_195 = arith.muli %mul3A_194, %scan3A_112 : i32
        %add3A_196 = arith.constant 3 : i32
        %add3A_197 = arith.addi %mul3A_195, %add3A_196 : i32
        %dma_start3A_198 = arith.constant 0 : i32
        %dma_start3A_199 = arith.constant 0 : i32
        %dma_start3A_200 = tpu.memref_slice %arg4[%add3A, %add3A_197, %dma_start3A_198, %dma_start3A_199] : memref<32x80x1x125xi32, #tpu.memory_space<hbm>> -> memref<1x1x1x125xi32, #tpu.memory_space<hbm>>
        %dma_start3A_201 = tpu.memref_squeeze %dma_start3A_200 : memref<1x1x1x125xi32, #tpu.memory_space<hbm>> -> memref<1x125xi32, #tpu.memory_space<hbm>>
        %dma_start3A_202 = arith.constant 0 : i32
        %dma_start3A_203 = arith.constant 0 : i32
        %dma_start3A_204 = tpu.memref_slice %arg4[%add3A, %add3A_197, %dma_start3A_202, %dma_start3A_203] : memref<32x80x1x125xi32, #tpu.memory_space<hbm>> -> memref<1x1x1x125xi32, #tpu.memory_space<hbm>>
        %dma_start3A_205 = tpu.memref_squeeze %dma_start3A_204 : memref<1x1x1x125xi32, #tpu.memory_space<hbm>> -> memref<1x125xi32, #tpu.memory_space<hbm>>
        tpu.enqueue_dma source(%dma_start3A_205 : memref<1x125xi32, #tpu.memory_space<hbm>>) target(%arg10 : memref<1x125xi32, #tpu.memory_space<vmem>>) target_semaphore(%arg16 : memref<!tpu.dma_semaphore, #tpu.memory_space<semaphore_mem>>)
        %dma_wait3A_206 = arith.constant 0 : i32
        %dma_wait3A_207 = arith.constant 0 : i32
        %dma_wait3A_208 = arith.constant 0 : i32
        %dma_wait3A_209 = arith.constant 0 : i32
        %dma_wait3A_210 = tpu.memref_slice %arg3[%dma_wait3A_206, %dma_wait3A_207, %dma_wait3A_208, %dma_wait3A_209] : memref<32x80x1x125xi32, #tpu.memory_space<hbm>> -> memref<1x1x1x125xi32, #tpu.memory_space<hbm>>
        %dma_wait3A_211 = tpu.memref_squeeze %dma_wait3A_210 : memref<1x1x1x125xi32, #tpu.memory_space<hbm>> -> memref<1x125xi32, #tpu.memory_space<hbm>>
        %dma_wait3A_212 = arith.constant 0 : i32
        %dma_wait3A_213 = arith.constant 0 : i32
        %dma_wait3A_214 = tpu.memref_slice %arg3[%dma_wait3A_206, %dma_wait3A_207, %dma_wait3A_212, %dma_wait3A_213] : memref<32x80x1x125xi32, #tpu.memory_space<hbm>> -> memref<1x1x1x125xi32, #tpu.memory_space<hbm>>
        %dma_wait3A_215 = tpu.memref_squeeze %dma_wait3A_214 : memref<1x1x1x125xi32, #tpu.memory_space<hbm>> -> memref<1x125xi32, #tpu.memory_space<hbm>>
        tpu.wait_dma2 semaphore(%arg14 : memref<!tpu.dma_semaphore, #tpu.memory_space<semaphore_mem>>) src(%dma_wait3A_215 : memref<1x125xi32, #tpu.memory_space<hbm>>) dst(%arg8 : memref<1x125xi32, #tpu.memory_space<vmem>>)
        %dma_start3A_216 = arith.constant 0 : i32
        %dma_start3A_217 = arith.constant 0 : i32
        %dma_start3A_218 = tpu.memref_slice %arg8[%dma_start3A_216, %dma_start3A_217] : memref<1x125xi32, #tpu.memory_space<vmem>> -> memref<1x125xi32, #tpu.memory_space<vmem>>
        %dma_start3A_219 = tpu.memref_squeeze %dma_start3A_218 : memref<1x125xi32, #tpu.memory_space<vmem>> -> memref<125xi32, #tpu.memory_space<vmem>>
        %dma_start3A_220 = arith.constant 0 : i32
        %dma_start3A_221 = arith.constant 0 : i32
        %dma_start3A_222 = tpu.memref_slice %arg2[%dma_start3A_220, %dma_start3A_221] : memref<10240x128xf32, #tpu.memory_space<hbm>> -> memref<10240x128xf32, #tpu.memory_space<hbm>>
        tpu.enqueue_indirect_dma source(%dma_start3A_222 : memref<10240x128xf32, #tpu.memory_space<hbm>>) target(%arg12 : memref<125x128xf32, #tpu.memory_space<vmem>>) offsets(%dma_start3A_219 : memref<125xi32, #tpu.memory_space<vmem>>) semaphore(%arg18 : memref<!tpu.dma_semaphore, #tpu.memory_space<semaphore_mem>>)
      } else {
      }
      %scan3A_193 = arith.constant 0 : i32
      scf.yield %scan3A_193 : i32
    }
    %scan3A_106 = arith.constant 40 : i32
    %barrier3A_107 = arith.constant 0 : index
    tpu.barrier barrier_id(%barrier3A_107)
    %mul3A_108 = arith.constant 640 : i32
    %mul3A_109 = arith.muli %arg1, %mul3A_108 : i32
    %mul3A_110 = arith.constant 640 : i32
    %mul3A_111 = arith.muli %arg1, %mul3A_110 : i32
    "tpu.region"() ({
      %run_scoped3A = tpu.sem_alloc : memref<!tpu.dma_semaphore, #tpu.memory_space<semaphore_mem>>
      %dma_start3A_112 = arith.constant 0 : i32
      %dma_start3A_113 = tpu.memref_slice %arg5[%arg0, %mul3A_111, %dma_start3A_112] : memref<2x10240x128xf32, #tpu.memory_space<hbm>> -> memref<1x640x128xf32, #tpu.memory_space<hbm>>
      %dma_start3A_114 = tpu.memref_squeeze %dma_start3A_113 : memref<1x640x128xf32, #tpu.memory_space<hbm>> -> memref<640x128xf32, #tpu.memory_space<hbm>>
      %dma_start3A_115 = arith.constant 0 : i32
      %dma_start3A_116 = tpu.memref_slice %arg6[%mul3A_109, %dma_start3A_115] : memref<10240x128xf32, #tpu.memory_space<vmem_shared>> -> memref<640x128xf32, #tpu.memory_space<vmem_shared>>
      tpu.enqueue_dma source(%dma_start3A_116 : memref<640x128xf32, #tpu.memory_space<vmem_shared>>) target(%dma_start3A_114 : memref<640x128xf32, #tpu.memory_space<hbm>>) target_semaphore(%run_scoped3A : memref<!tpu.dma_semaphore, #tpu.memory_space<semaphore_mem>>)
      %dma_wait3A_117 = arith.constant 0 : i32
      %dma_wait3A_118 = tpu.memref_slice %arg5[%arg0, %mul3A_111, %dma_wait3A_117] : memref<2x10240x128xf32, #tpu.memory_space<hbm>> -> memref<1x640x128xf32, #tpu.memory_space<hbm>>
      %dma_wait3A_119 = tpu.memref_squeeze %dma_wait3A_118 : memref<1x640x128xf32, #tpu.memory_space<hbm>> -> memref<640x128xf32, #tpu.memory_space<hbm>>
      %dma_wait3A_120 = arith.constant 0 : i32
      %dma_wait3A_121 = tpu.memref_slice %arg6[%mul3A_109, %dma_wait3A_120] : memref<10240x128xf32, #tpu.memory_space<vmem_shared>> -> memref<640x128xf32, #tpu.memory_space<vmem_shared>>
      tpu.wait_dma2 semaphore(%run_scoped3A : memref<!tpu.dma_semaphore, #tpu.memory_space<semaphore_mem>>) src(%dma_wait3A_121 : memref<640x128xf32, #tpu.memory_space<vmem_shared>>) dst(%dma_wait3A_119 : memref<640x128xf32, #tpu.memory_space<hbm>>)
      tpu.yield
    }) : () -> ()
    return
  }
}

#map = affine_map<(d0, d1) -> (0, 0)>
#map1 = affine_map<(d0, d1) -> (0, 0, 0, 0)>
#map2 = affine_map<(d0, d1) -> (0, 0, 0)>
module attributes {stable_mosaic.version = 14 : i64} {
  func.func @edge_kernel(%arg0: i32, %arg1: i32, %arg2: memref<10240x128xf32, #tpu.memory_space<hbm>>, %arg3: memref<32x80x1x125xi32, #tpu.memory_space<hbm>>, %arg4: memref<32x80x1x125xi32, #tpu.memory_space<hbm>>, %arg5: memref<2x10240x128xf32, #tpu.memory_space<hbm>>, %arg6: memref<10240x128xf32, #tpu.memory_space<vmem_shared>>, %arg7: memref<1x125xi32, #tpu.memory_space<vmem>>, %arg8: memref<1x125xi32, #tpu.memory_space<vmem>>, %arg9: memref<1x125xi32, #tpu.memory_space<vmem>>, %arg10: memref<1x125xi32, #tpu.memory_space<vmem>>, %arg11: memref<125x128xf32, #tpu.memory_space<vmem>>, %arg12: memref<125x128xf32, #tpu.memory_space<vmem>>, %arg13: memref<!tpu.dma_semaphore, #tpu.memory_space<semaphore_mem>>, %arg14: memref<!tpu.dma_semaphore, #tpu.memory_space<semaphore_mem>>, %arg15: memref<!tpu.dma_semaphore, #tpu.memory_space<semaphore_mem>>, %arg16: memref<!tpu.dma_semaphore, #tpu.memory_space<semaphore_mem>>, %arg17: memref<!tpu.dma_semaphore, #tpu.memory_space<semaphore_mem>>, %arg18: memref<!tpu.dma_semaphore, #tpu.memory_space<semaphore_mem>>, %arg19: memref<!tpu.dma_semaphore, #tpu.memory_space<semaphore_mem>>, %arg20: memref<!tpu.dma_semaphore, #tpu.memory_space<semaphore_mem>>) attributes {dimension_semantics = [#tpu.dimension_semantics<core_parallel>, #tpu.dimension_semantics<subcore_parallel>], iteration_bounds = array<i64: 2, 16>, scalar_prefetch = 0 : i64, scratch_operands = 15 : i64, tpu.core_type = #tpu.core_type<sc_vector_subcore>, window_params = [{transform_indices = #map}, {transform_indices = #map1}, {transform_indices = #map1}, {transform_indices = #map2}]} {
    %mul3A = arith.constant 16 : i32
    %mul3A_0 = arith.muli %arg0, %mul3A : i32
    %add3A = arith.addi %mul3A_0, %arg1 : i32
    %broadcast_in_dim3A = arith.constant 0.000000e+00 : f32
    %broadcast_in_dim3A_1 = vector.broadcast %broadcast_in_dim3A : f32 to vector<16xf32>
    %dma_start3A = arith.constant 0 : i32
    %dma_start3A_2 = arith.constant 0 : i32
    %dma_start3A_3 = arith.constant 0 : i32
    %dma_start3A_4 = tpu.memref_slice %arg3[%add3A, %dma_start3A, %dma_start3A_2, %dma_start3A_3] : memref<32x80x1x125xi32, #tpu.memory_space<hbm>> -> memref<1x1x1x125xi32, #tpu.memory_space<hbm>>
    %dma_start3A_5 = tpu.memref_squeeze %dma_start3A_4 : memref<1x1x1x125xi32, #tpu.memory_space<hbm>> -> memref<1x125xi32, #tpu.memory_space<hbm>>
    %dma_start3A_6 = arith.constant 0 : i32
    %dma_start3A_7 = arith.constant 0 : i32
    %dma_start3A_8 = tpu.memref_slice %arg3[%add3A, %dma_start3A, %dma_start3A_6, %dma_start3A_7] : memref<32x80x1x125xi32, #tpu.memory_space<hbm>> -> memref<1x1x1x125xi32, #tpu.memory_space<hbm>>
    %dma_start3A_9 = tpu.memref_squeeze %dma_start3A_8 : memref<1x1x1x125xi32, #tpu.memory_space<hbm>> -> memref<1x125xi32, #tpu.memory_space<hbm>>
    tpu.enqueue_dma source(%dma_start3A_9 : memref<1x125xi32, #tpu.memory_space<hbm>>) target(%arg7 : memref<1x125xi32, #tpu.memory_space<vmem>>) target_semaphore(%arg13 : memref<!tpu.dma_semaphore, #tpu.memory_space<semaphore_mem>>)
    %dma_start3A_10 = arith.constant 0 : i32
    %dma_start3A_11 = arith.constant 0 : i32
    %dma_start3A_12 = arith.constant 0 : i32
    %dma_start3A_13 = tpu.memref_slice %arg4[%add3A, %dma_start3A_10, %dma_start3A_11, %dma_start3A_12] : memref<32x80x1x125xi32, #tpu.memory_space<hbm>> -> memref<1x1x1x125xi32, #tpu.memory_space<hbm>>
    %dma_start3A_14 = tpu.memref_squeeze %dma_start3A_13 : memref<1x1x1x125xi32, #tpu.memory_space<hbm>> -> memref<1x125xi32, #tpu.memory_space<hbm>>
    %dma_start3A_15 = arith.constant 0 : i32
    %dma_start3A_16 = arith.constant 0 : i32
    %dma_start3A_17 = tpu.memref_slice %arg4[%add3A, %dma_start3A_10, %dma_start3A_15, %dma_start3A_16] : memref<32x80x1x125xi32, #tpu.memory_space<hbm>> -> memref<1x1x1x125xi32, #tpu.memory_space<hbm>>
    %dma_start3A_18 = tpu.memref_squeeze %dma_start3A_17 : memref<1x1x1x125xi32, #tpu.memory_space<hbm>> -> memref<1x125xi32, #tpu.memory_space<hbm>>
    tpu.enqueue_dma source(%dma_start3A_18 : memref<1x125xi32, #tpu.memory_space<hbm>>) target(%arg9 : memref<1x125xi32, #tpu.memory_space<vmem>>) target_semaphore(%arg15 : memref<!tpu.dma_semaphore, #tpu.memory_space<semaphore_mem>>)
    %dma_start3A_19 = arith.constant 1 : i32
    %dma_start3A_20 = arith.constant 0 : i32
    %dma_start3A_21 = arith.constant 0 : i32
    %dma_start3A_22 = tpu.memref_slice %arg3[%add3A, %dma_start3A_19, %dma_start3A_20, %dma_start3A_21] : memref<32x80x1x125xi32, #tpu.memory_space<hbm>> -> memref<1x1x1x125xi32, #tpu.memory_space<hbm>>
    %dma_start3A_23 = tpu.memref_squeeze %dma_start3A_22 : memref<1x1x1x125xi32, #tpu.memory_space<hbm>> -> memref<1x125xi32, #tpu.memory_space<hbm>>
    %dma_start3A_24 = arith.constant 0 : i32
    %dma_start3A_25 = arith.constant 0 : i32
    %dma_start3A_26 = tpu.memref_slice %arg3[%add3A, %dma_start3A_19, %dma_start3A_24, %dma_start3A_25] : memref<32x80x1x125xi32, #tpu.memory_space<hbm>> -> memref<1x1x1x125xi32, #tpu.memory_space<hbm>>
    %dma_start3A_27 = tpu.memref_squeeze %dma_start3A_26 : memref<1x1x1x125xi32, #tpu.memory_space<hbm>> -> memref<1x125xi32, #tpu.memory_space<hbm>>
    tpu.enqueue_dma source(%dma_start3A_27 : memref<1x125xi32, #tpu.memory_space<hbm>>) target(%arg8 : memref<1x125xi32, #tpu.memory_space<vmem>>) target_semaphore(%arg14 : memref<!tpu.dma_semaphore, #tpu.memory_space<semaphore_mem>>)
    %dma_start3A_28 = arith.constant 1 : i32
    %dma_start3A_29 = arith.constant 0 : i32
    %dma_start3A_30 = arith.constant 0 : i32
    %dma_start3A_31 = tpu.memref_slice %arg4[%add3A, %dma_start3A_28, %dma_start3A_29, %dma_start3A_30] : memref<32x80x1x125xi32, #tpu.memory_space<hbm>> -> memref<1x1x1x125xi32, #tpu.memory_space<hbm>>
    %dma_start3A_32 = tpu.memref_squeeze %dma_start3A_31 : memref<1x1x1x125xi32, #tpu.memory_space<hbm>> -> memref<1x125xi32, #tpu.memory_space<hbm>>
    %dma_start3A_33 = arith.constant 0 : i32
    %dma_start3A_34 = arith.constant 0 : i32
    %dma_start3A_35 = tpu.memref_slice %arg4[%add3A, %dma_start3A_28, %dma_start3A_33, %dma_start3A_34] : memref<32x80x1x125xi32, #tpu.memory_space<hbm>> -> memref<1x1x1x125xi32, #tpu.memory_space<hbm>>
    %dma_start3A_36 = tpu.memref_squeeze %dma_start3A_35 : memref<1x1x1x125xi32, #tpu.memory_space<hbm>> -> memref<1x125xi32, #tpu.memory_space<hbm>>
    tpu.enqueue_dma source(%dma_start3A_36 : memref<1x125xi32, #tpu.memory_space<hbm>>) target(%arg10 : memref<1x125xi32, #tpu.memory_space<vmem>>) target_semaphore(%arg16 : memref<!tpu.dma_semaphore, #tpu.memory_space<semaphore_mem>>)
    %scan3A = arith.constant 0 : i32
    %scan3A_37 = arith.constant 0 : i32
    %scan3A_38 = arith.constant 125 : i32
    %scan3A_39 = arith.addi %scan3A_37, %scan3A_38 : i32
    %scan3A_40 = arith.constant 1 : i32
    %scan3A_41 = scf.for %scan3A_112 = %scan3A_37 to %scan3A_39 step %scan3A_40 iter_args(%scan3A_113 = %scan3A) -> (i32)  : i32 {
      %swap3A = arith.index_cast %scan3A_112 : i32 to index
      %swap3A_114 = arith.constant 0 : index
      %swap3A_115 = tpu.vector_load %arg11[%swap3A, %swap3A_114] {strides = array<i32>} : memref<125x128xf32, #tpu.memory_space<vmem>>, vector<1x16xf32>,
      %swap3A_116 = vector.shape_cast %swap3A_115 : vector<1x16xf32> to vector<16xf32>
      %swap3A_117 = vector.shape_cast %broadcast_in_dim3A_1 : vector<16xf32> to vector<1x16xf32>
      tpu.vector_store %arg11[%swap3A, %swap3A_114], %swap3A_117 {strides = array<i32>} : memref<125x128xf32, #tpu.memory_space<vmem>>, vector<1x16xf32>,
      %swap3A_118 = arith.index_cast %scan3A_112 : i32 to index
      %swap3A_119 = arith.constant 16 : index
      %swap3A_120 = tpu.vector_load %arg11[%swap3A_118, %swap3A_119] {strides = array<i32>} : memref<125x128xf32, #tpu.memory_space<vmem>>, vector<1x16xf32>,
      %swap3A_121 = vector.shape_cast %swap3A_120 : vector<1x16xf32> to vector<16xf32>
      %swap3A_122 = vector.shape_cast %broadcast_in_dim3A_1 : vector<16xf32> to vector<1x16xf32>
      tpu.vector_store %arg11[%swap3A_118, %swap3A_119], %swap3A_122 {strides = array<i32>} : memref<125x128xf32, #tpu.memory_space<vmem>>, vector<1x16xf32>,
      %swap3A_123 = arith.index_cast %scan3A_112 : i32 to index
      %swap3A_124 = arith.constant 32 : index
      %swap3A_125 = tpu.vector_load %arg11[%swap3A_123, %swap3A_124] {strides = array<i32>} : memref<125x128xf32, #tpu.memory_space<vmem>>, vector<1x16xf32>,
      %swap3A_126 = vector.shape_cast %swap3A_125 : vector<1x16xf32> to vector<16xf32>
      %swap3A_127 = vector.shape_cast %broadcast_in_dim3A_1 : vector<16xf32> to vector<1x16xf32>
      tpu.vector_store %arg11[%swap3A_123, %swap3A_124], %swap3A_127 {strides = array<i32>} : memref<125x128xf32, #tpu.memory_space<vmem>>, vector<1x16xf32>,
      %swap3A_128 = arith.index_cast %scan3A_112 : i32 to index
      %swap3A_129 = arith.constant 48 : index
      %swap3A_130 = tpu.vector_load %arg11[%swap3A_128, %swap3A_129] {strides = array<i32>} : memref<125x128xf32, #tpu.memory_space<vmem>>, vector<1x16xf32>,
      %swap3A_131 = vector.shape_cast %swap3A_130 : vector<1x16xf32> to vector<16xf32>
      %swap3A_132 = vector.shape_cast %broadcast_in_dim3A_1 : vector<16xf32> to vector<1x16xf32>
      tpu.vector_store %arg11[%swap3A_128, %swap3A_129], %swap3A_132 {strides = array<i32>} : memref<125x128xf32, #tpu.memory_space<vmem>>, vector<1x16xf32>,
      %swap3A_133 = arith.index_cast %scan3A_112 : i32 to index
      %swap3A_134 = arith.constant 64 : index
      %swap3A_135 = tpu.vector_load %arg11[%swap3A_133, %swap3A_134] {strides = array<i32>} : memref<125x128xf32, #tpu.memory_space<vmem>>, vector<1x16xf32>,
      %swap3A_136 = vector.shape_cast %swap3A_135 : vector<1x16xf32> to vector<16xf32>
      %swap3A_137 = vector.shape_cast %broadcast_in_dim3A_1 : vector<16xf32> to vector<1x16xf32>
      tpu.vector_store %arg11[%swap3A_133, %swap3A_134], %swap3A_137 {strides = array<i32>} : memref<125x128xf32, #tpu.memory_space<vmem>>, vector<1x16xf32>,
      %swap3A_138 = arith.index_cast %scan3A_112 : i32 to index
      %swap3A_139 = arith.constant 80 : index
      %swap3A_140 = tpu.vector_load %arg11[%swap3A_138, %swap3A_139] {strides = array<i32>} : memref<125x128xf32, #tpu.memory_space<vmem>>, vector<1x16xf32>,
      %swap3A_141 = vector.shape_cast %swap3A_140 : vector<1x16xf32> to vector<16xf32>
      %swap3A_142 = vector.shape_cast %broadcast_in_dim3A_1 : vector<16xf32> to vector<1x16xf32>
      tpu.vector_store %arg11[%swap3A_138, %swap3A_139], %swap3A_142 {strides = array<i32>} : memref<125x128xf32, #tpu.memory_space<vmem>>, vector<1x16xf32>,
      %swap3A_143 = arith.index_cast %scan3A_112 : i32 to index
      %swap3A_144 = arith.constant 96 : index
      %swap3A_145 = tpu.vector_load %arg11[%swap3A_143, %swap3A_144] {strides = array<i32>} : memref<125x128xf32, #tpu.memory_space<vmem>>, vector<1x16xf32>,
      %swap3A_146 = vector.shape_cast %swap3A_145 : vector<1x16xf32> to vector<16xf32>
      %swap3A_147 = vector.shape_cast %broadcast_in_dim3A_1 : vector<16xf32> to vector<1x16xf32>
      tpu.vector_store %arg11[%swap3A_143, %swap3A_144], %swap3A_147 {strides = array<i32>} : memref<125x128xf32, #tpu.memory_space<vmem>>, vector<1x16xf32>,
      %swap3A_148 = arith.index_cast %scan3A_112 : i32 to index
      %swap3A_149 = arith.constant 112 : index
      %swap3A_150 = tpu.vector_load %arg11[%swap3A_148, %swap3A_149] {strides = array<i32>} : memref<125x128xf32, #tpu.memory_space<vmem>>, vector<1x16xf32>,
      %swap3A_151 = vector.shape_cast %swap3A_150 : vector<1x16xf32> to vector<16xf32>
      %swap3A_152 = vector.shape_cast %broadcast_in_dim3A_1 : vector<16xf32> to vector<1x16xf32>
      tpu.vector_store %arg11[%swap3A_148, %swap3A_149], %swap3A_152 {strides = array<i32>} : memref<125x128xf32, #tpu.memory_space<vmem>>, vector<1x16xf32>,
      %scan3A_153 = arith.constant 0 : i32
      scf.yield %scan3A_153 : i32
    }
    %scan3A_42 = arith.constant 125 : i32
    %dma_wait3A = arith.constant 0 : i32
    %dma_wait3A_43 = arith.constant 0 : i32
    %dma_wait3A_44 = arith.constant 0 : i32
    %dma_wait3A_45 = arith.constant 0 : i32
    %dma_wait3A_46 = tpu.memref_slice %arg3[%dma_wait3A, %dma_wait3A_43, %dma_wait3A_44, %dma_wait3A_45] : memref<32x80x1x125xi32, #tpu.memory_space<hbm>> -> memref<1x1x1x125xi32, #tpu.memory_space<hbm>>
    %dma_wait3A_47 = tpu.memref_squeeze %dma_wait3A_46 : memref<1x1x1x125xi32, #tpu.memory_space<hbm>> -> memref<1x125xi32, #tpu.memory_space<hbm>>
    %dma_wait3A_48 = arith.constant 0 : i32
    %dma_wait3A_49 = arith.constant 0 : i32
    %dma_wait3A_50 = tpu.memref_slice %arg3[%dma_wait3A, %dma_wait3A_43, %dma_wait3A_48, %dma_wait3A_49] : memref<32x80x1x125xi32, #tpu.memory_space<hbm>> -> memref<1x1x1x125xi32, #tpu.memory_space<hbm>>
    %dma_wait3A_51 = tpu.memref_squeeze %dma_wait3A_50 : memref<1x1x1x125xi32, #tpu.memory_space<hbm>> -> memref<1x125xi32, #tpu.memory_space<hbm>>
    tpu.wait_dma2 semaphore(%arg14 : memref<!tpu.dma_semaphore, #tpu.memory_space<semaphore_mem>>) src(%dma_wait3A_51 : memref<1x125xi32, #tpu.memory_space<hbm>>) dst(%arg8 : memref<1x125xi32, #tpu.memory_space<vmem>>)
    %dma_start3A_52 = arith.constant 0 : i32
    %dma_start3A_53 = arith.constant 0 : i32
    %dma_start3A_54 = tpu.memref_slice %arg8[%dma_start3A_52, %dma_start3A_53] : memref<1x125xi32, #tpu.memory_space<vmem>> -> memref<1x125xi32, #tpu.memory_space<vmem>>
    %dma_start3A_55 = tpu.memref_squeeze %dma_start3A_54 : memref<1x125xi32, #tpu.memory_space<vmem>> -> memref<125xi32, #tpu.memory_space<vmem>>
    %dma_start3A_56 = arith.constant 0 : i32
    %dma_start3A_57 = arith.constant 0 : i32
    %dma_start3A_58 = tpu.memref_slice %arg2[%dma_start3A_56, %dma_start3A_57] : memref<10240x128xf32, #tpu.memory_space<hbm>> -> memref<10240x128xf32, #tpu.memory_space<hbm>>
    tpu.enqueue_indirect_dma source(%dma_start3A_58 : memref<10240x128xf32, #tpu.memory_space<hbm>>) target(%arg12 : memref<125x128xf32, #tpu.memory_space<vmem>>) offsets(%dma_start3A_55 : memref<125xi32, #tpu.memory_space<vmem>>) semaphore(%arg18 : memref<!tpu.dma_semaphore, #tpu.memory_space<semaphore_mem>>)
    %mul3A_59 = arith.constant 640 : i32
    %mul3A_60 = arith.muli %arg1, %mul3A_59 : i32
    %add3A_61 = arith.constant 0 : i32
    %add3A_62 = arith.addi %mul3A_60, %add3A_61 : i32
    "tpu.region"() ({
      %run_scoped3A = tpu.sem_alloc : memref<!tpu.dma_semaphore, #tpu.memory_space<semaphore_mem>>
      %dma_start3A_112 = arith.constant 0 : i32
      %dma_start3A_113 = tpu.memref_slice %arg6[%add3A_62, %dma_start3A_112] : memref<10240x128xf32, #tpu.memory_space<vmem_shared>> -> memref<125x128xf32, #tpu.memory_space<vmem_shared>>
      %dma_start3A_114 = arith.constant 0 : i32
      %dma_start3A_115 = tpu.memref_slice %arg6[%add3A_62, %dma_start3A_114] : memref<10240x128xf32, #tpu.memory_space<vmem_shared>> -> memref<125x128xf32, #tpu.memory_space<vmem_shared>>
      tpu.enqueue_dma source(%arg11 : memref<125x128xf32, #tpu.memory_space<vmem>>) target(%dma_start3A_115 : memref<125x128xf32, #tpu.memory_space<vmem_shared>>) target_semaphore(%run_scoped3A : memref<!tpu.dma_semaphore, #tpu.memory_space<semaphore_mem>>)
      %dma_wait3A_116 = arith.constant 0 : i32
      %dma_wait3A_117 = tpu.memref_slice %arg6[%add3A_62, %dma_wait3A_116] : memref<10240x128xf32, #tpu.memory_space<vmem_shared>> -> memref<125x128xf32, #tpu.memory_space<vmem_shared>>
      %dma_wait3A_118 = arith.constant 0 : i32
      %dma_wait3A_119 = tpu.memref_slice %arg6[%add3A_62, %dma_wait3A_118] : memref<10240x128xf32, #tpu.memory_space<vmem_shared>> -> memref<125x128xf32, #tpu.memory_space<vmem_shared>>
      tpu.wait_dma2 semaphore(%run_scoped3A : memref<!tpu.dma_semaphore, #tpu.memory_space<semaphore_mem>>) src(%arg11 : memref<125x128xf32, #tpu.memory_space<vmem>>) dst(%dma_wait3A_119 : memref<125x128xf32, #tpu.memory_space<vmem_shared>>)
      tpu.yield
    }) : () -> ()
    %mul3A_63 = arith.constant 640 : i32
    %mul3A_64 = arith.muli %arg1, %mul3A_63 : i32
    %add3A_65 = arith.constant 125 : i32
    %add3A_66 = arith.addi %mul3A_64, %add3A_65 : i32
    "tpu.region"() ({
      %run_scoped3A = tpu.sem_alloc : memref<!tpu.dma_semaphore, #tpu.memory_space<semaphore_mem>>
      %dma_start3A_112 = arith.constant 0 : i32
      %dma_start3A_113 = tpu.memref_slice %arg6[%add3A_66, %dma_start3A_112] : memref<10240x128xf32, #tpu.memory_space<vmem_shared>> -> memref<125x128xf32, #tpu.memory_space<vmem_shared>>
      %dma_start3A_114 = arith.constant 0 : i32
      %dma_start3A_115 = tpu.memref_slice %arg6[%add3A_66, %dma_start3A_114] : memref<10240x128xf32, #tpu.memory_space<vmem_shared>> -> memref<125x128xf32, #tpu.memory_space<vmem_shared>>
      tpu.enqueue_dma source(%arg11 : memref<125x128xf32, #tpu.memory_space<vmem>>) target(%dma_start3A_115 : memref<125x128xf32, #tpu.memory_space<vmem_shared>>) target_semaphore(%run_scoped3A : memref<!tpu.dma_semaphore, #tpu.memory_space<semaphore_mem>>)
      %dma_wait3A_116 = arith.constant 0 : i32
      %dma_wait3A_117 = tpu.memref_slice %arg6[%add3A_66, %dma_wait3A_116] : memref<10240x128xf32, #tpu.memory_space<vmem_shared>> -> memref<125x128xf32, #tpu.memory_space<vmem_shared>>
      %dma_wait3A_118 = arith.constant 0 : i32
      %dma_wait3A_119 = tpu.memref_slice %arg6[%add3A_66, %dma_wait3A_118] : memref<10240x128xf32, #tpu.memory_space<vmem_shared>> -> memref<125x128xf32, #tpu.memory_space<vmem_shared>>
      tpu.wait_dma2 semaphore(%run_scoped3A : memref<!tpu.dma_semaphore, #tpu.memory_space<semaphore_mem>>) src(%arg11 : memref<125x128xf32, #tpu.memory_space<vmem>>) dst(%dma_wait3A_119 : memref<125x128xf32, #tpu.memory_space<vmem_shared>>)
      tpu.yield
    }) : () -> ()
    %mul3A_67 = arith.constant 640 : i32
    %mul3A_68 = arith.muli %arg1, %mul3A_67 : i32
    %add3A_69 = arith.constant 250 : i32
    %add3A_70 = arith.addi %mul3A_68, %add3A_69 : i32
    "tpu.region"() ({
      %run_scoped3A = tpu.sem_alloc : memref<!tpu.dma_semaphore, #tpu.memory_space<semaphore_mem>>
      %dma_start3A_112 = arith.constant 0 : i32
      %dma_start3A_113 = tpu.memref_slice %arg6[%add3A_70, %dma_start3A_112] : memref<10240x128xf32, #tpu.memory_space<vmem_shared>> -> memref<125x128xf32, #tpu.memory_space<vmem_shared>>
      %dma_start3A_114 = arith.constant 0 : i32
      %dma_start3A_115 = tpu.memref_slice %arg6[%add3A_70, %dma_start3A_114] : memref<10240x128xf32, #tpu.memory_space<vmem_shared>> -> memref<125x128xf32, #tpu.memory_space<vmem_shared>>
      tpu.enqueue_dma source(%arg11 : memref<125x128xf32, #tpu.memory_space<vmem>>) target(%dma_start3A_115 : memref<125x128xf32, #tpu.memory_space<vmem_shared>>) target_semaphore(%run_scoped3A : memref<!tpu.dma_semaphore, #tpu.memory_space<semaphore_mem>>)
      %dma_wait3A_116 = arith.constant 0 : i32
      %dma_wait3A_117 = tpu.memref_slice %arg6[%add3A_70, %dma_wait3A_116] : memref<10240x128xf32, #tpu.memory_space<vmem_shared>> -> memref<125x128xf32, #tpu.memory_space<vmem_shared>>
      %dma_wait3A_118 = arith.constant 0 : i32
      %dma_wait3A_119 = tpu.memref_slice %arg6[%add3A_70, %dma_wait3A_118] : memref<10240x128xf32, #tpu.memory_space<vmem_shared>> -> memref<125x128xf32, #tpu.memory_space<vmem_shared>>
      tpu.wait_dma2 semaphore(%run_scoped3A : memref<!tpu.dma_semaphore, #tpu.memory_space<semaphore_mem>>) src(%arg11 : memref<125x128xf32, #tpu.memory_space<vmem>>) dst(%dma_wait3A_119 : memref<125x128xf32, #tpu.memory_space<vmem_shared>>)
      tpu.yield
    }) : () -> ()
    %mul3A_71 = arith.constant 640 : i32
    %mul3A_72 = arith.muli %arg1, %mul3A_71 : i32
    %add3A_73 = arith.constant 375 : i32
    %add3A_74 = arith.addi %mul3A_72, %add3A_73 : i32
    "tpu.region"() ({
      %run_scoped3A = tpu.sem_alloc : memref<!tpu.dma_semaphore, #tpu.memory_space<semaphore_mem>>
      %dma_start3A_112 = arith.constant 0 : i32
      %dma_start3A_113 = tpu.memref_slice %arg6[%add3A_74, %dma_start3A_112] : memref<10240x128xf32, #tpu.memory_space<vmem_shared>> -> memref<125x128xf32, #tpu.memory_space<vmem_shared>>
      %dma_start3A_114 = arith.constant 0 : i32
      %dma_start3A_115 = tpu.memref_slice %arg6[%add3A_74, %dma_start3A_114] : memref<10240x128xf32, #tpu.memory_space<vmem_shared>> -> memref<125x128xf32, #tpu.memory_space<vmem_shared>>
      tpu.enqueue_dma source(%arg11 : memref<125x128xf32, #tpu.memory_space<vmem>>) target(%dma_start3A_115 : memref<125x128xf32, #tpu.memory_space<vmem_shared>>) target_semaphore(%run_scoped3A : memref<!tpu.dma_semaphore, #tpu.memory_space<semaphore_mem>>)
      %dma_wait3A_116 = arith.constant 0 : i32
      %dma_wait3A_117 = tpu.memref_slice %arg6[%add3A_74, %dma_wait3A_116] : memref<10240x128xf32, #tpu.memory_space<vmem_shared>> -> memref<125x128xf32, #tpu.memory_space<vmem_shared>>
      %dma_wait3A_118 = arith.constant 0 : i32
      %dma_wait3A_119 = tpu.memref_slice %arg6[%add3A_74, %dma_wait3A_118] : memref<10240x128xf32, #tpu.memory_space<vmem_shared>> -> memref<125x128xf32, #tpu.memory_space<vmem_shared>>
      tpu.wait_dma2 semaphore(%run_scoped3A : memref<!tpu.dma_semaphore, #tpu.memory_space<semaphore_mem>>) src(%arg11 : memref<125x128xf32, #tpu.memory_space<vmem>>) dst(%dma_wait3A_119 : memref<125x128xf32, #tpu.memory_space<vmem_shared>>)
      tpu.yield
    }) : () -> ()
    %mul3A_75 = arith.constant 640 : i32
    %mul3A_76 = arith.muli %arg1, %mul3A_75 : i32
    %add3A_77 = arith.constant 500 : i32
    %add3A_78 = arith.addi %mul3A_76, %add3A_77 : i32
    "tpu.region"() ({
      %run_scoped3A = tpu.sem_alloc : memref<!tpu.dma_semaphore, #tpu.memory_space<semaphore_mem>>
      %dma_start3A_112 = arith.constant 0 : i32
      %dma_start3A_113 = tpu.memref_slice %arg6[%add3A_78, %dma_start3A_112] : memref<10240x128xf32, #tpu.memory_space<vmem_shared>> -> memref<125x128xf32, #tpu.memory_space<vmem_shared>>
      %dma_start3A_114 = arith.constant 0 : i32
      %dma_start3A_115 = tpu.memref_slice %arg6[%add3A_78, %dma_start3A_114] : memref<10240x128xf32, #tpu.memory_space<vmem_shared>> -> memref<125x128xf32, #tpu.memory_space<vmem_shared>>
      tpu.enqueue_dma source(%arg11 : memref<125x128xf32, #tpu.memory_space<vmem>>) target(%dma_start3A_115 : memref<125x128xf32, #tpu.memory_space<vmem_shared>>) target_semaphore(%run_scoped3A : memref<!tpu.dma_semaphore, #tpu.memory_space<semaphore_mem>>)
      %dma_wait3A_116 = arith.constant 0 : i32
      %dma_wait3A_117 = tpu.memref_slice %arg6[%add3A_78, %dma_wait3A_116] : memref<10240x128xf32, #tpu.memory_space<vmem_shared>> -> memref<125x128xf32, #tpu.memory_space<vmem_shared>>
      %dma_wait3A_118 = arith.constant 0 : i32
      %dma_wait3A_119 = tpu.memref_slice %arg6[%add3A_78, %dma_wait3A_118] : memref<10240x128xf32, #tpu.memory_space<vmem_shared>> -> memref<125x128xf32, #tpu.memory_space<vmem_shared>>
      tpu.wait_dma2 semaphore(%run_scoped3A : memref<!tpu.dma_semaphore, #tpu.memory_space<semaphore_mem>>) src(%arg11 : memref<125x128xf32, #tpu.memory_space<vmem>>) dst(%dma_wait3A_119 : memref<125x128xf32, #tpu.memory_space<vmem_shared>>)
      tpu.yield
    }) : () -> ()
    %mul3A_79 = arith.constant 640 : i32
    %mul3A_80 = arith.muli %arg1, %mul3A_79 : i32
    %add3A_81 = arith.constant 625 : i32
    %add3A_82 = arith.addi %mul3A_80, %add3A_81 : i32
    "tpu.region"() ({
      %run_scoped3A = tpu.sem_alloc : memref<!tpu.dma_semaphore, #tpu.memory_space<semaphore_mem>>
      %dma_start3A_112 = arith.constant 0 : i32
      %dma_start3A_113 = arith.constant 0 : i32
      %dma_start3A_114 = tpu.memref_slice %arg11[%dma_start3A_112, %dma_start3A_113] : memref<125x128xf32, #tpu.memory_space<vmem>> -> memref<15x128xf32, #tpu.memory_space<vmem>>
      %dma_start3A_115 = arith.constant 0 : i32
      %dma_start3A_116 = tpu.memref_slice %arg6[%add3A_82, %dma_start3A_115] : memref<10240x128xf32, #tpu.memory_space<vmem_shared>> -> memref<15x128xf32, #tpu.memory_space<vmem_shared>>
      %dma_start3A_117 = arith.constant 0 : i32
      %dma_start3A_118 = tpu.memref_slice %arg6[%add3A_82, %dma_start3A_117] : memref<10240x128xf32, #tpu.memory_space<vmem_shared>> -> memref<15x128xf32, #tpu.memory_space<vmem_shared>>
      %dma_start3A_119 = arith.constant 0 : i32
      %dma_start3A_120 = arith.constant 0 : i32
      %dma_start3A_121 = tpu.memref_slice %arg11[%dma_start3A_119, %dma_start3A_120] : memref<125x128xf32, #tpu.memory_space<vmem>> -> memref<15x128xf32, #tpu.memory_space<vmem>>
      tpu.enqueue_dma source(%dma_start3A_121 : memref<15x128xf32, #tpu.memory_space<vmem>>) target(%dma_start3A_118 : memref<15x128xf32, #tpu.memory_space<vmem_shared>>) target_semaphore(%run_scoped3A : memref<!tpu.dma_semaphore, #tpu.memory_space<semaphore_mem>>)
      %dma_wait3A_122 = arith.constant 0 : i32
      %dma_wait3A_123 = arith.constant 0 : i32
      %dma_wait3A_124 = tpu.memref_slice %arg11[%dma_wait3A_122, %dma_wait3A_123] : memref<125x128xf32, #tpu.memory_space<vmem>> -> memref<15x128xf32, #tpu.memory_space<vmem>>
      %dma_wait3A_125 = arith.constant 0 : i32
      %dma_wait3A_126 = tpu.memref_slice %arg6[%add3A_82, %dma_wait3A_125] : memref<10240x128xf32, #tpu.memory_space<vmem_shared>> -> memref<15x128xf32, #tpu.memory_space<vmem_shared>>
      %dma_wait3A_127 = arith.constant 0 : i32
      %dma_wait3A_128 = tpu.memref_slice %arg6[%add3A_82, %dma_wait3A_127] : memref<10240x128xf32, #tpu.memory_space<vmem_shared>> -> memref<15x128xf32, #tpu.memory_space<vmem_shared>>
      %dma_wait3A_129 = arith.constant 0 : i32
      %dma_wait3A_130 = arith.constant 0 : i32
      %dma_wait3A_131 = tpu.memref_slice %arg11[%dma_wait3A_129, %dma_wait3A_130] : memref<125x128xf32, #tpu.memory_space<vmem>> -> memref<15x128xf32, #tpu.memory_space<vmem>>
      tpu.wait_dma2 semaphore(%run_scoped3A : memref<!tpu.dma_semaphore, #tpu.memory_space<semaphore_mem>>) src(%dma_wait3A_131 : memref<15x128xf32, #tpu.memory_space<vmem>>) dst(%dma_wait3A_128 : memref<15x128xf32, #tpu.memory_space<vmem_shared>>)
      tpu.yield
    }) : () -> ()
    %dma_wait3A_83 = arith.constant 0 : i32
    %dma_wait3A_84 = arith.constant 0 : i32
    %dma_wait3A_85 = arith.constant 0 : i32
    %dma_wait3A_86 = arith.constant 0 : i32
    %dma_wait3A_87 = tpu.memref_slice %arg3[%dma_wait3A_83, %dma_wait3A_84, %dma_wait3A_85, %dma_wait3A_86] : memref<32x80x1x125xi32, #tpu.memory_space<hbm>> -> memref<1x1x1x125xi32, #tpu.memory_space<hbm>>
    %dma_wait3A_88 = tpu.memref_squeeze %dma_wait3A_87 : memref<1x1x1x125xi32, #tpu.memory_space<hbm>> -> memref<1x125xi32, #tpu.memory_space<hbm>>
    %dma_wait3A_89 = arith.constant 0 : i32
    %dma_wait3A_90 = arith.constant 0 : i32
    %dma_wait3A_91 = tpu.memref_slice %arg3[%dma_wait3A_83, %dma_wait3A_84, %dma_wait3A_89, %dma_wait3A_90] : memref<32x80x1x125xi32, #tpu.memory_space<hbm>> -> memref<1x1x1x125xi32, #tpu.memory_space<hbm>>
    %dma_wait3A_92 = tpu.memref_squeeze %dma_wait3A_91 : memref<1x1x1x125xi32, #tpu.memory_space<hbm>> -> memref<1x125xi32, #tpu.memory_space<hbm>>
    tpu.wait_dma2 semaphore(%arg13 : memref<!tpu.dma_semaphore, #tpu.memory_space<semaphore_mem>>) src(%dma_wait3A_92 : memref<1x125xi32, #tpu.memory_space<hbm>>) dst(%arg7 : memref<1x125xi32, #tpu.memory_space<vmem>>)
    %dma_start3A_93 = arith.constant 0 : i32
    %dma_start3A_94 = arith.constant 0 : i32
    %dma_start3A_95 = tpu.memref_slice %arg7[%dma_start3A_93, %dma_start3A_94] : memref<1x125xi32, #tpu.memory_space<vmem>> -> memref<1x125xi32, #tpu.memory_space<vmem>>
    %dma_start3A_96 = tpu.memref_squeeze %dma_start3A_95 : memref<1x125xi32, #tpu.memory_space<vmem>> -> memref<125xi32, #tpu.memory_space<vmem>>
    %dma_start3A_97 = arith.constant 0 : i32
    %dma_start3A_98 = arith.constant 0 : i32
    %dma_start3A_99 = tpu.memref_slice %arg2[%dma_start3A_97, %dma_start3A_98] : memref<10240x128xf32, #tpu.memory_space<hbm>> -> memref<10240x128xf32, #tpu.memory_space<hbm>>
    tpu.enqueue_indirect_dma source(%dma_start3A_99 : memref<10240x128xf32, #tpu.memory_space<hbm>>) target(%arg11 : memref<125x128xf32, #tpu.memory_space<vmem>>) offsets(%dma_start3A_96 : memref<125xi32, #tpu.memory_space<vmem>>) semaphore(%arg17 : memref<!tpu.dma_semaphore, #tpu.memory_space<semaphore_mem>>)
    %barrier3A = arith.constant 0 : index
    tpu.barrier barrier_id(%barrier3A)
    %scan3A_100 = arith.constant 0 : i32
    %scan3A_101 = arith.constant 0 : i32
    %scan3A_102 = arith.constant 40 : i32
    %scan3A_103 = arith.addi %scan3A_101, %scan3A_102 : i32
    %scan3A_104 = arith.constant 1 : i32
    %scan3A_105 = scf.for %scan3A_112 = %scan3A_101 to %scan3A_103 step %scan3A_104 iter_args(%scan3A_113 = %scan3A_100) -> (i32)  : i32 {
      %dma_wait3A_114 = arith.constant 0 : i32
      %dma_wait3A_115 = arith.constant 0 : i32
      %dma_wait3A_116 = tpu.memref_slice %arg7[%dma_wait3A_114, %dma_wait3A_115] : memref<1x125xi32, #tpu.memory_space<vmem>> -> memref<1x125xi32, #tpu.memory_space<vmem>>
      %dma_wait3A_117 = tpu.memref_squeeze %dma_wait3A_116 : memref<1x125xi32, #tpu.memory_space<vmem>> -> memref<125xi32, #tpu.memory_space<vmem>>
      %dma_wait3A_118 = arith.constant 0 : i32
      %dma_wait3A_119 = arith.constant 0 : i32
      %dma_wait3A_120 = tpu.memref_slice %arg2[%dma_wait3A_118, %dma_wait3A_119] : memref<10240x128xf32, #tpu.memory_space<hbm>> -> memref<10240x128xf32, #tpu.memory_space<hbm>>
      tpu.wait_indirect_dma semaphore(%arg17 : memref<!tpu.dma_semaphore, #tpu.memory_space<semaphore_mem>>) src(%dma_wait3A_120 : memref<10240x128xf32, #tpu.memory_space<hbm>>) dst(%arg11 : memref<125x128xf32, #tpu.memory_space<vmem>>)
      %lt3A = arith.constant 39 : i32
      %lt3A_121 = arith.cmpi slt, %scan3A_112, %lt3A : i32
      %convert_element_type3A = arith.extui %lt3A_121 : i1 to i32
      %cond3A = arith.constant 0 : i32
      %cond3A_122 = arith.cmpi ne, %convert_element_type3A, %cond3A : i32
      scf.if %cond3A_122 {
        %mul3A_194 = arith.constant 2 : i32
        %mul3A_195 = arith.muli %mul3A_194, %scan3A_112 : i32
        %add3A_196 = arith.constant 2 : i32
        %add3A_197 = arith.addi %mul3A_195, %add3A_196 : i32
        %dma_start3A_198 = arith.constant 0 : i32
        %dma_start3A_199 = arith.constant 0 : i32
        %dma_start3A_200 = tpu.memref_slice %arg3[%add3A, %add3A_197, %dma_start3A_198, %dma_start3A_199] : memref<32x80x1x125xi32, #tpu.memory_space<hbm>> -> memref<1x1x1x125xi32, #tpu.memory_space<hbm>>
        %dma_start3A_201 = tpu.memref_squeeze %dma_start3A_200 : memref<1x1x1x125xi32, #tpu.memory_space<hbm>> -> memref<1x125xi32, #tpu.memory_space<hbm>>
        %dma_start3A_202 = arith.constant 0 : i32
        %dma_start3A_203 = arith.constant 0 : i32
        %dma_start3A_204 = tpu.memref_slice %arg3[%add3A, %add3A_197, %dma_start3A_202, %dma_start3A_203] : memref<32x80x1x125xi32, #tpu.memory_space<hbm>> -> memref<1x1x1x125xi32, #tpu.memory_space<hbm>>
        %dma_start3A_205 = tpu.memref_squeeze %dma_start3A_204 : memref<1x1x1x125xi32, #tpu.memory_space<hbm>> -> memref<1x125xi32, #tpu.memory_space<hbm>>
        tpu.enqueue_dma source(%dma_start3A_205 : memref<1x125xi32, #tpu.memory_space<hbm>>) target(%arg7 : memref<1x125xi32, #tpu.memory_space<vmem>>) target_semaphore(%arg13 : memref<!tpu.dma_semaphore, #tpu.memory_space<semaphore_mem>>)
      } else {
      }
      %dma_wait3A_123 = arith.constant 0 : i32
      %dma_wait3A_124 = arith.constant 0 : i32
      %dma_wait3A_125 = arith.constant 0 : i32
      %dma_wait3A_126 = arith.constant 0 : i32
      %dma_wait3A_127 = tpu.memref_slice %arg3[%dma_wait3A_123, %dma_wait3A_124, %dma_wait3A_125, %dma_wait3A_126] : memref<32x80x1x125xi32, #tpu.memory_space<hbm>> -> memref<1x1x1x125xi32, #tpu.memory_space<hbm>>
      %dma_wait3A_128 = tpu.memref_squeeze %dma_wait3A_127 : memref<1x1x1x125xi32, #tpu.memory_space<hbm>> -> memref<1x125xi32, #tpu.memory_space<hbm>>
      %dma_wait3A_129 = arith.constant 0 : i32
      %dma_wait3A_130 = arith.constant 0 : i32
      %dma_wait3A_131 = tpu.memref_slice %arg3[%dma_wait3A_123, %dma_wait3A_124, %dma_wait3A_129, %dma_wait3A_130] : memref<32x80x1x125xi32, #tpu.memory_space<hbm>> -> memref<1x1x1x125xi32, #tpu.memory_space<hbm>>
      %dma_wait3A_132 = tpu.memref_squeeze %dma_wait3A_131 : memref<1x1x1x125xi32, #tpu.memory_space<hbm>> -> memref<1x125xi32, #tpu.memory_space<hbm>>
      tpu.wait_dma2 semaphore(%arg15 : memref<!tpu.dma_semaphore, #tpu.memory_space<semaphore_mem>>) src(%dma_wait3A_132 : memref<1x125xi32, #tpu.memory_space<hbm>>) dst(%arg9 : memref<1x125xi32, #tpu.memory_space<vmem>>)
      %dma_start3A_133 = arith.constant 0 : i32
      %dma_start3A_134 = arith.constant 0 : i32
      %dma_start3A_135 = tpu.memref_slice %arg9[%dma_start3A_133, %dma_start3A_134] : memref<1x125xi32, #tpu.memory_space<vmem>> -> memref<1x125xi32, #tpu.memory_space<vmem>>
      %dma_start3A_136 = tpu.memref_squeeze %dma_start3A_135 : memref<1x125xi32, #tpu.memory_space<vmem>> -> memref<125xi32, #tpu.memory_space<vmem>>
      %dma_start3A_137 = arith.constant 0 : i32
      %dma_start3A_138 = arith.constant 0 : i32
      %dma_start3A_139 = tpu.memref_slice %arg6[%dma_start3A_137, %dma_start3A_138] : memref<10240x128xf32, #tpu.memory_space<vmem_shared>> -> memref<10240x128xf32, #tpu.memory_space<vmem_shared>>
      tpu.enqueue_indirect_dma source(%arg11 : memref<125x128xf32, #tpu.memory_space<vmem>>) target(%dma_start3A_139 : memref<10240x128xf32, #tpu.memory_space<vmem_shared>>) offsets(%dma_start3A_136 : memref<125xi32, #tpu.memory_space<vmem>>) semaphore(%arg19 : memref<!tpu.dma_semaphore, #tpu.memory_space<semaphore_mem>>) {add = true}
      %dma_wait3A_140 = arith.constant 0 : i32
      %dma_wait3A_141 = arith.constant 0 : i32
      %dma_wait3A_142 = tpu.memref_slice %arg9[%dma_wait3A_140, %dma_wait3A_141] : memref<1x125xi32, #tpu.memory_space<vmem>> -> memref<1x125xi32, #tpu.memory_space<vmem>>
      %dma_wait3A_143 = tpu.memref_squeeze %dma_wait3A_142 : memref<1x125xi32, #tpu.memory_space<vmem>> -> memref<125xi32, #tpu.memory_space<vmem>>
      %dma_wait3A_144 = arith.constant 0 : i32
      %dma_wait3A_145 = arith.constant 0 : i32
      %dma_wait3A_146 = tpu.memref_slice %arg6[%dma_wait3A_144, %dma_wait3A_145] : memref<10240x128xf32, #tpu.memory_space<vmem_shared>> -> memref<10240x128xf32, #tpu.memory_space<vmem_shared>>
      tpu.wait_indirect_dma semaphore(%arg19 : memref<!tpu.dma_semaphore, #tpu.memory_space<semaphore_mem>>) src(%arg11 : memref<125x128xf32, #tpu.memory_space<vmem>>) dst(%dma_wait3A_146 : memref<10240x128xf32, #tpu.memory_space<vmem_shared>>)
      %lt3A_147 = arith.constant 39 : i32
      %lt3A_148 = arith.cmpi slt, %scan3A_112, %lt3A_147 : i32
      %convert_element_type3A_149 = arith.extui %lt3A_148 : i1 to i32
      %cond3A_150 = arith.constant 0 : i32
      %cond3A_151 = arith.cmpi ne, %convert_element_type3A_149, %cond3A_150 : i32
      scf.if %cond3A_151 {
        %mul3A_194 = arith.constant 2 : i32
        %mul3A_195 = arith.muli %mul3A_194, %scan3A_112 : i32
        %add3A_196 = arith.constant 2 : i32
        %add3A_197 = arith.addi %mul3A_195, %add3A_196 : i32
        %dma_start3A_198 = arith.constant 0 : i32
        %dma_start3A_199 = arith.constant 0 : i32
        %dma_start3A_200 = tpu.memref_slice %arg4[%add3A, %add3A_197, %dma_start3A_198, %dma_start3A_199] : memref<32x80x1x125xi32, #tpu.memory_space<hbm>> -> memref<1x1x1x125xi32, #tpu.memory_space<hbm>>
        %dma_start3A_201 = tpu.memref_squeeze %dma_start3A_200 : memref<1x1x1x125xi32, #tpu.memory_space<hbm>> -> memref<1x125xi32, #tpu.memory_space<hbm>>
        %dma_start3A_202 = arith.constant 0 : i32
        %dma_start3A_203 = arith.constant 0 : i32
        %dma_start3A_204 = tpu.memref_slice %arg4[%add3A, %add3A_197, %dma_start3A_202, %dma_start3A_203] : memref<32x80x1x125xi32, #tpu.memory_space<hbm>> -> memref<1x1x1x125xi32, #tpu.memory_space<hbm>>
        %dma_start3A_205 = tpu.memref_squeeze %dma_start3A_204 : memref<1x1x1x125xi32, #tpu.memory_space<hbm>> -> memref<1x125xi32, #tpu.memory_space<hbm>>
        tpu.enqueue_dma source(%dma_start3A_205 : memref<1x125xi32, #tpu.memory_space<hbm>>) target(%arg9 : memref<1x125xi32, #tpu.memory_space<vmem>>) target_semaphore(%arg15 : memref<!tpu.dma_semaphore, #tpu.memory_space<semaphore_mem>>)
        %dma_wait3A_206 = arith.constant 0 : i32
        %dma_wait3A_207 = arith.constant 0 : i32
        %dma_wait3A_208 = arith.constant 0 : i32
        %dma_wait3A_209 = arith.constant 0 : i32
        %dma_wait3A_210 = tpu.memref_slice %arg3[%dma_wait3A_206, %dma_wait3A_207, %dma_wait3A_208, %dma_wait3A_209] : memref<32x80x1x125xi32, #tpu.memory_space<hbm>> -> memref<1x1x1x125xi32, #tpu.memory_space<hbm>>
        %dma_wait3A_211 = tpu.memref_squeeze %dma_wait3A_210 : memref<1x1x1x125xi32, #tpu.memory_space<hbm>> -> memref<1x125xi32, #tpu.memory_space<hbm>>
        %dma_wait3A_212 = arith.constant 0 : i32
        %dma_wait3A_213 = arith.constant 0 : i32
        %dma_wait3A_214 = tpu.memref_slice %arg3[%dma_wait3A_206, %dma_wait3A_207, %dma_wait3A_212, %dma_wait3A_213] : memref<32x80x1x125xi32, #tpu.memory_space<hbm>> -> memref<1x1x1x125xi32, #tpu.memory_space<hbm>>
        %dma_wait3A_215 = tpu.memref_squeeze %dma_wait3A_214 : memref<1x1x1x125xi32, #tpu.memory_space<hbm>> -> memref<1x125xi32, #tpu.memory_space<hbm>>
        tpu.wait_dma2 semaphore(%arg13 : memref<!tpu.dma_semaphore, #tpu.memory_space<semaphore_mem>>) src(%dma_wait3A_215 : memref<1x125xi32, #tpu.memory_space<hbm>>) dst(%arg7 : memref<1x125xi32, #tpu.memory_space<vmem>>)
        %dma_start3A_216 = arith.constant 0 : i32
        %dma_start3A_217 = arith.constant 0 : i32
        %dma_start3A_218 = tpu.memref_slice %arg7[%dma_start3A_216, %dma_start3A_217] : memref<1x125xi32, #tpu.memory_space<vmem>> -> memref<1x125xi32, #tpu.memory_space<vmem>>
        %dma_start3A_219 = tpu.memref_squeeze %dma_start3A_218 : memref<1x125xi32, #tpu.memory_space<vmem>> -> memref<125xi32, #tpu.memory_space<vmem>>
        %dma_start3A_220 = arith.constant 0 : i32
        %dma_start3A_221 = arith.constant 0 : i32
        %dma_start3A_222 = tpu.memref_slice %arg2[%dma_start3A_220, %dma_start3A_221] : memref<10240x128xf32, #tpu.memory_space<hbm>> -> memref<10240x128xf32, #tpu.memory_space<hbm>>
        tpu.enqueue_indirect_dma source(%dma_start3A_222 : memref<10240x128xf32, #tpu.memory_space<hbm>>) target(%arg11 : memref<125x128xf32, #tpu.memory_space<vmem>>) offsets(%dma_start3A_219 : memref<125xi32, #tpu.memory_space<vmem>>) semaphore(%arg17 : memref<!tpu.dma_semaphore, #tpu.memory_space<semaphore_mem>>)
      } else {
      }
      %dma_wait3A_152 = arith.constant 0 : i32
      %dma_wait3A_153 = arith.constant 0 : i32
      %dma_wait3A_154 = tpu.memref_slice %arg8[%dma_wait3A_152, %dma_wait3A_153] : memref<1x125xi32, #tpu.memory_space<vmem>> -> memref<1x125xi32, #tpu.memory_space<vmem>>
      %dma_wait3A_155 = tpu.memref_squeeze %dma_wait3A_154 : memref<1x125xi32, #tpu.memory_space<vmem>> -> memref<125xi32, #tpu.memory_space<vmem>>
      %dma_wait3A_156 = arith.constant 0 : i32
      %dma_wait3A_157 = arith.constant 0 : i32
      %dma_wait3A_158 = tpu.memref_slice %arg2[%dma_wait3A_156, %dma_wait3A_157] : memref<10240x128xf32, #tpu.memory_space<hbm>> -> memref<10240x128xf32, #tpu.memory_space<hbm>>
      tpu.wait_indirect_dma semaphore(%arg18 : memref<!tpu.dma_semaphore, #tpu.memory_space<semaphore_mem>>) src(%dma_wait3A_158 : memref<10240x128xf32, #tpu.memory_space<hbm>>) dst(%arg12 : memref<125x128xf32, #tpu.memory_space<vmem>>)
      %lt3A_159 = arith.constant 39 : i32
      %lt3A_160 = arith.cmpi slt, %scan3A_112, %lt3A_159 : i32
      %convert_element_type3A_161 = arith.extui %lt3A_160 : i1 to i32
      %cond3A_162 = arith.constant 0 : i32
      %cond3A_163 = arith.cmpi ne, %convert_element_type3A_161, %cond3A_162 : i32
      scf.if %cond3A_163 {
        %mul3A_194 = arith.constant 2 : i32
        %mul3A_195 = arith.muli %mul3A_194, %scan3A_112 : i32
        %add3A_196 = arith.constant 3 : i32
        %add3A_197 = arith.addi %mul3A_195, %add3A_196 : i32
        %dma_start3A_198 = arith.constant 0 : i32
        %dma_start3A_199 = arith.constant 0 : i32
        %dma_start3A_200 = tpu.memref_slice %arg3[%add3A, %add3A_197, %dma_start3A_198, %dma_start3A_199] : memref<32x80x1x125xi32, #tpu.memory_space<hbm>> -> memref<1x1x1x125xi32, #tpu.memory_space<hbm>>
        %dma_start3A_201 = tpu.memref_squeeze %dma_start3A_200 : memref<1x1x1x125xi32, #tpu.memory_space<hbm>> -> memref<1x125xi32, #tpu.memory_space<hbm>>
        %dma_start3A_202 = arith.constant 0 : i32
        %dma_start3A_203 = arith.constant 0 : i32
        %dma_start3A_204 = tpu.memref_slice %arg3[%add3A, %add3A_197, %dma_start3A_202, %dma_start3A_203] : memref<32x80x1x125xi32, #tpu.memory_space<hbm>> -> memref<1x1x1x125xi32, #tpu.memory_space<hbm>>
        %dma_start3A_205 = tpu.memref_squeeze %dma_start3A_204 : memref<1x1x1x125xi32, #tpu.memory_space<hbm>> -> memref<1x125xi32, #tpu.memory_space<hbm>>
        tpu.enqueue_dma source(%dma_start3A_205 : memref<1x125xi32, #tpu.memory_space<hbm>>) target(%arg8 : memref<1x125xi32, #tpu.memory_space<vmem>>) target_semaphore(%arg14 : memref<!tpu.dma_semaphore, #tpu.memory_space<semaphore_mem>>)
      } else {
      }
      %dma_wait3A_164 = arith.constant 0 : i32
      %dma_wait3A_165 = arith.constant 0 : i32
      %dma_wait3A_166 = arith.constant 0 : i32
      %dma_wait3A_167 = arith.constant 0 : i32
      %dma_wait3A_168 = tpu.memref_slice %arg3[%dma_wait3A_164, %dma_wait3A_165, %dma_wait3A_166, %dma_wait3A_167] : memref<32x80x1x125xi32, #tpu.memory_space<hbm>> -> memref<1x1x1x125xi32, #tpu.memory_space<hbm>>
      %dma_wait3A_169 = tpu.memref_squeeze %dma_wait3A_168 : memref<1x1x1x125xi32, #tpu.memory_space<hbm>> -> memref<1x125xi32, #tpu.memory_space<hbm>>
      %dma_wait3A_170 = arith.constant 0 : i32
      %dma_wait3A_171 = arith.constant 0 : i32
      %dma_wait3A_172 = tpu.memref_slice %arg3[%dma_wait3A_164, %dma_wait3A_165, %dma_wait3A_170, %dma_wait3A_171] : memref<32x80x1x125xi32, #tpu.memory_space<hbm>> -> memref<1x1x1x125xi32, #tpu.memory_space<hbm>>
      %dma_wait3A_173 = tpu.memref_squeeze %dma_wait3A_172 : memref<1x1x1x125xi32, #tpu.memory_space<hbm>> -> memref<1x125xi32, #tpu.memory_space<hbm>>
      tpu.wait_dma2 semaphore(%arg16 : memref<!tpu.dma_semaphore, #tpu.memory_space<semaphore_mem>>) src(%dma_wait3A_173 : memref<1x125xi32, #tpu.memory_space<hbm>>) dst(%arg10 : memref<1x125xi32, #tpu.memory_space<vmem>>)
      %dma_start3A_174 = arith.constant 0 : i32
      %dma_start3A_175 = arith.constant 0 : i32
      %dma_start3A_176 = tpu.memref_slice %arg10[%dma_start3A_174, %dma_start3A_175] : memref<1x125xi32, #tpu.memory_space<vmem>> -> memref<1x125xi32, #tpu.memory_space<vmem>>
      %dma_start3A_177 = tpu.memref_squeeze %dma_start3A_176 : memref<1x125xi32, #tpu.memory_space<vmem>> -> memref<125xi32, #tpu.memory_space<vmem>>
      %dma_start3A_178 = arith.constant 0 : i32
      %dma_start3A_179 = arith.constant 0 : i32
      %dma_start3A_180 = tpu.memref_slice %arg6[%dma_start3A_178, %dma_start3A_179] : memref<10240x128xf32, #tpu.memory_space<vmem_shared>> -> memref<10240x128xf32, #tpu.memory_space<vmem_shared>>
      tpu.enqueue_indirect_dma source(%arg12 : memref<125x128xf32, #tpu.memory_space<vmem>>) target(%dma_start3A_180 : memref<10240x128xf32, #tpu.memory_space<vmem_shared>>) offsets(%dma_start3A_177 : memref<125xi32, #tpu.memory_space<vmem>>) semaphore(%arg20 : memref<!tpu.dma_semaphore, #tpu.memory_space<semaphore_mem>>) {add = true}
      %dma_wait3A_181 = arith.constant 0 : i32
      %dma_wait3A_182 = arith.constant 0 : i32
      %dma_wait3A_183 = tpu.memref_slice %arg10[%dma_wait3A_181, %dma_wait3A_182] : memref<1x125xi32, #tpu.memory_space<vmem>> -> memref<1x125xi32, #tpu.memory_space<vmem>>
      %dma_wait3A_184 = tpu.memref_squeeze %dma_wait3A_183 : memref<1x125xi32, #tpu.memory_space<vmem>> -> memref<125xi32, #tpu.memory_space<vmem>>
      %dma_wait3A_185 = arith.constant 0 : i32
      %dma_wait3A_186 = arith.constant 0 : i32
      %dma_wait3A_187 = tpu.memref_slice %arg6[%dma_wait3A_185, %dma_wait3A_186] : memref<10240x128xf32, #tpu.memory_space<vmem_shared>> -> memref<10240x128xf32, #tpu.memory_space<vmem_shared>>
      tpu.wait_indirect_dma semaphore(%arg20 : memref<!tpu.dma_semaphore, #tpu.memory_space<semaphore_mem>>) src(%arg12 : memref<125x128xf32, #tpu.memory_space<vmem>>) dst(%dma_wait3A_187 : memref<10240x128xf32, #tpu.memory_space<vmem_shared>>)
      %lt3A_188 = arith.constant 39 : i32
      %lt3A_189 = arith.cmpi slt, %scan3A_112, %lt3A_188 : i32
      %convert_element_type3A_190 = arith.extui %lt3A_189 : i1 to i32
      %cond3A_191 = arith.constant 0 : i32
      %cond3A_192 = arith.cmpi ne, %convert_element_type3A_190, %cond3A_191 : i32
      scf.if %cond3A_192 {
        %mul3A_194 = arith.constant 2 : i32
        %mul3A_195 = arith.muli %mul3A_194, %scan3A_112 : i32
        %add3A_196 = arith.constant 3 : i32
        %add3A_197 = arith.addi %mul3A_195, %add3A_196 : i32
        %dma_start3A_198 = arith.constant 0 : i32
        %dma_start3A_199 = arith.constant 0 : i32
        %dma_start3A_200 = tpu.memref_slice %arg4[%add3A, %add3A_197, %dma_start3A_198, %dma_start3A_199] : memref<32x80x1x125xi32, #tpu.memory_space<hbm>> -> memref<1x1x1x125xi32, #tpu.memory_space<hbm>>
        %dma_start3A_201 = tpu.memref_squeeze %dma_start3A_200 : memref<1x1x1x125xi32, #tpu.memory_space<hbm>> -> memref<1x125xi32, #tpu.memory_space<hbm>>
        %dma_start3A_202 = arith.constant 0 : i32
        %dma_start3A_203 = arith.constant 0 : i32
        %dma_start3A_204 = tpu.memref_slice %arg4[%add3A, %add3A_197, %dma_start3A_202, %dma_start3A_203] : memref<32x80x1x125xi32, #tpu.memory_space<hbm>> -> memref<1x1x1x125xi32, #tpu.memory_space<hbm>>
        %dma_start3A_205 = tpu.memref_squeeze %dma_start3A_204 : memref<1x1x1x125xi32, #tpu.memory_space<hbm>> -> memref<1x125xi32, #tpu.memory_space<hbm>>
        tpu.enqueue_dma source(%dma_start3A_205 : memref<1x125xi32, #tpu.memory_space<hbm>>) target(%arg10 : memref<1x125xi32, #tpu.memory_space<vmem>>) target_semaphore(%arg16 : memref<!tpu.dma_semaphore, #tpu.memory_space<semaphore_mem>>)
        %dma_wait3A_206 = arith.constant 0 : i32
        %dma_wait3A_207 = arith.constant 0 : i32
        %dma_wait3A_208 = arith.constant 0 : i32
        %dma_wait3A_209 = arith.constant 0 : i32
        %dma_wait3A_210 = tpu.memref_slice %arg3[%dma_wait3A_206, %dma_wait3A_207, %dma_wait3A_208, %dma_wait3A_209] : memref<32x80x1x125xi32, #tpu.memory_space<hbm>> -> memref<1x1x1x125xi32, #tpu.memory_space<hbm>>
        %dma_wait3A_211 = tpu.memref_squeeze %dma_wait3A_210 : memref<1x1x1x125xi32, #tpu.memory_space<hbm>> -> memref<1x125xi32, #tpu.memory_space<hbm>>
        %dma_wait3A_212 = arith.constant 0 : i32
        %dma_wait3A_213 = arith.constant 0 : i32
        %dma_wait3A_214 = tpu.memref_slice %arg3[%dma_wait3A_206, %dma_wait3A_207, %dma_wait3A_212, %dma_wait3A_213] : memref<32x80x1x125xi32, #tpu.memory_space<hbm>> -> memref<1x1x1x125xi32, #tpu.memory_space<hbm>>
        %dma_wait3A_215 = tpu.memref_squeeze %dma_wait3A_214 : memref<1x1x1x125xi32, #tpu.memory_space<hbm>> -> memref<1x125xi32, #tpu.memory_space<hbm>>
        tpu.wait_dma2 semaphore(%arg14 : memref<!tpu.dma_semaphore, #tpu.memory_space<semaphore_mem>>) src(%dma_wait3A_215 : memref<1x125xi32, #tpu.memory_space<hbm>>) dst(%arg8 : memref<1x125xi32, #tpu.memory_space<vmem>>)
        %dma_start3A_216 = arith.constant 0 : i32
        %dma_start3A_217 = arith.constant 0 : i32
        %dma_start3A_218 = tpu.memref_slice %arg8[%dma_start3A_216, %dma_start3A_217] : memref<1x125xi32, #tpu.memory_space<vmem>> -> memref<1x125xi32, #tpu.memory_space<vmem>>
        %dma_start3A_219 = tpu.memref_squeeze %dma_start3A_218 : memref<1x125xi32, #tpu.memory_space<vmem>> -> memref<125xi32, #tpu.memory_space<vmem>>
        %dma_start3A_220 = arith.constant 0 : i32
        %dma_start3A_221 = arith.constant 0 : i32
        %dma_start3A_222 = tpu.memref_slice %arg2[%dma_start3A_220, %dma_start3A_221] : memref<10240x128xf32, #tpu.memory_space<hbm>> -> memref<10240x128xf32, #tpu.memory_space<hbm>>
        tpu.enqueue_indirect_dma source(%dma_start3A_222 : memref<10240x128xf32, #tpu.memory_space<hbm>>) target(%arg12 : memref<125x128xf32, #tpu.memory_space<vmem>>) offsets(%dma_start3A_219 : memref<125xi32, #tpu.memory_space<vmem>>) semaphore(%arg18 : memref<!tpu.dma_semaphore, #tpu.memory_space<semaphore_mem>>)
      } else {
      }
      %scan3A_193 = arith.constant 0 : i32
      scf.yield %scan3A_193 : i32
    }
    %scan3A_106 = arith.constant 40 : i32
    %barrier3A_107 = arith.constant 0 : index
    tpu.barrier barrier_id(%barrier3A_107)
    %mul3A_108 = arith.constant 640 : i32
    %mul3A_109 = arith.muli %arg1, %mul3A_108 : i32
    %mul3A_110 = arith.constant 640 : i32
    %mul3A_111 = arith.muli %arg1, %mul3A_110 : i32
    "tpu.region"() ({
      %run_scoped3A = tpu.sem_alloc : memref<!tpu.dma_semaphore, #tpu.memory_space<semaphore_mem>>
      %dma_start3A_112 = arith.constant 0 : i32
      %dma_start3A_113 = tpu.memref_slice %arg5[%arg0, %mul3A_111, %dma_start3A_112] : memref<2x10240x128xf32, #tpu.memory_space<hbm>> -> memref<1x640x128xf32, #tpu.memory_space<hbm>>
      %dma_start3A_114 = tpu.memref_squeeze %dma_start3A_113 : memref<1x640x128xf32, #tpu.memory_space<hbm>> -> memref<640x128xf32, #tpu.memory_space<hbm>>
      %dma_start3A_115 = arith.constant 0 : i32
      %dma_start3A_116 = tpu.memref_slice %arg6[%mul3A_109, %dma_start3A_115] : memref<10240x128xf32, #tpu.memory_space<vmem_shared>> -> memref<640x128xf32, #tpu.memory_space<vmem_shared>>
      tpu.enqueue_dma source(%dma_start3A_116 : memref<640x128xf32, #tpu.memory_space<vmem_shared>>) target(%dma_start3A_114 : memref<640x128xf32, #tpu.memory_space<hbm>>) target_semaphore(%run_scoped3A : memref<!tpu.dma_semaphore, #tpu.memory_space<semaphore_mem>>)
      %dma_wait3A_117 = arith.constant 0 : i32
      %dma_wait3A_118 = tpu.memref_slice %arg5[%arg0, %mul3A_111, %dma_wait3A_117] : memref<2x10240x128xf32, #tpu.memory_space<hbm>> -> memref<1x640x128xf32, #tpu.memory_space<hbm>>
      %dma_wait3A_119 = tpu.memref_squeeze %dma_wait3A_118 : memref<1x640x128xf32, #tpu.memory_space<hbm>> -> memref<640x128xf32, #tpu.memory_space<hbm>>
      %dma_wait3A_120 = arith.constant 0 : i32
      %dma_wait3A_121 = tpu.memref_slice %arg6[%mul3A_109, %dma_wait3A_120] : memref<10240x128xf32, #tpu.memory_space<vmem_shared>> -> memref<640x128xf32, #tpu.memory_space<vmem_shared>>
      tpu.wait_dma2 semaphore(%run_scoped3A : memref<!tpu.dma_semaphore, #tpu.memory_space<semaphore_mem>>) src(%dma_wait3A_121 : memref<640x128xf32, #tpu.memory_space<vmem_shared>>) dst(%dma_wait3A_119 : memref<640x128xf32, #tpu.memory_space<hbm>>)
      tpu.yield
    }) : () -> ()
    return
  }
}

module attributes {stable_mosaic.version = 14 : i64} {
  func.func @_prescale_body(%arg0: i32, %arg1: memref<2x1024x16xf32, #tpu.memory_space<vmem>>, %arg2: memref<1024x128xf32, #tpu.memory_space<vmem>>, %arg3: memref<1024x1xf32, #tpu.memory_space<vmem>>, %arg4: memref<1024x128xf32, #tpu.memory_space<vmem>>) attributes {dimension_semantics = [#tpu.dimension_semantics<arbitrary>], iteration_bounds = array<i64: 10>, scalar_prefetch = 0 : i64, scratch_operands = 0 : i64, tpu.core_type = #tpu.core_type<tc>, window_params = [{transform_indices = @transform_0, window_bounds = array<i64: 2, 1024, 16>}, {transform_indices = @transform_1, window_bounds = array<i64: 1024, 128>}, {transform_indices = @transform_2, window_bounds = array<i64: 1024, 1>}, {transform_indices = @transform_3, window_bounds = array<i64: 1024, 128>}]} {
    %get3A = arith.constant 0 : index
    %get3A_0 = arith.constant 0 : index
    %get3A_1 = arith.constant 0 : index
    %get3A_2 = vector.load %arg1[%get3A, %get3A_0, %get3A_1] : memref<2x1024x16xf32, #tpu.memory_space<vmem>>, vector<1x1024x16xf32>
    %get3A_3 = vector.shape_cast %get3A_2 : vector<1x1024x16xf32> to vector<1024x16xf32>
    %get3A_4 = arith.constant 1 : index
    %get3A_5 = arith.constant 0 : index
    %get3A_6 = arith.constant 0 : index
    %get3A_7 = vector.load %arg1[%get3A_4, %get3A_5, %get3A_6] : memref<2x1024x16xf32, #tpu.memory_space<vmem>>, vector<1x1024x16xf32>
    %get3A_8 = vector.shape_cast %get3A_7 : vector<1x1024x16xf32> to vector<1024x16xf32>
    %add3A = arith.addf %get3A_3, %get3A_8 : vector<1024x16xf32>
    %reduce_sum3A = arith.constant dense<0.000000e+00> : vector<1024xf32>
    %reduce_sum3A_9 = vector.multi_reduction <add>, %add3A, %reduce_sum3A [1] : vector<1024x16xf32> to vector<1024xf32>
    %broadcast_in_dim3A = vector.shape_cast %reduce_sum3A_9 : vector<1024xf32> to vector<1024x1xf32>
    %add3A_10 = arith.constant 1.000000e+00 : f32
    %add3A_11 = vector.broadcast %add3A_10 : f32 to vector<1024x1xf32>
    %add3A_12 = arith.addf %broadcast_in_dim3A, %add3A_11 : vector<1024x1xf32>
    %rsqrt3A = math.rsqrt %add3A_12 : vector<1024x1xf32>
    %swap3A = arith.constant 0 : index
    %swap3A_13 = arith.constant 0 : index
    %swap3A_14 = vector.load %arg3[%swap3A, %swap3A_13] : memref<1024x1xf32, #tpu.memory_space<vmem>>, vector<1024x1xf32>
    tpu.vector_store %arg3[%swap3A, %swap3A_13], %rsqrt3A {strides = array<i32>} : memref<1024x1xf32, #tpu.memory_space<vmem>>, vector<1024x1xf32>,
    %get3A_15 = arith.constant 0 : index
    %get3A_16 = arith.constant 0 : index
    %get3A_17 = vector.load %arg2[%get3A_15, %get3A_16] : memref<1024x128xf32, #tpu.memory_space<vmem>>, vector<1024x128xf32>
    %mul3A = vector.broadcast %rsqrt3A : vector<1024x1xf32> to vector<1024x128xf32>
    %mul3A_18 = arith.mulf %get3A_17, %mul3A : vector<1024x128xf32>
    %swap3A_19 = arith.constant 0 : index
    %swap3A_20 = arith.constant 0 : index
    %swap3A_21 = vector.load %arg4[%swap3A_19, %swap3A_20] : memref<1024x128xf32, #tpu.memory_space<vmem>>, vector<1024x128xf32>
    tpu.vector_store %arg4[%swap3A_19, %swap3A_20], %mul3A_18 {strides = array<i32>} : memref<1024x128xf32, #tpu.memory_space<vmem>>, vector<1024x128xf32>,
    return
  }
  func.func @transform_0(%arg0: i32) -> (i32, i32, i32) {
    %c0_i32 = arith.constant 0 : i32
    %c0_i32_0 = arith.constant 0 : i32
    %c0_i32_1 = arith.constant 0 : i32
    return %c0_i32, %arg0, %c0_i32_0 : i32, i32, i32
  }
  func.func @transform_1(%arg0: i32) -> (i32, i32) {
    %c0_i32 = arith.constant 0 : i32
    %c0_i32_0 = arith.constant 0 : i32
    return %arg0, %c0_i32 : i32, i32
  }
  func.func @transform_2(%arg0: i32) -> (i32, i32) {
    %c0_i32 = arith.constant 0 : i32
    %c0_i32_0 = arith.constant 0 : i32
    return %arg0, %c0_i32 : i32, i32
  }
  func.func @transform_3(%arg0: i32) -> (i32, i32) {
    %c0_i32 = arith.constant 0 : i32
    %c0_i32_0 = arith.constant 0 : i32
    return %arg0, %c0_i32 : i32, i32
  }
}

module attributes {stable_mosaic.version = 14 : i64} {
  func.func @_layer_body(%arg0: i32, %arg1: memref<2x1024x128xf32, #tpu.memory_space<vmem>>, %arg2: memref<1024x128xf32, #tpu.memory_space<vmem>>, %arg3: memref<1024x1xf32, #tpu.memory_space<vmem>>, %arg4: memref<128x128xf32, #tpu.memory_space<vmem>>, %arg5: memref<1x128xf32, #tpu.memory_space<vmem>>, %arg6: memref<1024x128xf32, #tpu.memory_space<vmem>>) attributes {dimension_semantics = [#tpu.dimension_semantics<arbitrary>], iteration_bounds = array<i64: 10>, scalar_prefetch = 0 : i64, scratch_operands = 0 : i64, tpu.core_type = #tpu.core_type<tc>, window_params = [{transform_indices = @transform_0, window_bounds = array<i64: 2, 1024, 128>}, {transform_indices = @transform_1, window_bounds = array<i64: 1024, 128>}, {transform_indices = @transform_2, window_bounds = array<i64: 1024, 1>}, {pipeline_mode = #tpu.pipeline_mode<synchronous>, transform_indices = @transform_3, window_bounds = array<i64: 128, 128>}, {pipeline_mode = #tpu.pipeline_mode<synchronous>, transform_indices = @transform_4, window_bounds = array<i64: 1, 128>}, {transform_indices = @transform_5, window_bounds = array<i64: 1024, 128>}]} {
    %get3A = arith.constant 0 : index
    %get3A_0 = arith.constant 0 : index
    %get3A_1 = vector.load %arg2[%get3A, %get3A_0] : memref<1024x128xf32, #tpu.memory_space<vmem>>, vector<1024x128xf32>
    %get3A_2 = arith.constant 0 : index
    %get3A_3 = arith.constant 0 : index
    %get3A_4 = vector.load %arg3[%get3A_2, %get3A_3] : memref<1024x1xf32, #tpu.memory_space<vmem>>, vector<1024x1xf32>
    %get3A_5 = arith.constant 0 : index
    %get3A_6 = arith.constant 0 : index
    %get3A_7 = arith.constant 0 : index
    %get3A_8 = vector.load %arg1[%get3A_5, %get3A_6, %get3A_7] : memref<2x1024x128xf32, #tpu.memory_space<vmem>>, vector<1x1024x128xf32>
    %get3A_9 = vector.shape_cast %get3A_8 : vector<1x1024x128xf32> to vector<1024x128xf32>
    %get3A_10 = arith.constant 1 : index
    %get3A_11 = arith.constant 0 : index
    %get3A_12 = arith.constant 0 : index
    %get3A_13 = vector.load %arg1[%get3A_10, %get3A_11, %get3A_12] : memref<2x1024x128xf32, #tpu.memory_space<vmem>>, vector<1x1024x128xf32>
    %get3A_14 = vector.shape_cast %get3A_13 : vector<1x1024x128xf32> to vector<1024x128xf32>
    %add3A = arith.addf %get3A_9, %get3A_14 : vector<1024x128xf32>
    %add3A_15 = arith.addf %add3A, %get3A_1 : vector<1024x128xf32>
    %mul3A = vector.broadcast %get3A_4 : vector<1024x1xf32> to vector<1024x128xf32>
    %mul3A_16 = arith.mulf %add3A_15, %mul3A : vector<1024x128xf32>
    %get3A_17 = arith.constant 0 : index
    %get3A_18 = arith.constant 0 : index
    %get3A_19 = vector.load %arg4[%get3A_17, %get3A_18] : memref<128x128xf32, #tpu.memory_space<vmem>>, vector<128x128xf32>
    %dot_general3A = arith.constant dense<0.000000e+00> : vector<1024x128xf32>
    %dot_general3A_20 = tpu.matmul %mul3A_16, %get3A_19, %dot_general3A {dimension_numbers = #tpu.dot_dimension_numbers<[1], [0], [0], [1], [0, 0, 1, 1], [], []>, transpose_lhs_hint = false} : vector<1024x128xf32>, vector<128x128xf32>, vector<1024x128xf32> -> vector<1024x128xf32>
    %get3A_21 = arith.constant 0 : index
    %get3A_22 = arith.constant 0 : index
    %get3A_23 = vector.load %arg5[%get3A_21, %get3A_22] : memref<1x128xf32, #tpu.memory_space<vmem>>, vector<1x128xf32>
    %add3A_24 = vector.broadcast %get3A_23 : vector<1x128xf32> to vector<1024x128xf32>
    %add3A_25 = arith.addf %dot_general3A_20, %add3A_24 : vector<1024x128xf32>
    %max3A = arith.constant 0.000000e+00 : f32
    %max3A_26 = vector.broadcast %max3A : f32 to vector<1024x128xf32>
    %max3A_27 = arith.maximumf %add3A_25, %max3A_26 : vector<1024x128xf32>
    %mul3A_28 = vector.broadcast %get3A_4 : vector<1024x1xf32> to vector<1024x128xf32>
    %mul3A_29 = arith.mulf %max3A_27, %mul3A_28 : vector<1024x128xf32>
    %swap3A = arith.constant 0 : index
    %swap3A_30 = arith.constant 0 : index
    %swap3A_31 = vector.load %arg6[%swap3A, %swap3A_30] : memref<1024x128xf32, #tpu.memory_space<vmem>>, vector<1024x128xf32>
    tpu.vector_store %arg6[%swap3A, %swap3A_30], %mul3A_29 {strides = array<i32>} : memref<1024x128xf32, #tpu.memory_space<vmem>>, vector<1024x128xf32>,
    return
  }
  func.func @transform_0(%arg0: i32) -> (i32, i32, i32) {
    %c0_i32 = arith.constant 0 : i32
    %c0_i32_0 = arith.constant 0 : i32
    %c0_i32_1 = arith.constant 0 : i32
    return %c0_i32, %arg0, %c0_i32_0 : i32, i32, i32
  }
  func.func @transform_1(%arg0: i32) -> (i32, i32) {
    %c0_i32 = arith.constant 0 : i32
    %c0_i32_0 = arith.constant 0 : i32
    return %arg0, %c0_i32 : i32, i32
  }
  func.func @transform_2(%arg0: i32) -> (i32, i32) {
    %c0_i32 = arith.constant 0 : i32
    %c0_i32_0 = arith.constant 0 : i32
    return %arg0, %c0_i32 : i32, i32
  }
  func.func @transform_3(%arg0: i32) -> (i32, i32) {
    %c0_i32 = arith.constant 0 : i32
    %c0_i32_0 = arith.constant 0 : i32
    %c0_i32_1 = arith.constant 0 : i32
    return %c0_i32, %c0_i32_0 : i32, i32
  }
  func.func @transform_4(%arg0: i32) -> (i32, i32) {
    %c0_i32 = arith.constant 0 : i32
    %c0_i32_0 = arith.constant 0 : i32
    %c0_i32_1 = arith.constant 0 : i32
    return %c0_i32, %c0_i32_0 : i32, i32
  }
  func.func @transform_5(%arg0: i32) -> (i32, i32) {
    %c0_i32 = arith.constant 0 : i32
    %c0_i32_0 = arith.constant 0 : i32
    return %arg0, %c0_i32 : i32, i32
  }
}

module attributes {stable_mosaic.version = 14 : i64} {
  func.func @_final_body(%arg0: i32, %arg1: memref<2x1024x128xf32, #tpu.memory_space<vmem>>, %arg2: memref<1024x128xf32, #tpu.memory_space<vmem>>, %arg3: memref<1024x1xf32, #tpu.memory_space<vmem>>, %arg4: memref<128x128xf32, #tpu.memory_space<vmem>>, %arg5: memref<1x128xf32, #tpu.memory_space<vmem>>, %arg6: memref<128x10xf32, #tpu.memory_space<vmem>>, %arg7: memref<1x10xf32, #tpu.memory_space<vmem>>, %arg8: memref<1x10xf32, #tpu.memory_space<vmem>>, %arg9: memref<1x128xf32, #tpu.memory_space<vmem>>) attributes {dimension_semantics = [#tpu.dimension_semantics<arbitrary>], iteration_bounds = array<i64: 10>, scalar_prefetch = 0 : i64, scratch_operands = 1 : i64, tpu.core_type = #tpu.core_type<tc>, window_params = [{transform_indices = @transform_0, window_bounds = array<i64: 2, 1024, 128>}, {transform_indices = @transform_1, window_bounds = array<i64: 1024, 128>}, {transform_indices = @transform_2, window_bounds = array<i64: 1024, 1>}, {pipeline_mode = #tpu.pipeline_mode<synchronous>, transform_indices = @transform_3, window_bounds = array<i64: 128, 128>}, {pipeline_mode = #tpu.pipeline_mode<synchronous>, transform_indices = @transform_4, window_bounds = array<i64: 1, 128>}, {pipeline_mode = #tpu.pipeline_mode<synchronous>, transform_indices = @transform_5, window_bounds = array<i64: 128, 10>}, {pipeline_mode = #tpu.pipeline_mode<synchronous>, transform_indices = @transform_6, window_bounds = array<i64: 1, 10>}, {pipeline_mode = #tpu.pipeline_mode<synchronous>, transform_indices = @transform_7, window_bounds = array<i64: 1, 10>}]} {
    %eq3A = arith.constant 0 : i32
    %eq3A_0 = arith.cmpi eq, %arg0, %eq3A : i32
    %convert_element_type3A = arith.extui %eq3A_0 : i1 to i32
    %cond3A = arith.constant 0 : i32
    %cond3A_1 = arith.cmpi ne, %convert_element_type3A, %cond3A : i32
    scf.if %cond3A_1 {
      %broadcast_in_dim3A_62 = arith.constant 0.000000e+00 : f32
      %broadcast_in_dim3A_63 = vector.broadcast %broadcast_in_dim3A_62 : f32 to vector<1x128xf32>
      %swap3A_64 = arith.constant 0 : index
      %swap3A_65 = arith.constant 0 : index
      %swap3A_66 = vector.load %arg9[%swap3A_64, %swap3A_65] : memref<1x128xf32, #tpu.memory_space<vmem>>, vector<1x128xf32>
      tpu.vector_store %arg9[%swap3A_64, %swap3A_65], %broadcast_in_dim3A_63 {strides = array<i32>} : memref<1x128xf32, #tpu.memory_space<vmem>>, vector<1x128xf32>,
    } else {
    }
    %get3A = arith.constant 0 : index
    %get3A_2 = arith.constant 0 : index
    %get3A_3 = vector.load %arg2[%get3A, %get3A_2] : memref<1024x128xf32, #tpu.memory_space<vmem>>, vector<1024x128xf32>
    %get3A_4 = arith.constant 0 : index
    %get3A_5 = arith.constant 0 : index
    %get3A_6 = vector.load %arg3[%get3A_4, %get3A_5] : memref<1024x1xf32, #tpu.memory_space<vmem>>, vector<1024x1xf32>
    %get3A_7 = arith.constant 0 : index
    %get3A_8 = arith.constant 0 : index
    %get3A_9 = arith.constant 0 : index
    %get3A_10 = vector.load %arg1[%get3A_7, %get3A_8, %get3A_9] : memref<2x1024x128xf32, #tpu.memory_space<vmem>>, vector<1x1024x128xf32>
    %get3A_11 = vector.shape_cast %get3A_10 : vector<1x1024x128xf32> to vector<1024x128xf32>
    %get3A_12 = arith.constant 1 : index
    %get3A_13 = arith.constant 0 : index
    %get3A_14 = arith.constant 0 : index
    %get3A_15 = vector.load %arg1[%get3A_12, %get3A_13, %get3A_14] : memref<2x1024x128xf32, #tpu.memory_space<vmem>>, vector<1x1024x128xf32>
    %get3A_16 = vector.shape_cast %get3A_15 : vector<1x1024x128xf32> to vector<1024x128xf32>
    %add3A = arith.addf %get3A_11, %get3A_16 : vector<1024x128xf32>
    %add3A_17 = arith.addf %add3A, %get3A_3 : vector<1024x128xf32>
    %mul3A = vector.broadcast %get3A_6 : vector<1024x1xf32> to vector<1024x128xf32>
    %mul3A_18 = arith.mulf %add3A_17, %mul3A : vector<1024x128xf32>
    %get3A_19 = arith.constant 0 : index
    %get3A_20 = arith.constant 0 : index
    %get3A_21 = vector.load %arg4[%get3A_19, %get3A_20] : memref<128x128xf32, #tpu.memory_space<vmem>>, vector<128x128xf32>
    %dot_general3A = arith.constant dense<0.000000e+00> : vector<1024x128xf32>
    %dot_general3A_22 = tpu.matmul %mul3A_18, %get3A_21, %dot_general3A {dimension_numbers = #tpu.dot_dimension_numbers<[1], [0], [0], [1], [0, 0, 1, 1], [], []>, transpose_lhs_hint = false} : vector<1024x128xf32>, vector<128x128xf32>, vector<1024x128xf32> -> vector<1024x128xf32>
    %get3A_23 = arith.constant 0 : index
    %get3A_24 = arith.constant 0 : index
    %get3A_25 = vector.load %arg5[%get3A_23, %get3A_24] : memref<1x128xf32, #tpu.memory_space<vmem>>, vector<1x128xf32>
    %add3A_26 = vector.broadcast %get3A_25 : vector<1x128xf32> to vector<1024x128xf32>
    %add3A_27 = arith.addf %dot_general3A_22, %add3A_26 : vector<1024x128xf32>
    %max3A = arith.constant 0.000000e+00 : f32
    %max3A_28 = vector.broadcast %max3A : f32 to vector<1024x128xf32>
    %max3A_29 = arith.maximumf %add3A_27, %max3A_28 : vector<1024x128xf32>
    %iota3A = tpu.iota {dimensions = array<i32: 0>} : vector<1024x128xi32>
    %mul3A_30 = arith.constant 1024 : i32
    %mul3A_31 = arith.muli %arg0, %mul3A_30 : i32
    %add3A_32 = vector.broadcast %mul3A_31 : i32 to vector<1024x128xi32>
    %add3A_33 = arith.addi %iota3A, %add3A_32 : vector<1024x128xi32>
    %lt3A = arith.constant 10000 : i32
    %lt3A_34 = vector.broadcast %lt3A : i32 to vector<1024x128xi32>
    %lt3A_35 = arith.cmpi slt, %add3A_33, %lt3A_34 : vector<1024x128xi32>
    %jit3A = arith.constant 0.000000e+00 : f32
    %broadcast_in_dim3A = vector.broadcast %jit3A : f32 to vector<1024x128xf32>
    %select_n3A = arith.select %lt3A_35, %max3A_29, %broadcast_in_dim3A : vector<1024x128xi1>, vector<1024x128xf32>
    %get3A_36 = arith.constant 0 : index
    %get3A_37 = arith.constant 0 : index
    %get3A_38 = vector.load %arg9[%get3A_36, %get3A_37] : memref<1x128xf32, #tpu.memory_space<vmem>>, vector<1x128xf32>
    %reduce_sum3A = arith.constant dense<0.000000e+00> : vector<128xf32>
    %reduce_sum3A_39 = vector.multi_reduction <add>, %select_n3A, %reduce_sum3A [0] : vector<1024x128xf32> to vector<128xf32>
    %broadcast_in_dim3A_40 = vector.shape_cast %reduce_sum3A_39 : vector<128xf32> to vector<1x128xf32>
    %add3A_41 = arith.addf %get3A_38, %broadcast_in_dim3A_40 : vector<1x128xf32>
    %swap3A = arith.constant 0 : index
    %swap3A_42 = arith.constant 0 : index
    %swap3A_43 = vector.load %arg9[%swap3A, %swap3A_42] : memref<1x128xf32, #tpu.memory_space<vmem>>, vector<1x128xf32>
    tpu.vector_store %arg9[%swap3A, %swap3A_42], %add3A_41 {strides = array<i32>} : memref<1x128xf32, #tpu.memory_space<vmem>>, vector<1x128xf32>,
    %get3A_44 = arith.constant 0 : index
    %get3A_45 = arith.constant 0 : index
    %get3A_46 = vector.load %arg9[%get3A_44, %get3A_45] : memref<1x128xf32, #tpu.memory_space<vmem>>, vector<1x128xf32>
    %mul3A_47 = arith.constant 9.99999974E-5 : f32
    %mul3A_48 = vector.broadcast %mul3A_47 : f32 to vector<1x128xf32>
    %mul3A_49 = arith.mulf %get3A_46, %mul3A_48 : vector<1x128xf32>
    %get3A_50 = arith.constant 0 : index
    %get3A_51 = arith.constant 0 : index
    %get3A_52 = vector.load %arg6[%get3A_50, %get3A_51] : memref<128x10xf32, #tpu.memory_space<vmem>>, vector<128x10xf32>
    %dot_general3A_53 = arith.constant dense<0.000000e+00> : vector<1x10xf32>
    %dot_general3A_54 = tpu.matmul %mul3A_49, %get3A_52, %dot_general3A_53 {dimension_numbers = #tpu.dot_dimension_numbers<[1], [0], [0], [1], [0, 0, 1, 1], [], []>, transpose_lhs_hint = false} : vector<1x128xf32>, vector<128x10xf32>, vector<1x10xf32> -> vector<1x10xf32>
    %get3A_55 = arith.constant 0 : index
    %get3A_56 = arith.constant 0 : index
    %get3A_57 = vector.load %arg7[%get3A_55, %get3A_56] : memref<1x10xf32, #tpu.memory_space<vmem>>, vector<1x10xf32>
    %add3A_58 = arith.addf %dot_general3A_54, %get3A_57 : vector<1x10xf32>
    %swap3A_59 = arith.constant 0 : index
    %swap3A_60 = arith.constant 0 : index
    %swap3A_61 = vector.load %arg8[%swap3A_59, %swap3A_60] : memref<1x10xf32, #tpu.memory_space<vmem>>, vector<1x10xf32>
    tpu.vector_store %arg8[%swap3A_59, %swap3A_60], %add3A_58 {strides = array<i32>} : memref<1x10xf32, #tpu.memory_space<vmem>>, vector<1x10xf32>,
    return
  }
  func.func @transform_0(%arg0: i32) -> (i32, i32, i32) {
    %c0_i32 = arith.constant 0 : i32
    %c0_i32_0 = arith.constant 0 : i32
    %c0_i32_1 = arith.constant 0 : i32
    return %c0_i32, %arg0, %c0_i32_0 : i32, i32, i32
  }
  func.func @transform_1(%arg0: i32) -> (i32, i32) {
    %c0_i32 = arith.constant 0 : i32
    %c0_i32_0 = arith.constant 0 : i32
    return %arg0, %c0_i32 : i32, i32
  }
  func.func @transform_2(%arg0: i32) -> (i32, i32) {
    %c0_i32 = arith.constant 0 : i32
    %c0_i32_0 = arith.constant 0 : i32
    return %arg0, %c0_i32 : i32, i32
  }
  func.func @transform_3(%arg0: i32) -> (i32, i32) {
    %c0_i32 = arith.constant 0 : i32
    %c0_i32_0 = arith.constant 0 : i32
    %c0_i32_1 = arith.constant 0 : i32
    return %c0_i32, %c0_i32_0 : i32, i32
  }
  func.func @transform_4(%arg0: i32) -> (i32, i32) {
    %c0_i32 = arith.constant 0 : i32
    %c0_i32_0 = arith.constant 0 : i32
    %c0_i32_1 = arith.constant 0 : i32
    return %c0_i32, %c0_i32_0 : i32, i32
  }
  func.func @transform_5(%arg0: i32) -> (i32, i32) {
    %c0_i32 = arith.constant 0 : i32
    %c0_i32_0 = arith.constant 0 : i32
    %c0_i32_1 = arith.constant 0 : i32
    return %c0_i32, %c0_i32_0 : i32, i32
  }
  func.func @transform_6(%arg0: i32) -> (i32, i32) {
    %c0_i32 = arith.constant 0 : i32
    %c0_i32_0 = arith.constant 0 : i32
    %c0_i32_1 = arith.constant 0 : i32
    return %c0_i32, %c0_i32_0 : i32, i32
  }
  func.func @transform_7(%arg0: i32) -> (i32, i32) {
    %c0_i32 = arith.constant 0 : i32
    %c0_i32_0 = arith.constant 0 : i32
    %c0_i32_1 = arith.constant 0 : i32
    return %c0_i32, %c0_i32_0 : i32, i32
  }
}

</mosaic_0001>

<sc_bundles>
// kernel: kernel.10.cloned.1.call-start
scs
__scs_entry_jumppad:
0x0: {  	(pc) =	sbr.rel $0x88, $3  }
0x1: {  	(tag) =	ssettag $0x0;
	lr =	simm.s32 $0x1  }
0x2: {  	[smem:$0x3F97] =	sst lr;
	_ =	strace $0xD0000000  }
0x3: {  	_ = 	snop  }
0x4: {  	_ = 	snop  }
0x5: {  	_ = 	snop  }
0x6: {  	_ = 	snop  }
0x7: {  	_ = 	snop  }
__scs_overlays_trampoline_lowered:
0x8: {  	[smem:$0x3FA6] =	sst s0  }
0x9: {  	[smem:$0x3FA7] =	sst s1  }
0xa: {  	[smem:$0x3FA8] =	sst s2  }
0xb: {  	[smem:$0x3FA9] =	sst s3  }
0xc: {  	[smem:$0x3FAA] =	sst s4  }
0xd: {  	[smem:$0x3FAB] =	sst s5  }
0xe: {  	[smem:$0x3FAC] =	sst s6  }
0xf: {  	[smem:$0x3FAD] =	sst s7  }
0x10: {  	[smem:$0x3FAE] =	sst s8  }
0x11: {  	[smem:$0x3FAF] =	sst s9;
	s0 =	simm.s32 @!p0 $0x0  }
0x12: {  	s1 =	sld [smem:$0x3F95];
	s0 =	simm.s32 @p0 $0x1  }
0x13: {  	[smem:$0x3FB0] =	sst s0;
	s0 =	simm.s32 @!p1 $0x0  }
0x14: {  	s2 =	sld [smem:$0x3F94];
	s0 =	simm.s32 @p1 $0x1  }
0x15: {  	[smem:$0x3FB1] =	sst s0;
	s0 =	simm.s32 @!p2 $0x0  }
0x16: {  	s3 =	sld [smem:$0x3FDB];
	s0 =	simm.s32 @p2 $0x1  }
0x17: {  	s4 =	simm.s32 $0x1BF5;
	[smem:$0x3FB3] =	sst s0  }
0x18: {  	s0 =	sld [smem:$0x3F96];
	_ =	swait.ge [sflag:s4], $0x0  }
0x19: {  	s7 =	sld [smem:$0x3F97]  }
0x1a: {  	s8 =	sadd.s32 $0xFFFFE003, lr  }
0x1b: {  	s9 =	sadd.s32 $0xFFFFFEF7, lr;
	s5 =	simm.s32 $0xFFFFFFFF;
	p2 =	slt.u32 s8, $0xFFFFF086  }
0x1c: {  	p1 =	slt.u32 s9, $0xF7A;
	s5 =	simm.s32 @!p2 $0x0  }
0x1d: {  	s5 =	simm.s32 @p1 $0x1;
	p0 =	seq.s32 s7, s2  }
0x1e: {  	s7 =	smul.u32 @!p0 $0xF7A, s2;
	p2 =	seq.s32 @!p0 s5, $0x0  }
0x1f: {  	s9 =	smul.u32 $0xF7A, s1;
	s8 =	simm.s32 @!p0 $0x1BF5;
	p2 =	por !p2, p0  }
0x20: {  	[sflag:s8] =	ssyncset.s32 @!p0 $0xFFFFF086;
	s6 =	sadd.s32 @!p0 s3, s7;
	s7 =	simm.s32 @!p0 $0x108  }
0x21: {  	s3 =	sadd.s32 s3, s9;
	s6 =	sadd.s32 @!p0 $0x88, s6;
	s7 =	simm.s32 @p2 $0x1082  }
0x22: {  	[simem:s7], [sflag:s8] =	dma.local @!p0 [hbm:s6], $0xF7A  }
0x23: {  	s9 =	sor.u32 $0xD0000000, s2;
	s6 =	simm.s32 $0x108;
	_ =	swait.ge @!p0 [sflag:s8], $0x0  }
0x24: {  	s3 =	sadd.s32 $0x88, s3;
	s6 =	simm.s32 @!p1 $0x1082;
	[sflag:s4] =	ssyncset.s32 $0xFFFFF086  }
0x25: {  	[simem:s6], [sflag:s4] =	dma.local [hbm:s3], $0xF7A  }
0x26: {  	[smem:$0x3F97] =	sst s1;
	(tag) =	ssettag s2;
	_ =	strace s9  }
0x27: {  	s1 =	sld [smem:$0x3FA7]  }
0x28: {  	s2 =	sld [smem:$0x3FA8]  }
0x29: {  	s4 =	sld [smem:$0x3FAA]  }
0x2a: {  	p0 =	seq.s32 s5, $0x0;
	s5 =	sld [smem:$0x3FAB]  }
0x2b: {  	s6 =	sld [smem:$0x3FAC]  }
0x2c: {  	s7 =	sld [smem:$0x3FAD]  }
0x2d: {  	s3 =	simm.s32 $0x108;
	s8 =	sld [smem:$0x3FAE]  }
0x2e: {  	s3 =	simm.s32 @!p0 $0x1082;
	s9 =	sld [smem:$0x3FAF]  }
0x2f: {  	lr =	sadd.s32 s0, s3;
	s0 =	sld [smem:$0x3FA6]  }
0x30: {  	s3 =	sld [smem:$0x3FA9]  }
0x31: {  	[smem:$0x3FB2] =	sst s10  }
0x32: {  	s10 =	sld [smem:$0x3FB0];
	_ =	sdelay $0x3  }
0x33: {  	p0 =	seq.s32 s10, $0x1;
	s10 =	sld [smem:$0x3FB2];
	_ =	sdelay $0x3  }
0x34: {  	[smem:$0x3FB2] =	sst s10  }
0x35: {  	s10 =	sld [smem:$0x3FB1];
	_ =	sdelay $0x3  }
0x36: {  	p1 =	seq.s32 s10, $0x1;
	s10 =	sld [smem:$0x3FB2];
	_ =	sdelay $0x3  }
0x37: {  	[smem:$0x3FB2] =	sst s10  }
0x38: {  	s10 =	sld [smem:$0x3FB3]  }
0x39: {  	_ = 	snop;
	(pc) =	sbr.ind lr, $3  }
0x3a: {  	_ = 	snop  }
0x3b: {  	_ = 	snop  }
0x3c: {  	p2 =	seq.s32 s10, $0x1;
	s10 =	sld [smem:$0x3FB2]  }
0x3d: {  	_ =	shalt  }
0x3e: {  	_ =	shalt  }
0x3f: {  	_ =	shalt  }
0x40: {  	_ =	shalt  }
0x41: {  	_ =	shalt  }
0x42: {  	_ =	shalt  }
0x43: {  	_ =	shalt  }
0x44: {  	_ =	shalt  }
0x45: {  	_ =	shalt  }
0x46: {  	_ =	shalt  }
0x47: {  	_ =	shalt  }
0x48: {  	_ =	shalt  }
0x49: {  	_ =	shalt  }
0x4a: {  	_ =	shalt  }
0x4b: {  	_ =	shalt  }
0x4c: {  	_ =	shalt  }
0x4d: {  	_ =	shalt  }
0x4e: {  	_ =	shalt  }
0x4f: {  	_ =	shalt  }
0x50: {  	_ =	shalt  }
0x51: {  	_ =	shalt  }
0x52: {  	_ =	shalt  }
0x53: {  	_ =	shalt  }
0x54: {  	_ =	shalt  }
0x55: {  	_ =	shalt  }
0x56: {  	_ =	shalt  }
0x57: {  	_ =	shalt  }
0x58: {  	_ =	shalt  }
0x59: {  	_ =	shalt  }
0x5a: {  	_ =	shalt  }
0x5b: {  	_ =	shalt  }
0x5c: {  	_ =	shalt  }
0x5d: {  	_ =	shalt  }
0x5e: {  	_ =	shalt  }
0x5f: {  	_ =	shalt  }
0x60: {  	_ =	shalt  }
0x61: {  	_ =	shalt  }
0x62: {  	_ =	shalt  }
0x63: {  	_ =	shalt  }
0x64: {  	_ =	shalt  }
0x65: {  	_ =	shalt  }
0x66: {  	_ =	shalt  }
0x67: {  	_ =	shalt  }
0x68: {  	_ =	shalt  }
0x69: {  	_ =	shalt  }
0x6a: {  	_ =	shalt  }
0x6b: {  	_ =	shalt  }
0x6c: {  	_ =	shalt  }
0x6d: {  	_ =	shalt  }
0x6e: {  	_ =	shalt  }
0x6f: {  	_ =	shalt  }
0x70: {  	_ =	shalt  }
0x71: {  	_ =	shalt  }
0x72: {  	_ =	shalt  }
0x73: {  	_ =	shalt  }
0x74: {  	_ =	shalt  }
0x75: {  	_ =	shalt  }
0x76: {  	_ =	shalt  }
0x77: {  	_ =	shalt  }
0x78: {  	_ =	shalt  }
0x79: {  	_ =	shalt  }
0x7a: {  	_ =	shalt  }
0x7b: {  	_ =	shalt  }
0x7c: {  	_ =	shalt  }
0x7d: {  	_ =	shalt  }
0x7e: {  	_ =	shalt  }
0x7f: {  	_ =	shalt  }
0x80: {  	_ =	shalt  }
0x81: {  	_ =	shalt  }
0x82: {  	_ =	shalt  }
0x83: {  	_ =	shalt  }
0x84: {  	_ =	shalt  }
0x85: {  	_ =	shalt  }
0x86: {  	_ =	shalt  }
0x87: {  	_ =	shalt  }
.Lfunc_end0:
.L_simem_size_0:
called_computation_lowered:
.L_overlay_start_0:
0x88: {  	s2 =	sld [smem:$0x3FD9]  }
0x89: {  	s3 =	sld [smem:$0x3FFE];
	_ =	sdelay $0x1  }
0x8a: {  	s1 =	srdreg.scid  }
0x8b: {  	s0 =	sand.u32 $0x1, s1  }
0x8c: {  	s16 =	sshll.u32 s0, $0xA;
	s2 =	sadd.s32 s3, s2  }
0x8d: {  	s2 =	sadd.s32 s2, s16  }
0x8e: {  	[smem:$0x3FBE] =	sst s2  }
0x8f: {  	_ = 	snop  }
0x90: {  	(tm) =	ssettm $0x1  }
0x91: {  	s17 =	sld [smem:$0x3FFB];
	_ =	sdelay $0x3  }
0x92: {  	_ =	strace s17  }
0x93: {  	s2 =	sld [smem:$0x3FFC];
	_ =	sdelay $0x3  }
0x94: {  	_ =	strace s2  }
0x95: {  	s2 =	sld [smem:$0x3FFD];
	_ =	sdelay $0x3  }
0x96: {  	_ =	strace s2  }
0x97: {  	_ =	strace $0x8FFFFFFF  }
0x98: {  	s18 =	sld [smem:$0x3FDB];
	_ =	sdelay $0x1  }
0x99: {  	s19 =	simm.s32 $_scs_section_size  }
0x9a: {  	s4 =	simm.s32 $_size__tile_overlayer_lowered;
	s5 =	simm.s32 $_tile_overlayer_lowered  }
0x9b: {  	s22 =	simm.s32 $0x1BFF;
	s21 =	sshll.u32 s5, $0x1;
	s2 =	sadd.s32 s19, s18  }
0x9c: {  	s6 =	simm.s32 $0x0;
	s20 =	sshll.u32 s4, $0x1;
	s4 =	sadd.s32 s21, s2  }
0x9d: {  	[timem:s6], [sflag:s22] =	dma.local [hbm:s4], s20  }
0x9e: {  	_ =	swait.ge [sflag:s22], s20  }
0x9f: {  	s3 =	ssub.s32 $0x0, s20;
	[sflag:s22] =	ssyncset.done $0x0  }
0xa0: {  	[sflag:s22] =	ssyncadd.s32 s3;
	_ =	sdelay $0x1  }
0xa1: {  	s23 =	simm.s32 $0x1B8B  }
0xa2: {  	_ =	swait.ge [sflag:s23], $0x1  }
0xa3: {  	[sflag:s23] =	ssyncset.done $0x0  }
0xa4: {  	s25 =	simm.s32 $0x1B8E;
	s24 =	sld [smem:$0x3FFE];
	[sflag:s23] =	ssyncadd.s32 $0xFFFFFFFF  }
0xa5: {  	s26 =	simm.s32 $execute0_lowered;
	[smem:$0x3FD2] =	sst s25  }
0xa6: {  	s4 =	sshll.u32 s26, $0x1;
	_ =	strace $0x80000046;
	[dreg:$0x1] =	wrdreg $0xFFFFFFFF  }
0xa7: {  	s28 =	simm.s32 $_size_execute0_lowered;
	s2 =	sadd.s32 s2, s4;
	[dreg:$0x0] =	wrdreg $0x0  }
0xa8: {  	s4 =	sshll.u32 s28, $0x1;
	[dreg:$0x2] =	wrdreg s2  }
0xa9: {  	[dreg:$0x3] =	wrdreg s4  }
0xaa: {  	[dreg:$0x4] =	wrdreg $0xC0  }
0xab: {  	_ =	task [dreg:s6], $0x5FFFF  }
0xac: {  	[dreg:$0x1] =	wrdreg $0xFFFFFFFF  }
0xad: {  	[dreg:$0x0] =	wrdreg $0x60  }
0xae: {  	[dreg:$0x2] =	wrdreg s24  }
0xaf: {  	[dreg:$0x3] =	wrdreg $0x0  }
0xb0: {  	[dreg:$0x4] =	wrdreg $0x9  }
0xb1: {  	_ =	task.clear_ibuf [dreg:s6], $0x5FFFF;
	_ =	strace $0x90000046  }
0xb2: {  	s29 =	simm.s32 $0x9;
	_ =	strace $0x80000048  }
0xb3: {  	_ =	swait.ge [sflag:s29], $0x1  }
0xb4: {  	[sflag:s29] =	ssyncadd.s32 $0xFFFFFFFF  }
0xb5: {  	_ =	strace $0x90000048  }
0xb6: {  	_ =	sfence  }
0xb7: {  	s30 =	sld [smem:$0x0];
	_ =	sdelay $0x2  }
0xb8: {  	s31 =	sshll.u32 s1, $0xD;
	s1 =	sshrl.u32 s1, $0x2  }
0xb9: {  	s3 =	sand.u32 $0x4000, s31;
	s1 =	sadd.s32 s1, s30  }
0xba: {  	s0 =	sor.u32 s3, s0;
	s1 =	sshll.u32 s1, $0x11  }
0xbb: {  	s0 =	sor.u32 s1, s0  }
0xbc: {  	s0 =	sadd.s32 $0x8F2B, s0  }
0xbd: {  	[sflag:s0] =	ssyncadd.remote.s32 $0x1  }
0xbe: {  	_ =	sfence.sel $0xFFFF  }
0xbf: {  	[dreg:$0x0] =	wrdreg $0xFFFFFFFF;
	(pc) =	sbr.abs _section_cstart, $3  }
0xc0: {  	[dreg:$0x1] =	wrdreg $0xFFFFFFFF  }
0xc1: {  	_ =	task.clear_ibuf [dreg:s6], $0x2FFFF;
	_ =	strace $0x9FFFFFFF  }
0xc2: {  	(tm) =	ssettm $0x7FFFFFFF  }
0xc3: {  	_ =	shalt  }
tec
execute0_lowered:
.L_overlay_start_1:
0x0: {  	(tag) =	ssettag $0x1  }
0x1: {  	s5 =	rddreg [dreg:$0x0]  }
0x2: {  	s0 =	srdreg.scid;
	s2 =	rddreg [dreg:$0x1]  }
0x3: {  	s3 =	simm.s32 $0x0;
	s13 =	simm.s32 $0x1;
	s4 =	sand.u32 $0x1, s0  }
0x4: {  	s14 =	simm.s32 $0x2800;
	s0 =	stileid.u32;
	s7 =	smul.u32 $0x140000, s4  }
0x5: {  	s15 =	simm.s32 $0x7D;
	s16 =	simm.s32 $0x5000;
	s8 =	smul.u32 $0x14000, s0  }
0x6: {  	[smem:$0x7FF] =	sst s3;
	s1 =	sshll.u32 s4, $0x4;
	s9 =	smul.u32 $0x50000, s0  }
0x7: {  	s4 =	ssub.s32 $0x2, s4;
	s17 =	sshll.u32 s0, $0x6;
	s1 =	sor.u32 s0, s1  }
0x8: {  	s30 =	sshrl.u32 s4, $0x1;
	s17 =	sor.u32 $0x1C01, s17;
	s6 =	smul.u32 $0x500, s1  }
0x9: {  	s1 =	rddreg [dreg:$0x2];
	_ =	strace $0x80000047;
	s31 =	sshrl.u32 s9, $0x2  }
0xa: {  	s29 =	sadd.s32 s8, s7;
	s12 =	ssub.s32 s4, s30;
	s4 =	sadd.s32 s31, s2  }
0xb: {  	s10 =	sadd.s32 s6, s5;
	s6 =	sshrl.u32 s29, $0x3;
	s7 =	sadd.s32 $0xC000, s4  }
0xc: {  	s8 =	sadd.s32 $0x10000, s4;
	s18 =	sshrl.u32 s4, $0x3;
	s11 =	sadd.s32 s6, s5  }
0xd: {  	s5 =	sadd.s32 $0x4000, s4;
	s6 =	sadd.s32 $0x8000, s4;
	s9 =	sadd.s32 $0x3600, s10  }
0xe: {  	v0 =	vimm.f32 $0.0e+00;
	v1 =	vimm.f32 $1.000000000e+00;
	s10 =	sadd.s32 $0xD600, s11;
	s11 =	smax.u32 s12, $0x1;
	s12 =	simm.s32 $0x9000  }
.LBB2_1:
0xf: {  	s19 =	simm.s32 $0x0  }
.LBB2_2:
0x10: {  	p0 =	sne.s32 s19, $0xFE00  }
.Ltmp0:
0x11: {  	_ = 	snop;
	(pc) =	sbr.rel @p0 .LBB2_2-.Ltmp0, $3  }
0x12: {  	_ =	sdelay $0x1  }
0x13: {  	s20 =	sshra.s32 s19, $0x2  }
0x14: {  	s19 =	sadd.s32 $0x200, s19;
	[tilespmem:s20+$0x9000] =	vst v0  }
0x15: {  	s19 =	simm.s32 $0x200;
	s20 =	simm.s32 $0x0  }
.LBB2_4:
0x16: {  	p0 =	sne.s32 s19, $0xF800;
	[tilespmem:s20+$0x5000] =	vst v1;
	s20 =	smov.u32 s19;
	s19 =	sadd.s32 $0x200, s19  }
.Ltmp1:
0x17: {  	(pc) =	sbr.rel @p0 .LBB2_4-.Ltmp1, $2  }
0x18: {  	_ =	sdelay $0x2  }
0x19: {  	s20 =	sshra.s32 s20, $0x2  }
0x1a: {  	[tilespmem:s20+$0x5000] =	vst v1  }
0x1b: {  	[spmem:s4] =	stream.linear.scatter [tilespmem:s12], [sflag:$0x1], $0x4000, $0x38;
	[tilespmem:$0xD000] =	vst v63  }
0x1c: {  	_ =	swait.ge [sflag:s13], $0x4000  }
0x1d: {  	[sflag:s13] =	ssyncset.done $0x0  }
0x1e: {  	[sflag:s13] =	ssyncadd.s32 $0xFFFFC000  }
0x1f: {  	[spmem:s5] =	stream.linear.scatter [tilespmem:s12], [sflag:$0x1], $0x4000, $0x38;
	[tilespmem:$0xD000] =	vst v63  }
0x20: {  	_ =	swait.ge [sflag:s13], $0x4000  }
0x21: {  	[sflag:s13] =	ssyncset.done $0x0  }
0x22: {  	[sflag:s13] =	ssyncadd.s32 $0xFFFFC000  }
0x23: {  	[spmem:s6] =	stream.linear.scatter [tilespmem:s12], [sflag:$0x1], $0x4000, $0x38;
	[tilespmem:$0xD000] =	vst v63  }
0x24: {  	_ =	swait.ge [sflag:s13], $0x4000  }
0x25: {  	[sflag:s13] =	ssyncset.done $0x0  }
0x26: {  	[sflag:s13] =	ssyncadd.s32 $0xFFFFC000  }
0x27: {  	[spmem:s7] =	stream.linear.scatter [tilespmem:s12], [sflag:$0x1], $0x4000, $0x38;
	[tilespmem:$0xD000] =	vst v63  }
0x28: {  	_ =	swait.ge [sflag:s13], $0x4000  }
0x29: {  	[sflag:s13] =	ssyncset.done $0x0  }
0x2a: {  	[sflag:s13] =	ssyncadd.s32 $0xFFFFC000  }
0x2b: {  	[spmem:s8] =	stream.linear.scatter [tilespmem:s12], [sflag:$0x1], $0x4000, $0x38;
	[tilespmem:$0xD000] =	vst v63  }
0x2c: {  	_ =	swait.ge [sflag:s13], $0x4000  }
0x2d: {  	[sflag:s13] =	ssyncset.done $0x0  }
0x2e: {  	s19 =	simm.s32 $0x0;
	[sflag:s13] =	ssyncadd.s32 $0xFFFFC000  }
0x2f: {  	[tilespmem:s14], [sflag:$0x1] =	stream.linear.gather [hbm4b:s9+s19], $0x2800, $0x38;
	[tilespmem:$0xD000] =	vst v63  }
0x30: {  	_ =	swait.ge [sflag:s13], $0x2800  }
0x31: {  	[sflag:s13] =	ssyncset.done $0x0  }
0x32: {  	[sflag:s13] =	ssyncadd.s32 $0xFFFFD800  }
0x33: {  	s31 =	simm.s32 $0x2800;
	[bflag:$0x0] =	sbarrier.arrive $0xFFFF  }
0x34: {  	[spmem:s2] =	stream.indirect.scatter.add.f32 [tilespmem:s16], [sflag:$0x1], $0x10, s31, s15, $0xb8;
	[tilespmem:$0xD000] =	vst v63  }
0x35: {  	s19 =	simm.s32 $0x200;
	_ =	swait.ge [sflag:s13], $0x7D0  }
.LBB2_6:
0x36: {  	s20 =	sshra.s32 s19, $0x2;
	[sflag:s13] =	ssyncset.done $0x0;
	p0 =	sne.s32 s19, $0x9E00  }
.Ltmp2:
0x37: {  	s20 =	sadd.s32 $0x2800, s20;
	[sflag:s13] =	ssyncadd.s32 $0xFFFFF830;
	(pc) =	sbr.rel @p0 .LBB2_6-.Ltmp2, $3  }
0x38: {  	[spmem:s2] =	stream.indirect.scatter.add.f32 [tilespmem:s16], [sflag:$0x1], $0x10, s20, s15, $0xb8;
	[tilespmem:$0xD000] =	vst v63  }
0x39: {  	s19 =	sadd.s32 $0x200, s19;
	_ =	sdelay $0x1  }
0x3a: {  	_ =	swait.ge [sflag:s13], $0x7D0  }
0x3b: {  	[sflag:s13] =	ssyncset.done $0x0;
	s3 =	sadd.s32 $0x1, s3  }
0x3c: {  	[sflag:s13] =	ssyncadd.s32 $0xFFFFF830;
	p0 =	sne.s32 s3, s11  }
.Ltmp3:
0x3d: {  	[bflag:$0x0] =	sbarrier.arrive $0xFFFF;
	(pc) =	sbr.rel @p0 .LBB2_1-.Ltmp3, $4  }
0x3e: {  	[hbm:s10], [sflag:s17] =	dma.local [spmem:s18], $0x2800  }
0x3f: {  	_ =	swait.ge [sflag:s13], $0x2800  }
0x40: {  	[sflag:s13] =	ssyncset.done $0x0  }
0x41: {  	[sflag:s13] =	ssyncadd.s32 $0xFFFFD800  }
0x42: {  	_ =	sfence.sel $0x180000  }
0x43: {  	[bflag:$0x0] =	sbarrier.arrive $0xFFFF  }
0x44: {  	p0 =	sne.s32 s0, $0x0;
	_ =	strace $0x90000047  }
0x45: {  	s0 =	sadd.s32 @!p0 $0x100000, s1;
	[bflag:$0x2] =	sbarrier.arrive $0xFFFF  }
0x46: {  	[sflag:s0] =	ssyncadd.tile.s32 @!p0 $0x1;
	_ =	shalt  }
.Lfunc_end2:
_tile_overlayer_lowered:
.L_overlay_start_2:
0x47: {  	(tag) =	ssettag $0x2  }
0x48: {  	s0 =	rddreg [dreg:$0x0];
	s2 =	stileid.u32  }
0x49: {  	s1 =	rddreg [dreg:$0x1];
	p0 =	sne.s32 s2, $0x0  }
0x4a: {  	s3 =	rddreg [dreg:$0x2];
	[bflag:$0x3] =	sbarrier.arrive $0xFFFF;
	s2 =	simm.s32 @!p0 $0x1C01  }
0x4b: {  	[timem:s3], [sflag:s2] =	dma.local @!p0 [hbm:s0], s1  }
0x4c: {  	s0 =	simm.s32 @!p0 $0x1  }
0x4d: {  	_ =	swait.ge @!p0 [sflag:s0], s1  }
0x4e: {  	s1 =	ssub.s32 @!p0 $0x0, s1;
	[sflag:s0] =	ssyncset.done @!p0 $0x0  }
0x4f: {  	[sflag:s0] =	ssyncadd.s32 @!p0 s1  }
0x50: {  	[bflag:$0x3] =	sbarrier.arrive $0xFFFF  }
0x51: {  	_ =	shalt  }

// kernel: kernel.13.cloned.1.call-start
scs
__scs_entry_jumppad:
0x0: {  	(pc) =	sbr.rel $0x88, $3  }
0x1: {  	(tag) =	ssettag $0x0;
	lr =	simm.s32 $0x1  }
0x2: {  	[smem:$0x3F97] =	sst lr;
	_ =	strace $0xD0000000  }
0x3: {  	_ = 	snop  }
0x4: {  	_ = 	snop  }
0x5: {  	_ = 	snop  }
0x6: {  	_ = 	snop  }
0x7: {  	_ = 	snop  }
__scs_overlays_trampoline_lowered:
0x8: {  	[smem:$0x3FA6] =	sst s0  }
0x9: {  	[smem:$0x3FA7] =	sst s1  }
0xa: {  	[smem:$0x3FA8] =	sst s2  }
0xb: {  	[smem:$0x3FA9] =	sst s3  }
0xc: {  	[smem:$0x3FAA] =	sst s4  }
0xd: {  	[smem:$0x3FAB] =	sst s5  }
0xe: {  	[smem:$0x3FAC] =	sst s6  }
0xf: {  	[smem:$0x3FAD] =	sst s7  }
0x10: {  	[smem:$0x3FAE] =	sst s8  }
0x11: {  	[smem:$0x3FAF] =	sst s9;
	s0 =	simm.s32 @!p0 $0x0  }
0x12: {  	s1 =	sld [smem:$0x3F95];
	s0 =	simm.s32 @p0 $0x1  }
0x13: {  	[smem:$0x3FB0] =	sst s0;
	s0 =	simm.s32 @!p1 $0x0  }
0x14: {  	s2 =	sld [smem:$0x3F94];
	s0 =	simm.s32 @p1 $0x1  }
0x15: {  	[smem:$0x3FB1] =	sst s0;
	s0 =	simm.s32 @!p2 $0x0  }
0x16: {  	s3 =	sld [smem:$0x3FDB];
	s0 =	simm.s32 @p2 $0x1  }
0x17: {  	s4 =	simm.s32 $0x1BF5;
	[smem:$0x3FB3] =	sst s0  }
0x18: {  	s0 =	sld [smem:$0x3F96];
	_ =	swait.ge [sflag:s4], $0x0  }
0x19: {  	s7 =	sld [smem:$0x3F97]  }
0x1a: {  	s8 =	sadd.s32 $0xFFFFE003, lr  }
0x1b: {  	s9 =	sadd.s32 $0xFFFFFEF7, lr;
	s5 =	simm.s32 $0xFFFFFFFF;
	p2 =	slt.u32 s8, $0xFFFFF086  }
0x1c: {  	p1 =	slt.u32 s9, $0xF7A;
	s5 =	simm.s32 @!p2 $0x0  }
0x1d: {  	s5 =	simm.s32 @p1 $0x1;
	p0 =	seq.s32 s7, s2  }
0x1e: {  	s7 =	smul.u32 @!p0 $0xF7A, s2;
	p2 =	seq.s32 @!p0 s5, $0x0  }
0x1f: {  	s9 =	smul.u32 $0xF7A, s1;
	s8 =	simm.s32 @!p0 $0x1BF5;
	p2 =	por !p2, p0  }
0x20: {  	[sflag:s8] =	ssyncset.s32 @!p0 $0xFFFFF086;
	s6 =	sadd.s32 @!p0 s3, s7;
	s7 =	simm.s32 @!p0 $0x108  }
0x21: {  	s3 =	sadd.s32 s3, s9;
	s6 =	sadd.s32 @!p0 $0x88, s6;
	s7 =	simm.s32 @p2 $0x1082  }
0x22: {  	[simem:s7], [sflag:s8] =	dma.local @!p0 [hbm:s6], $0xF7A  }
0x23: {  	s9 =	sor.u32 $0xD0000000, s2;
	s6 =	simm.s32 $0x108;
	_ =	swait.ge @!p0 [sflag:s8], $0x0  }
0x24: {  	s3 =	sadd.s32 $0x88, s3;
	s6 =	simm.s32 @!p1 $0x1082;
	[sflag:s4] =	ssyncset.s32 $0xFFFFF086  }
0x25: {  	[simem:s6], [sflag:s4] =	dma.local [hbm:s3], $0xF7A  }
0x26: {  	[smem:$0x3F97] =	sst s1;
	(tag) =	ssettag s2;
	_ =	strace s9  }
0x27: {  	s1 =	sld [smem:$0x3FA7]  }
0x28: {  	s2 =	sld [smem:$0x3FA8]  }
0x29: {  	s4 =	sld [smem:$0x3FAA]  }
0x2a: {  	p0 =	seq.s32 s5, $0x0;
	s5 =	sld [smem:$0x3FAB]  }
0x2b: {  	s6 =	sld [smem:$0x3FAC]  }
0x2c: {  	s7 =	sld [smem:$0x3FAD]  }
0x2d: {  	s3 =	simm.s32 $0x108;
	s8 =	sld [smem:$0x3FAE]  }
0x2e: {  	s3 =	simm.s32 @!p0 $0x1082;
	s9 =	sld [smem:$0x3FAF]  }
0x2f: {  	lr =	sadd.s32 s0, s3;
	s0 =	sld [smem:$0x3FA6]  }
0x30: {  	s3 =	sld [smem:$0x3FA9]  }
0x31: {  	[smem:$0x3FB2] =	sst s10  }
0x32: {  	s10 =	sld [smem:$0x3FB0];
	_ =	sdelay $0x3  }
0x33: {  	p0 =	seq.s32 s10, $0x1;
	s10 =	sld [smem:$0x3FB2];
	_ =	sdelay $0x3  }
0x34: {  	[smem:$0x3FB2] =	sst s10  }
0x35: {  	s10 =	sld [smem:$0x3FB1];
	_ =	sdelay $0x3  }
0x36: {  	p1 =	seq.s32 s10, $0x1;
	s10 =	sld [smem:$0x3FB2];
	_ =	sdelay $0x3  }
0x37: {  	[smem:$0x3FB2] =	sst s10  }
0x38: {  	s10 =	sld [smem:$0x3FB3]  }
0x39: {  	_ = 	snop;
	(pc) =	sbr.ind lr, $3  }
0x3a: {  	_ = 	snop  }
0x3b: {  	_ = 	snop  }
0x3c: {  	p2 =	seq.s32 s10, $0x1;
	s10 =	sld [smem:$0x3FB2]  }
0x3d: {  	_ =	shalt  }
0x3e: {  	_ =	shalt  }
0x3f: {  	_ =	shalt  }
0x40: {  	_ =	shalt  }
0x41: {  	_ =	shalt  }
0x42: {  	_ =	shalt  }
0x43: {  	_ =	shalt  }
0x44: {  	_ =	shalt  }
0x45: {  	_ =	shalt  }
0x46: {  	_ =	shalt  }
0x47: {  	_ =	shalt  }
0x48: {  	_ =	shalt  }
0x49: {  	_ =	shalt  }
0x4a: {  	_ =	shalt  }
0x4b: {  	_ =	shalt  }
0x4c: {  	_ =	shalt  }
0x4d: {  	_ =	shalt  }
0x4e: {  	_ =	shalt  }
0x4f: {  	_ =	shalt  }
0x50: {  	_ =	shalt  }
0x51: {  	_ =	shalt  }
0x52: {  	_ =	shalt  }
0x53: {  	_ =	shalt  }
0x54: {  	_ =	shalt  }
0x55: {  	_ =	shalt  }
0x56: {  	_ =	shalt  }
0x57: {  	_ =	shalt  }
0x58: {  	_ =	shalt  }
0x59: {  	_ =	shalt  }
0x5a: {  	_ =	shalt  }
0x5b: {  	_ =	shalt  }
0x5c: {  	_ =	shalt  }
0x5d: {  	_ =	shalt  }
0x5e: {  	_ =	shalt  }
0x5f: {  	_ =	shalt  }
0x60: {  	_ =	shalt  }
0x61: {  	_ =	shalt  }
0x62: {  	_ =	shalt  }
0x63: {  	_ =	shalt  }
0x64: {  	_ =	shalt  }
0x65: {  	_ =	shalt  }
0x66: {  	_ =	shalt  }
0x67: {  	_ =	shalt  }
0x68: {  	_ =	shalt  }
0x69: {  	_ =	shalt  }
0x6a: {  	_ =	shalt  }
0x6b: {  	_ =	shalt  }
0x6c: {  	_ =	shalt  }
0x6d: {  	_ =	shalt  }
0x6e: {  	_ =	shalt  }
0x6f: {  	_ =	shalt  }
0x70: {  	_ =	shalt  }
0x71: {  	_ =	shalt  }
0x72: {  	_ =	shalt  }
0x73: {  	_ =	shalt  }
0x74: {  	_ =	shalt  }
0x75: {  	_ =	shalt  }
0x76: {  	_ =	shalt  }
0x77: {  	_ =	shalt  }
0x78: {  	_ =	shalt  }
0x79: {  	_ =	shalt  }
0x7a: {  	_ =	shalt  }
0x7b: {  	_ =	shalt  }
0x7c: {  	_ =	shalt  }
0x7d: {  	_ =	shalt  }
0x7e: {  	_ =	shalt  }
0x7f: {  	_ =	shalt  }
0x80: {  	_ =	shalt  }
0x81: {  	_ =	shalt  }
0x82: {  	_ =	shalt  }
0x83: {  	_ =	shalt  }
0x84: {  	_ =	shalt  }
0x85: {  	_ =	shalt  }
0x86: {  	_ =	shalt  }
0x87: {  	_ =	shalt  }
.Lfunc_end0:
.L_simem_size_0:
called_computation.1_lowered:
.L_overlay_start_0:
0x88: {  	s2 =	sld [smem:$0x3FD9]  }
0x89: {  	s3 =	sld [smem:$0x3FFE];
	_ =	sdelay $0x1  }
0x8a: {  	s1 =	srdreg.scid  }
0x8b: {  	s0 =	sand.u32 $0x1, s1  }
0x8c: {  	s16 =	sshll.u32 s0, $0xA;
	s2 =	sadd.s32 s3, s2  }
0x8d: {  	s2 =	sadd.s32 s2, s16  }
0x8e: {  	[smem:$0x3FBE] =	sst s2  }
0x8f: {  	_ = 	snop  }
0x90: {  	(tm) =	ssettm $0x1  }
0x91: {  	s17 =	sld [smem:$0x3FFB];
	_ =	sdelay $0x3  }
0x92: {  	_ =	strace s17  }
0x93: {  	s2 =	sld [smem:$0x3FFC];
	_ =	sdelay $0x3  }
0x94: {  	_ =	strace s2  }
0x95: {  	s2 =	sld [smem:$0x3FFD];
	_ =	sdelay $0x3  }
0x96: {  	_ =	strace s2  }
0x97: {  	_ =	strace $0x8FFFFFFF  }
0x98: {  	s18 =	sld [smem:$0x3FDB];
	_ =	sdelay $0x1  }
0x99: {  	s19 =	simm.s32 $_scs_section_size  }
0x9a: {  	s4 =	simm.s32 $_size__tile_overlayer_lowered;
	s5 =	simm.s32 $_tile_overlayer_lowered  }
0x9b: {  	s22 =	simm.s32 $0x1BFF;
	s21 =	sshll.u32 s5, $0x1;
	s2 =	sadd.s32 s19, s18  }
0x9c: {  	s6 =	simm.s32 $0x0;
	s20 =	sshll.u32 s4, $0x1;
	s4 =	sadd.s32 s21, s2  }
0x9d: {  	[timem:s6], [sflag:s22] =	dma.local [hbm:s4], s20  }
0x9e: {  	_ =	swait.ge [sflag:s22], s20  }
0x9f: {  	s3 =	ssub.s32 $0x0, s20;
	[sflag:s22] =	ssyncset.done $0x0  }
0xa0: {  	[sflag:s22] =	ssyncadd.s32 s3;
	_ =	sdelay $0x1  }
0xa1: {  	s23 =	simm.s32 $0x1B8B  }
0xa2: {  	_ =	swait.ge [sflag:s23], $0x1  }
0xa3: {  	[sflag:s23] =	ssyncset.done $0x0  }
0xa4: {  	s25 =	simm.s32 $0x1B8E;
	s24 =	sld [smem:$0x3FFE];
	[sflag:s23] =	ssyncadd.s32 $0xFFFFFFFF  }
0xa5: {  	s26 =	simm.s32 $execute0_lowered;
	[smem:$0x3FD2] =	sst s25  }
0xa6: {  	s4 =	sshll.u32 s26, $0x1;
	_ =	strace $0x80000049;
	[dreg:$0x1] =	wrdreg $0xFFFFFFFF  }
0xa7: {  	s28 =	simm.s32 $_size_execute0_lowered;
	s2 =	sadd.s32 s2, s4;
	[dreg:$0x0] =	wrdreg $0x0  }
0xa8: {  	s4 =	sshll.u32 s28, $0x1;
	[dreg:$0x2] =	wrdreg s2  }
0xa9: {  	[dreg:$0x3] =	wrdreg s4  }
0xaa: {  	[dreg:$0x4] =	wrdreg $0xC0  }
0xab: {  	_ =	task [dreg:s6], $0x5FFFF  }
0xac: {  	[dreg:$0x1] =	wrdreg $0xFFFFFFFF  }
0xad: {  	[dreg:$0x0] =	wrdreg $0x60  }
0xae: {  	[dreg:$0x2] =	wrdreg s24  }
0xaf: {  	[dreg:$0x3] =	wrdreg $0x0  }
0xb0: {  	[dreg:$0x4] =	wrdreg $0x9  }
0xb1: {  	_ =	task.clear_ibuf [dreg:s6], $0x5FFFF;
	_ =	strace $0x90000049  }
0xb2: {  	s29 =	simm.s32 $0x9;
	_ =	strace $0x8000004B  }
0xb3: {  	_ =	swait.ge [sflag:s29], $0x1  }
0xb4: {  	[sflag:s29] =	ssyncadd.s32 $0xFFFFFFFF  }
0xb5: {  	_ =	strace $0x9000004B  }
0xb6: {  	_ =	sfence  }
0xb7: {  	s30 =	sld [smem:$0x0];
	_ =	sdelay $0x2  }
0xb8: {  	s31 =	sshll.u32 s1, $0xD;
	s1 =	sshrl.u32 s1, $0x2  }
0xb9: {  	s3 =	sand.u32 $0x4000, s31;
	s1 =	sadd.s32 s1, s30  }
0xba: {  	s0 =	sor.u32 s3, s0;
	s1 =	sshll.u32 s1, $0x11  }
0xbb: {  	s0 =	sor.u32 s1, s0  }
0xbc: {  	s0 =	sadd.s32 $0x8F2B, s0  }
0xbd: {  	[sflag:s0] =	ssyncadd.remote.s32 $0x1  }
0xbe: {  	_ =	sfence.sel $0xFFFF  }
0xbf: {  	[dreg:$0x0] =	wrdreg $0xFFFFFFFF;
	(pc) =	sbr.abs _section_cstart, $3  }
0xc0: {  	[dreg:$0x1] =	wrdreg $0xFFFFFFFF  }
0xc1: {  	_ =	task.clear_ibuf [dreg:s6], $0x2FFFF;
	_ =	strace $0x9FFFFFFF  }
0xc2: {  	(tm) =	ssettm $0x7FFFFFFF  }
0xc3: {  	_ =	shalt  }
tec
execute0_lowered:
.L_overlay_start_1:
0x0: {  	(tag) =	ssettag $0x1  }
0x1: {  	s0 =	rddreg [dreg:$0x0]  }
0x2: {  	s1 =	rddreg [dreg:$0x1]  }
0x3: {  	s2 =	srdreg.scid;
	s3 =	simm.s32 $0x0;
	s11 =	stileid.u32  }
0x4: {  	s28 =	simm.s32 $0x18200;
	s29 =	simm.s32 $0x14200;
	s30 =	simm.s32 $0x9  }
0x5: {  	s31 =	simm.s32 $0x1;
	s2 =	sand.u32 $0x1, s2;
	s6 =	smul.u32 $0x14000, s11  }
0x6: {  	[smem:$0x7FF] =	sst s3;
	s4 =	sadd.s32 $0x3600, s0;
	s19 =	smul.u32 $0x50000, s11  }
0x7: {  	s8 =	sadd.s32 $0x67600, s0;
	s10 =	sadd.s32 $0x5D600, s0;
	s22 =	smul.u32 $0x2800, s11  }
0x8: {  	s5 =	smul.u32 $0x140000, s2;
	_ =	strace $0x8000004A;
	s7 =	sshll.u32 s2, $0x4  }
0x9: {  	s17 =	ssub.s32 $0x2, s2;
	s2 =	smul.u32 $0x28000, s2;
	s16 =	sor.u32 s11, s7  }
0xa: {  	s18 =	sshrl.u32 s17, $0x1;
	s7 =	sshrl.u32 s19, $0x2;
	s5 =	sadd.s32 s6, s5  }
0xb: {  	s6 =	smul.u32 $0x2800, s16;
	s2 =	sadd.s32 s22, s2;
	s22 =	simm.s32 $0x14100  }
0xc: {  	s5 =	sshrl.u32 s5, $0x3;
	s26 =	sor.u32 $0x180, s2;
	s2 =	sor.u32 $0x100, s2  }
0xd: {  	s0 =	sadd.s32 s5, s0;
	s5 =	ssub.s32 s17, s18;
	s6 =	sshrl.u32 s6, $0x3  }
0xe: {  	s2 =	sshrl.u32 s2, $0x3;
	s9 =	sadd.s32 s8, s6;
	s20 =	sadd.s32 s10, s6  }
0xf: {  	s6 =	sor.u32 $0x10, s6;
	s15 =	sadd.s32 $0x71600, s0;
	s16 =	smax.u32 s5, $0x1  }
0x10: {  	s0 =	sshrl.u32 s26, $0x3;
	s19 =	sadd.s32 s2, s10;
	[dreg:$0x3] =	wrdreg s9  }
0x11: {  	s26 =	simm.s32 $0x7D;
	s5 =	simm.s32 $0x7;
	[dreg:$0x4] =	wrdreg s20  }
0x12: {  	s21 =	sadd.s32 s8, s6;
	s6 =	sadd.s32 s10, s6;
	s9 =	sadd.s32 s7, s1  }
0x13: {  	s17 =	sadd.s32 s0, s10;
	s18 =	sadd.s32 s0, s8;
	s20 =	sadd.s32 s2, s8  }
0x14: {  	s0 =	simm.s32 $0x5;
	s2 =	simm.s32 $0x3;
	[dreg:$0x5] =	wrdreg s21  }
0x15: {  	s8 =	simm.s32 $0x8;
	[dreg:$0x6] =	wrdreg s6;
	s7 =	sadd.s32 $0x3E80, s9  }
0x16: {  	s10 =	simm.s32 $0x0;
	s23 =	sadd.s32 $0x7D00, s9;
	[dreg:$0x7] =	wrdreg s7  }
0x17: {  	s24 =	sadd.s32 $0xBB80, s9;
	s25 =	sadd.s32 $0xFA00, s9;
	[dreg:$0x8] =	wrdreg s23  }
0x18: {  	s14 =	sadd.s32 $0x13880, s9;
	s21 =	simm.s32 $0x14000;
	[dreg:$0x9] =	wrdreg s24  }
0x19: {  	s6 =	simm.s32 $0x6;
	[dreg:$0xa] =	wrdreg s25;
	s23 =	simm.s32 $0x14080  }
0x1a: {  	v0 =	vimm.f32 $0.0e+00;
	s24 =	simm.s32 $0x14180;
	s25 =	simm.s32 $0x2;
	s7 =	simm.s32 $0x4  }
.LBB2_1:
0x1b: {  	s11 =	rddreg [dreg:$0x3]  }
0x1c: {  	[tilespmem:s21], [sflag:$0x1] =	stream.linear.gather [hbm4b:s11+s3], $0x80, $0x38;
	[tilespmem:$0x1C200] =	vst v63  }
0x1d: {  	s13 =	rddreg [dreg:$0x4]  }
0x1e: {  	[tilespmem:s22], [sflag:$0x3] =	stream.linear.gather [hbm4b:s13+s3], $0x80, $0x38;
	[tilespmem:$0x1C200] =	vst v63  }
0x1f: {  	s12 =	rddreg [dreg:$0x5]  }
0x20: {  	[tilespmem:s23], [sflag:$0x2] =	stream.linear.gather [hbm4b:s12+s3], $0x80, $0x38;
	[tilespmem:$0x1C200] =	vst v63  }
0x21: {  	s11 =	simm.s32 $0x0;
	s13 =	rddreg [dreg:$0x6];
	s12 =	simm.s32 $0x200  }
0x22: {  	[tilespmem:s24], [sflag:$0x4] =	stream.linear.gather [hbm4b:s13+s3], $0x80, $0x38;
	[tilespmem:$0x1C200] =	vst v63  }
.LBB2_2:
0x23: {  	p0 =	sne.s32 s12, $0xF800;
	[tilespmem:s11+$0x14270] =	vst v0  }
0x24: {  	[tilespmem:s11+$0x14200] =	vst v0  }
0x25: {  	[tilespmem:s11+$0x14210] =	vst v0  }
.Ltmp0:
0x26: {  	[tilespmem:s11+$0x14220] =	vst v0;
	(pc) =	sbr.rel @p0 .LBB2_2-.Ltmp0, $4  }
0x27: {  	[tilespmem:s11+$0x14230] =	vst v0  }
0x28: {  	[tilespmem:s11+$0x14240] =	vst v0  }
0x29: {  	[tilespmem:s11+$0x14250] =	vst v0  }
0x2a: {  	[tilespmem:s11+$0x14260] =	vst v0;
	s11 =	sshra.s32 s12, $0x2;
	s12 =	sadd.s32 $0x200, s12  }
0x2b: {  	[tilespmem:s11+$0x14270] =	vst v0  }
0x2c: {  	[tilespmem:s11+$0x14200] =	vst v0  }
0x2d: {  	[tilespmem:s11+$0x14210] =	vst v0  }
0x2e: {  	[tilespmem:s11+$0x14220] =	vst v0  }
0x2f: {  	[tilespmem:s11+$0x14230] =	vst v0  }
0x30: {  	[tilespmem:s11+$0x14240] =	vst v0  }
0x31: {  	[tilespmem:s11+$0x14250] =	vst v0  }
0x32: {  	[tilespmem:s11+$0x14260] =	vst v0  }
0x33: {  	_ =	swait.ge [sflag:s25], $0x80  }
0x34: {  	[sflag:s25] =	ssyncset.done $0x0  }
0x35: {  	[sflag:s25] =	ssyncadd.s32 $0xFFFFFF80  }
0x36: {  	[tilespmem:s28], [sflag:$0x6] =	stream.indirect.gather [hbm4b:s4+s26], $0x80, s23, s26, $0xb8;
	[tilespmem:$0x1C200] =	vst v63  }
0x37: {  	_ = 	snop  }
0x38: {  	[spmem:s9] =	stream.linear.scatter [tilespmem:s29], [sflag:$0x9], $0x3E80, $0x38;
	[tilespmem:$0x1C200] =	vst v63  }
0x39: {  	_ =	swait.ge [sflag:s30], $0x3E80  }
0x3a: {  	[sflag:s30] =	ssyncset.done $0x0  }
0x3b: {  	s12 =	rddreg [dreg:$0x7];
	[sflag:s30] =	ssyncadd.s32 $0xFFFFC180  }
0x3c: {  	[spmem:s12] =	stream.linear.scatter [tilespmem:s29], [sflag:$0x9], $0x3E80, $0x38;
	[tilespmem:$0x1C200] =	vst v63  }
0x3d: {  	_ =	swait.ge [sflag:s30], $0x3E80  }
0x3e: {  	[sflag:s30] =	ssyncset.done $0x0  }
0x3f: {  	s13 =	rddreg [dreg:$0x8];
	[sflag:s30] =	ssyncadd.s32 $0xFFFFC180  }
0x40: {  	[spmem:s13] =	stream.linear.scatter [tilespmem:s29], [sflag:$0x9], $0x3E80, $0x38;
	[tilespmem:$0x1C200] =	vst v63  }
0x41: {  	_ =	swait.ge [sflag:s30], $0x3E80  }
0x42: {  	[sflag:s30] =	ssyncset.done $0x0  }
0x43: {  	s12 =	rddreg [dreg:$0x9];
	[sflag:s30] =	ssyncadd.s32 $0xFFFFC180  }
0x44: {  	[spmem:s12] =	stream.linear.scatter [tilespmem:s29], [sflag:$0x9], $0x3E80, $0x38;
	[tilespmem:$0x1C200] =	vst v63  }
0x45: {  	_ =	swait.ge [sflag:s30], $0x3E80  }
0x46: {  	[sflag:s30] =	ssyncset.done $0x0  }
0x47: {  	s13 =	rddreg [dreg:$0xa];
	[sflag:s30] =	ssyncadd.s32 $0xFFFFC180  }
0x48: {  	[spmem:s13] =	stream.linear.scatter [tilespmem:s29], [sflag:$0x9], $0x3E80, $0x38;
	[tilespmem:$0x1C200] =	vst v63  }
0x49: {  	_ =	swait.ge [sflag:s30], $0x3E80  }
0x4a: {  	[sflag:s30] =	ssyncset.done $0x0  }
0x4b: {  	[sflag:s30] =	ssyncadd.s32 $0xFFFFC180  }
0x4c: {  	[spmem:s14] =	stream.linear.scatter [tilespmem:s29], [sflag:$0x9], $0x780, $0x38;
	[tilespmem:$0x1C200] =	vst v63  }
0x4d: {  	_ =	swait.ge [sflag:s30], $0x780  }
0x4e: {  	[sflag:s30] =	ssyncset.done $0x0  }
0x4f: {  	[sflag:s30] =	ssyncadd.s32 $0xFFFFF880  }
0x50: {  	_ =	swait.ge [sflag:s31], $0x80  }
0x51: {  	[sflag:s31] =	ssyncset.done $0x0  }
0x52: {  	[sflag:s31] =	ssyncadd.s32 $0xFFFFFF80  }
0x53: {  	[tilespmem:s29], [sflag:$0x5] =	stream.indirect.gather [hbm4b:s4+s26], $0x80, s21, s26, $0xb8;
	[tilespmem:$0x1C200] =	vst v63  }
0x54: {  	[bflag:$0x0] =	sbarrier.arrive $0xFFFF  }
0x55: {  	_ =	swait.ge [sflag:s0], $0x3E80  }
0x56: {  	[sflag:s0] =	ssyncset.done $0x0  }
0x57: {  	s12 =	sadd.s32 $0x0, s20;
	[sflag:s0] =	ssyncadd.s32 $0xFFFFC180  }
0x58: {  	[tilespmem:s21], [sflag:$0x1] =	stream.linear.gather [hbm4b:s12+s3], $0x80, $0x38;
	[tilespmem:$0x1C200] =	vst v63  }
0x59: {  	_ =	swait.ge [sflag:s2], $0x80  }
0x5a: {  	[sflag:s2] =	ssyncset.done $0x0  }
0x5b: {  	[sflag:s2] =	ssyncadd.s32 $0xFFFFFF80  }
0x5c: {  	[spmem:s1] =	stream.indirect.scatter.add.f32 [tilespmem:s29], [sflag:$0x7], $0x80, s22, s26, $0xb8;
	[tilespmem:$0x1C200] =	vst v63  }
0x5d: {  	_ =	swait.ge [sflag:s5], $0x3E80  }
0x5e: {  	[sflag:s5] =	ssyncset.done $0x0  }
0x5f: {  	s13 =	sadd.s32 $0x0, s19;
	[sflag:s5] =	ssyncadd.s32 $0xFFFFC180  }
0x60: {  	[tilespmem:s22], [sflag:$0x3] =	stream.linear.gather [hbm4b:s13+s3], $0x80, $0x38;
	[tilespmem:$0x1C200] =	vst v63  }
0x61: {  	_ =	swait.ge [sflag:s31], $0x80  }
0x62: {  	[sflag:s31] =	ssyncset.done $0x0  }
0x63: {  	[sflag:s31] =	ssyncadd.s32 $0xFFFFFF80  }
0x64: {  	[tilespmem:s29], [sflag:$0x5] =	stream.indirect.gather [hbm4b:s4+s26], $0x80, s21, s26, $0xb8;
	[tilespmem:$0x1C200] =	vst v63  }
0x65: {  	_ =	swait.ge [sflag:s6], $0x3E80  }
0x66: {  	[sflag:s6] =	ssyncset.done $0x0  }
0x67: {  	s12 =	sadd.s32 $0x0, s18;
	[sflag:s6] =	ssyncadd.s32 $0xFFFFC180  }
0x68: {  	[tilespmem:s23], [sflag:$0x2] =	stream.linear.gather [hbm4b:s12+s3], $0x80, $0x38;
	[tilespmem:$0x1C200] =	vst v63  }
0x69: {  	_ =	swait.ge [sflag:s7], $0x80  }
0x6a: {  	[sflag:s7] =	ssyncset.done $0x0  }
0x6b: {  	[sflag:s7] =	ssyncadd.s32 $0xFFFFFF80  }
0x6c: {  	[spmem:s1] =	stream.indirect.scatter.add.f32 [tilespmem:s28], [sflag:$0x8], $0x80, s24, s26, $0xb8;
	[tilespmem:$0x1C200] =	vst v63  }
0x6d: {  	_ =	swait.ge [sflag:s8], $0x3E80  }
0x6e: {  	[sflag:s8] =	ssyncset.done $0x0  }
0x6f: {  	s13 =	sadd.s32 $0x0, s17;
	[sflag:s8] =	ssyncadd.s32 $0xFFFFC180  }
0x70: {  	[tilespmem:s24], [sflag:$0x4] =	stream.linear.gather [hbm4b:s13+s3], $0x80, $0x38;
	[tilespmem:$0x1C200] =	vst v63  }
0x71: {  	_ =	swait.ge [sflag:s25], $0x80  }
0x72: {  	[sflag:s25] =	ssyncset.done $0x0  }
0x73: {  	s11 =	simm.s32 $0x20;
	[sflag:s25] =	ssyncadd.s32 $0xFFFFFF80  }
.LBB2_4:
0x74: {  	[tilespmem:s28], [sflag:$0x6] =	stream.indirect.gather [hbm4b:s4+s26], $0x80, s23, s26, $0xb8;
	[tilespmem:$0x1C200] =	vst v63  }
0x75: {  	s12 =	smov.u32 s11  }
0x76: {  	p0 =	sne.s32 s11, $0x4C0;
	s11 =	sadd.s32 $0x20, s11;
	_ =	swait.ge [sflag:s0], $0x3E80  }
0x77: {  	[sflag:s0] =	ssyncset.done $0x0  }
0x78: {  	s13 =	sadd.s32 s12, s20;
	[sflag:s0] =	ssyncadd.s32 $0xFFFFC180  }
0x79: {  	[tilespmem:s21], [sflag:$0x1] =	stream.linear.gather [hbm4b:s13+s3], $0x80, $0x38;
	[tilespmem:$0x1C200] =	vst v63  }
0x7a: {  	_ =	swait.ge [sflag:s2], $0x80  }
0x7b: {  	[sflag:s2] =	ssyncset.done $0x0  }
0x7c: {  	[sflag:s2] =	ssyncadd.s32 $0xFFFFFF80  }
0x7d: {  	[spmem:s1] =	stream.indirect.scatter.add.f32 [tilespmem:s29], [sflag:$0x7], $0x80, s22, s26, $0xb8;
	[tilespmem:$0x1C200] =	vst v63  }
0x7e: {  	_ =	swait.ge [sflag:s5], $0x3E80  }
0x7f: {  	[sflag:s5] =	ssyncset.done $0x0  }
0x80: {  	s13 =	sadd.s32 s12, s19;
	[sflag:s5] =	ssyncadd.s32 $0xFFFFC180  }
0x81: {  	[tilespmem:s22], [sflag:$0x3] =	stream.linear.gather [hbm4b:s13+s3], $0x80, $0x38;
	[tilespmem:$0x1C200] =	vst v63  }
0x82: {  	_ =	swait.ge [sflag:s31], $0x80  }
0x83: {  	[sflag:s31] =	ssyncset.done $0x0  }
0x84: {  	[sflag:s31] =	ssyncadd.s32 $0xFFFFFF80  }
0x85: {  	[tilespmem:s29], [sflag:$0x5] =	stream.indirect.gather [hbm4b:s4+s26], $0x80, s21, s26, $0xb8;
	[tilespmem:$0x1C200] =	vst v63  }
0x86: {  	_ =	swait.ge [sflag:s6], $0x3E80  }
0x87: {  	[sflag:s6] =	ssyncset.done $0x0  }
0x88: {  	s13 =	sadd.s32 s12, s18;
	[sflag:s6] =	ssyncadd.s32 $0xFFFFC180  }
0x89: {  	[tilespmem:s23], [sflag:$0x2] =	stream.linear.gather [hbm4b:s13+s3], $0x80, $0x38;
	[tilespmem:$0x1C200] =	vst v63  }
0x8a: {  	_ =	swait.ge [sflag:s7], $0x80  }
0x8b: {  	[sflag:s7] =	ssyncset.done $0x0  }
0x8c: {  	[sflag:s7] =	ssyncadd.s32 $0xFFFFFF80  }
0x8d: {  	[spmem:s1] =	stream.indirect.scatter.add.f32 [tilespmem:s28], [sflag:$0x8], $0x80, s24, s26, $0xb8;
	[tilespmem:$0x1C200] =	vst v63  }
0x8e: {  	_ =	swait.ge [sflag:s8], $0x3E80  }
0x8f: {  	[sflag:s8] =	ssyncset.done $0x0  }
.Ltmp1:
0x90: {  	s12 =	sadd.s32 s12, s17;
	[sflag:s8] =	ssyncadd.s32 $0xFFFFC180;
	(pc) =	sbr.rel @p0 .LBB2_4-.Ltmp1, $4  }
0x91: {  	[tilespmem:s24], [sflag:$0x4] =	stream.linear.gather [hbm4b:s12+s3], $0x80, $0x38;
	[tilespmem:$0x1C200] =	vst v63  }
0x92: {  	_ =	swait.ge [sflag:s25], $0x80  }
0x93: {  	[sflag:s25] =	ssyncset.done $0x0  }
0x94: {  	[sflag:s25] =	ssyncadd.s32 $0xFFFFFF80  }
0x95: {  	[tilespmem:s28], [sflag:$0x6] =	stream.indirect.gather [hbm4b:s4+s26], $0x80, s23, s26, $0xb8;
	[tilespmem:$0x1C200] =	vst v63  }
0x96: {  	_ =	swait.ge [sflag:s0], $0x3E80  }
0x97: {  	[sflag:s0] =	ssyncset.done $0x0  }
0x98: {  	[sflag:s0] =	ssyncadd.s32 $0xFFFFC180  }
0x99: {  	_ =	swait.ge [sflag:s2], $0x80  }
0x9a: {  	[sflag:s2] =	ssyncset.done $0x0  }
0x9b: {  	[sflag:s2] =	ssyncadd.s32 $0xFFFFFF80  }
0x9c: {  	[spmem:s1] =	stream.indirect.scatter.add.f32 [tilespmem:s29], [sflag:$0x7], $0x80, s22, s26, $0xb8;
	[tilespmem:$0x1C200] =	vst v63  }
0x9d: {  	_ =	swait.ge [sflag:s5], $0x3E80  }
0x9e: {  	[sflag:s5] =	ssyncset.done $0x0  }
0x9f: {  	[sflag:s5] =	ssyncadd.s32 $0xFFFFC180  }
0xa0: {  	_ =	swait.ge [sflag:s6], $0x3E80  }
0xa1: {  	[sflag:s6] =	ssyncset.done $0x0  }
0xa2: {  	[sflag:s6] =	ssyncadd.s32 $0xFFFFC180  }
0xa3: {  	_ =	swait.ge [sflag:s7], $0x80  }
0xa4: {  	[sflag:s7] =	ssyncset.done $0x0  }
0xa5: {  	[sflag:s7] =	ssyncadd.s32 $0xFFFFFF80  }
0xa6: {  	[spmem:s1] =	stream.indirect.scatter.add.f32 [tilespmem:s28], [sflag:$0x8], $0x80, s24, s26, $0xb8;
	[tilespmem:$0x1C200] =	vst v63  }
0xa7: {  	s11 =	stileid.u32;
	_ =	swait.ge [sflag:s8], $0x3E80  }
0xa8: {  	s12 =	sshrl.u32 s9, $0x3;
	s10 =	sadd.s32 $0x1, s10;
	[sflag:s8] =	ssyncset.done $0x0  }
0xa9: {  	s11 =	sshll.u32 s11, $0x6;
	p0 =	sne.s32 s10, s16;
	[sflag:s8] =	ssyncadd.s32 $0xFFFFC180  }
.Ltmp2:
0xaa: {  	s11 =	sor.u32 $0x1C09, s11;
	[bflag:$0x0] =	sbarrier.arrive $0xFFFF;
	(pc) =	sbr.rel @p0 .LBB2_1-.Ltmp2, $4  }
0xab: {  	[hbm:s15], [sflag:s11] =	dma.local [spmem:s12], $0x2800  }
0xac: {  	_ =	swait.ge [sflag:s30], $0x2800  }
0xad: {  	[sflag:s30] =	ssyncset.done $0x0  }
0xae: {  	[sflag:s30] =	ssyncadd.s32 $0xFFFFD800  }
0xaf: {  	_ =	sfence.sel $0x180000  }
0xb0: {  	[bflag:$0x0] =	sbarrier.arrive $0xFFFF  }
0xb1: {  	_ =	strace $0x9000004A  }
0xb2: {  	s0 =	stileid.u32;
	[bflag:$0x2] =	sbarrier.arrive $0xFFFF  }
0xb3: {  	p0 =	sne.s32 s0, $0x0;
	s0 =	rddreg [dreg:$0x2]  }
0xb4: {  	s0 =	sadd.s32 @!p0 $0x100000, s0  }
0xb5: {  	[sflag:s0] =	ssyncadd.tile.s32 @!p0 $0x1;
	_ =	shalt  }
.Lfunc_end2:
_tile_overlayer_lowered:
.L_overlay_start_2:
0xb6: {  	(tag) =	ssettag $0x2  }
0xb7: {  	s0 =	rddreg [dreg:$0x0];
	s2 =	stileid.u32  }
0xb8: {  	s1 =	rddreg [dreg:$0x1];
	p0 =	sne.s32 s2, $0x0  }
0xb9: {  	s3 =	rddreg [dreg:$0x2];
	[bflag:$0x3] =	sbarrier.arrive $0xFFFF;
	s2 =	simm.s32 @!p0 $0x1C09  }
0xba: {  	[timem:s3], [sflag:s2] =	dma.local @!p0 [hbm:s0], s1  }
0xbb: {  	s0 =	simm.s32 @!p0 $0x9  }
0xbc: {  	_ =	swait.ge @!p0 [sflag:s0], s1  }
0xbd: {  	s1 =	ssub.s32 @!p0 $0x0, s1;
	[sflag:s0] =	ssyncset.done @!p0 $0x0  }
0xbe: {  	[sflag:s0] =	ssyncadd.s32 @!p0 s1  }
0xbf: {  	[bflag:$0x3] =	sbarrier.arrive $0xFFFF  }
0xc0: {  	_ =	shalt  }

// kernel: kernel.16.cloned.1.call-start
scs
__scs_entry_jumppad:
0x0: {  	(pc) =	sbr.rel $0x88, $3  }
0x1: {  	(tag) =	ssettag $0x0;
	lr =	simm.s32 $0x1  }
0x2: {  	[smem:$0x3F97] =	sst lr;
	_ =	strace $0xD0000000  }
0x3: {  	_ = 	snop  }
0x4: {  	_ = 	snop  }
0x5: {  	_ = 	snop  }
0x6: {  	_ = 	snop  }
0x7: {  	_ = 	snop  }
__scs_overlays_trampoline_lowered:
0x8: {  	[smem:$0x3FA6] =	sst s0  }
0x9: {  	[smem:$0x3FA7] =	sst s1  }
0xa: {  	[smem:$0x3FA8] =	sst s2  }
0xb: {  	[smem:$0x3FA9] =	sst s3  }
0xc: {  	[smem:$0x3FAA] =	sst s4  }
0xd: {  	[smem:$0x3FAB] =	sst s5  }
0xe: {  	[smem:$0x3FAC] =	sst s6  }
0xf: {  	[smem:$0x3FAD] =	sst s7  }
0x10: {  	[smem:$0x3FAE] =	sst s8  }
0x11: {  	[smem:$0x3FAF] =	sst s9;
	s0 =	simm.s32 @!p0 $0x0  }
0x12: {  	s1 =	sld [smem:$0x3F95];
	s0 =	simm.s32 @p0 $0x1  }
0x13: {  	[smem:$0x3FB0] =	sst s0;
	s0 =	simm.s32 @!p1 $0x0  }
0x14: {  	s2 =	sld [smem:$0x3F94];
	s0 =	simm.s32 @p1 $0x1  }
0x15: {  	[smem:$0x3FB1] =	sst s0;
	s0 =	simm.s32 @!p2 $0x0  }
0x16: {  	s3 =	sld [smem:$0x3FDB];
	s0 =	simm.s32 @p2 $0x1  }
0x17: {  	s4 =	simm.s32 $0x1BF5;
	[smem:$0x3FB3] =	sst s0  }
0x18: {  	s0 =	sld [smem:$0x3F96];
	_ =	swait.ge [sflag:s4], $0x0  }
0x19: {  	s7 =	sld [smem:$0x3F97]  }
0x1a: {  	s8 =	sadd.s32 $0xFFFFE003, lr  }
0x1b: {  	s9 =	sadd.s32 $0xFFFFFEF7, lr;
	s5 =	simm.s32 $0xFFFFFFFF;
	p2 =	slt.u32 s8, $0xFFFFF086  }
0x1c: {  	p1 =	slt.u32 s9, $0xF7A;
	s5 =	simm.s32 @!p2 $0x0  }
0x1d: {  	s5 =	simm.s32 @p1 $0x1;
	p0 =	seq.s32 s7, s2  }
0x1e: {  	s7 =	smul.u32 @!p0 $0xF7A, s2;
	p2 =	seq.s32 @!p0 s5, $0x0  }
0x1f: {  	s9 =	smul.u32 $0xF7A, s1;
	s8 =	simm.s32 @!p0 $0x1BF5;
	p2 =	por !p2, p0  }
0x20: {  	[sflag:s8] =	ssyncset.s32 @!p0 $0xFFFFF086;
	s6 =	sadd.s32 @!p0 s3, s7;
	s7 =	simm.s32 @!p0 $0x108  }
0x21: {  	s3 =	sadd.s32 s3, s9;
	s6 =	sadd.s32 @!p0 $0x88, s6;
	s7 =	simm.s32 @p2 $0x1082  }
0x22: {  	[simem:s7], [sflag:s8] =	dma.local @!p0 [hbm:s6], $0xF7A  }
0x23: {  	s9 =	sor.u32 $0xD0000000, s2;
	s6 =	simm.s32 $0x108;
	_ =	swait.ge @!p0 [sflag:s8], $0x0  }
0x24: {  	s3 =	sadd.s32 $0x88, s3;
	s6 =	simm.s32 @!p1 $0x1082;
	[sflag:s4] =	ssyncset.s32 $0xFFFFF086  }
0x25: {  	[simem:s6], [sflag:s4] =	dma.local [hbm:s3], $0xF7A  }
0x26: {  	[smem:$0x3F97] =	sst s1;
	(tag) =	ssettag s2;
	_ =	strace s9  }
0x27: {  	s1 =	sld [smem:$0x3FA7]  }
0x28: {  	s2 =	sld [smem:$0x3FA8]  }
0x29: {  	s4 =	sld [smem:$0x3FAA]  }
0x2a: {  	p0 =	seq.s32 s5, $0x0;
	s5 =	sld [smem:$0x3FAB]  }
0x2b: {  	s6 =	sld [smem:$0x3FAC]  }
0x2c: {  	s7 =	sld [smem:$0x3FAD]  }
0x2d: {  	s3 =	simm.s32 $0x108;
	s8 =	sld [smem:$0x3FAE]  }
0x2e: {  	s3 =	simm.s32 @!p0 $0x1082;
	s9 =	sld [smem:$0x3FAF]  }
0x2f: {  	lr =	sadd.s32 s0, s3;
	s0 =	sld [smem:$0x3FA6]  }
0x30: {  	s3 =	sld [smem:$0x3FA9]  }
0x31: {  	[smem:$0x3FB2] =	sst s10  }
0x32: {  	s10 =	sld [smem:$0x3FB0];
	_ =	sdelay $0x3  }
0x33: {  	p0 =	seq.s32 s10, $0x1;
	s10 =	sld [smem:$0x3FB2];
	_ =	sdelay $0x3  }
0x34: {  	[smem:$0x3FB2] =	sst s10  }
0x35: {  	s10 =	sld [smem:$0x3FB1];
	_ =	sdelay $0x3  }
0x36: {  	p1 =	seq.s32 s10, $0x1;
	s10 =	sld [smem:$0x3FB2];
	_ =	sdelay $0x3  }
0x37: {  	[smem:$0x3FB2] =	sst s10  }
0x38: {  	s10 =	sld [smem:$0x3FB3]  }
0x39: {  	_ = 	snop;
	(pc) =	sbr.ind lr, $3  }
0x3a: {  	_ = 	snop  }
0x3b: {  	_ = 	snop  }
0x3c: {  	p2 =	seq.s32 s10, $0x1;
	s10 =	sld [smem:$0x3FB2]  }
0x3d: {  	_ =	shalt  }
0x3e: {  	_ =	shalt  }
0x3f: {  	_ =	shalt  }
0x40: {  	_ =	shalt  }
0x41: {  	_ =	shalt  }
0x42: {  	_ =	shalt  }
0x43: {  	_ =	shalt  }
0x44: {  	_ =	shalt  }
0x45: {  	_ =	shalt  }
0x46: {  	_ =	shalt  }
0x47: {  	_ =	shalt  }
0x48: {  	_ =	shalt  }
0x49: {  	_ =	shalt  }
0x4a: {  	_ =	shalt  }
0x4b: {  	_ =	shalt  }
0x4c: {  	_ =	shalt  }
0x4d: {  	_ =	shalt  }
0x4e: {  	_ =	shalt  }
0x4f: {  	_ =	shalt  }
0x50: {  	_ =	shalt  }
0x51: {  	_ =	shalt  }
0x52: {  	_ =	shalt  }
0x53: {  	_ =	shalt  }
0x54: {  	_ =	shalt  }
0x55: {  	_ =	shalt  }
0x56: {  	_ =	shalt  }
0x57: {  	_ =	shalt  }
0x58: {  	_ =	shalt  }
0x59: {  	_ =	shalt  }
0x5a: {  	_ =	shalt  }
0x5b: {  	_ =	shalt  }
0x5c: {  	_ =	shalt  }
0x5d: {  	_ =	shalt  }
0x5e: {  	_ =	shalt  }
0x5f: {  	_ =	shalt  }
0x60: {  	_ =	shalt  }
0x61: {  	_ =	shalt  }
0x62: {  	_ =	shalt  }
0x63: {  	_ =	shalt  }
0x64: {  	_ =	shalt  }
0x65: {  	_ =	shalt  }
0x66: {  	_ =	shalt  }
0x67: {  	_ =	shalt  }
0x68: {  	_ =	shalt  }
0x69: {  	_ =	shalt  }
0x6a: {  	_ =	shalt  }
0x6b: {  	_ =	shalt  }
0x6c: {  	_ =	shalt  }
0x6d: {  	_ =	shalt  }
0x6e: {  	_ =	shalt  }
0x6f: {  	_ =	shalt  }
0x70: {  	_ =	shalt  }
0x71: {  	_ =	shalt  }
0x72: {  	_ =	shalt  }
0x73: {  	_ =	shalt  }
0x74: {  	_ =	shalt  }
0x75: {  	_ =	shalt  }
0x76: {  	_ =	shalt  }
0x77: {  	_ =	shalt  }
0x78: {  	_ =	shalt  }
0x79: {  	_ =	shalt  }
0x7a: {  	_ =	shalt  }
0x7b: {  	_ =	shalt  }
0x7c: {  	_ =	shalt  }
0x7d: {  	_ =	shalt  }
0x7e: {  	_ =	shalt  }
0x7f: {  	_ =	shalt  }
0x80: {  	_ =	shalt  }
0x81: {  	_ =	shalt  }
0x82: {  	_ =	shalt  }
0x83: {  	_ =	shalt  }
0x84: {  	_ =	shalt  }
0x85: {  	_ =	shalt  }
0x86: {  	_ =	shalt  }
0x87: {  	_ =	shalt  }
.Lfunc_end0:
.L_simem_size_0:
called_computation.2_lowered:
.L_overlay_start_0:
0x88: {  	s2 =	sld [smem:$0x3FD9]  }
0x89: {  	s3 =	sld [smem:$0x3FFE];
	_ =	sdelay $0x1  }
0x8a: {  	s1 =	srdreg.scid  }
0x8b: {  	s0 =	sand.u32 $0x1, s1  }
0x8c: {  	s16 =	sshll.u32 s0, $0xA;
	s2 =	sadd.s32 s3, s2  }
0x8d: {  	s2 =	sadd.s32 s2, s16  }
0x8e: {  	[smem:$0x3FBE] =	sst s2  }
0x8f: {  	_ = 	snop  }
0x90: {  	(tm) =	ssettm $0x1  }
0x91: {  	s17 =	sld [smem:$0x3FFB];
	_ =	sdelay $0x3  }
0x92: {  	_ =	strace s17  }
0x93: {  	s2 =	sld [smem:$0x3FFC];
	_ =	sdelay $0x3  }
0x94: {  	_ =	strace s2  }
0x95: {  	s2 =	sld [smem:$0x3FFD];
	_ =	sdelay $0x3  }
0x96: {  	_ =	strace s2  }
0x97: {  	_ =	strace $0x8FFFFFFF  }
0x98: {  	s18 =	sld [smem:$0x3FDB];
	_ =	sdelay $0x1  }
0x99: {  	s19 =	simm.s32 $_scs_section_size  }
0x9a: {  	s4 =	simm.s32 $_size__tile_overlayer_lowered;
	s5 =	simm.s32 $_tile_overlayer_lowered  }
0x9b: {  	s22 =	simm.s32 $0x1BFF;
	s21 =	sshll.u32 s5, $0x1;
	s2 =	sadd.s32 s19, s18  }
0x9c: {  	s6 =	simm.s32 $0x0;
	s20 =	sshll.u32 s4, $0x1;
	s4 =	sadd.s32 s21, s2  }
0x9d: {  	[timem:s6], [sflag:s22] =	dma.local [hbm:s4], s20  }
0x9e: {  	_ =	swait.ge [sflag:s22], s20  }
0x9f: {  	s3 =	ssub.s32 $0x0, s20;
	[sflag:s22] =	ssyncset.done $0x0  }
0xa0: {  	[sflag:s22] =	ssyncadd.s32 s3;
	_ =	sdelay $0x1  }
0xa1: {  	s23 =	simm.s32 $0x1B8B  }
0xa2: {  	_ =	swait.ge [sflag:s23], $0x1  }
0xa3: {  	[sflag:s23] =	ssyncset.done $0x0  }
0xa4: {  	s25 =	simm.s32 $0x1B8E;
	s24 =	sld [smem:$0x3FFE];
	[sflag:s23] =	ssyncadd.s32 $0xFFFFFFFF  }
0xa5: {  	s26 =	simm.s32 $execute0_lowered;
	[smem:$0x3FD2] =	sst s25  }
0xa6: {  	s4 =	sshll.u32 s26, $0x1;
	_ =	strace $0x8000004C;
	[dreg:$0x1] =	wrdreg $0xFFFFFFFF  }
0xa7: {  	s28 =	simm.s32 $_size_execute0_lowered;
	s2 =	sadd.s32 s2, s4;
	[dreg:$0x0] =	wrdreg $0x0  }
0xa8: {  	s4 =	sshll.u32 s28, $0x1;
	[dreg:$0x2] =	wrdreg s2  }
0xa9: {  	[dreg:$0x3] =	wrdreg s4  }
0xaa: {  	[dreg:$0x4] =	wrdreg $0xC0  }
0xab: {  	_ =	task [dreg:s6], $0x5FFFF  }
0xac: {  	[dreg:$0x1] =	wrdreg $0xFFFFFFFF  }
0xad: {  	[dreg:$0x0] =	wrdreg $0x60  }
0xae: {  	[dreg:$0x2] =	wrdreg s24  }
0xaf: {  	[dreg:$0x3] =	wrdreg $0x0  }
0xb0: {  	[dreg:$0x4] =	wrdreg $0x9  }
0xb1: {  	_ =	task.clear_ibuf [dreg:s6], $0x5FFFF;
	_ =	strace $0x9000004C  }
0xb2: {  	s29 =	simm.s32 $0x9;
	_ =	strace $0x8000004E  }
0xb3: {  	_ =	swait.ge [sflag:s29], $0x1  }
0xb4: {  	[sflag:s29] =	ssyncadd.s32 $0xFFFFFFFF  }
0xb5: {  	_ =	strace $0x9000004E  }
0xb6: {  	_ =	sfence  }
0xb7: {  	s30 =	sld [smem:$0x0];
	_ =	sdelay $0x2  }
0xb8: {  	s31 =	sshll.u32 s1, $0xD;
	s1 =	sshrl.u32 s1, $0x2  }
0xb9: {  	s3 =	sand.u32 $0x4000, s31;
	s1 =	sadd.s32 s1, s30  }
0xba: {  	s0 =	sor.u32 s3, s0;
	s1 =	sshll.u32 s1, $0x11  }
0xbb: {  	s0 =	sor.u32 s1, s0  }
0xbc: {  	s0 =	sadd.s32 $0x8F2B, s0  }
0xbd: {  	[sflag:s0] =	ssyncadd.remote.s32 $0x1  }
0xbe: {  	_ =	sfence.sel $0xFFFF  }
0xbf: {  	[dreg:$0x0] =	wrdreg $0xFFFFFFFF;
	(pc) =	sbr.abs _section_cstart, $3  }
0xc0: {  	[dreg:$0x1] =	wrdreg $0xFFFFFFFF  }
0xc1: {  	_ =	task.clear_ibuf [dreg:s6], $0x2FFFF;
	_ =	strace $0x9FFFFFFF  }
0xc2: {  	(tm) =	ssettm $0x7FFFFFFF  }
0xc3: {  	_ =	shalt  }
tec
execute0_lowered:
.L_overlay_start_1:
0x0: {  	(tag) =	ssettag $0x1  }
0x1: {  	s0 =	rddreg [dreg:$0x0]  }
0x2: {  	s1 =	rddreg [dreg:$0x1]  }
0x3: {  	s2 =	srdreg.scid;
	s3 =	simm.s32 $0x0;
	s11 =	stileid.u32  }
0x4: {  	s28 =	simm.s32 $0x18200;
	s29 =	simm.s32 $0x14200;
	s30 =	simm.s32 $0x9  }
0x5: {  	s31 =	simm.s32 $0x1;
	s2 =	sand.u32 $0x1, s2;
	s6 =	smul.u32 $0x14000, s11  }
0x6: {  	[smem:$0x7FF] =	sst s3;
	s4 =	sadd.s32 $0x3600, s0;
	s19 =	smul.u32 $0x50000, s11  }
0x7: {  	s8 =	sadd.s32 $0x67600, s0;
	s10 =	sadd.s32 $0x5D600, s0;
	s22 =	smul.u32 $0x2800, s11  }
0x8: {  	s5 =	smul.u32 $0x140000, s2;
	_ =	strace $0x8000004D;
	s7 =	sshll.u32 s2, $0x4  }
0x9: {  	s17 =	ssub.s32 $0x2, s2;
	s2 =	smul.u32 $0x28000, s2;
	s16 =	sor.u32 s11, s7  }
0xa: {  	s18 =	sshrl.u32 s17, $0x1;
	s7 =	sshrl.u32 s19, $0x2;
	s5 =	sadd.s32 s6, s5  }
0xb: {  	s6 =	smul.u32 $0x2800, s16;
	s2 =	sadd.s32 s22, s2;
	s22 =	simm.s32 $0x14100  }
0xc: {  	s5 =	sshrl.u32 s5, $0x3;
	s26 =	sor.u32 $0x180, s2;
	s2 =	sor.u32 $0x100, s2  }
0xd: {  	s0 =	sadd.s32 s5, s0;
	s5 =	ssub.s32 s17, s18;
	s6 =	sshrl.u32 s6, $0x3  }
0xe: {  	s2 =	sshrl.u32 s2, $0x3;
	s9 =	sadd.s32 s8, s6;
	s20 =	sadd.s32 s10, s6  }
0xf: {  	s6 =	sor.u32 $0x10, s6;
	s15 =	sadd.s32 $0x71600, s0;
	s16 =	smax.u32 s5, $0x1  }
0x10: {  	s0 =	sshrl.u32 s26, $0x3;
	s19 =	sadd.s32 s2, s10;
	[dreg:$0x3] =	wrdreg s9  }
0x11: {  	s26 =	simm.s32 $0x7D;
	s5 =	simm.s32 $0x7;
	[dreg:$0x4] =	wrdreg s20  }
0x12: {  	s21 =	sadd.s32 s8, s6;
	s6 =	sadd.s32 s10, s6;
	s9 =	sadd.s32 s7, s1  }
0x13: {  	s17 =	sadd.s32 s0, s10;
	s18 =	sadd.s32 s0, s8;
	s20 =	sadd.s32 s2, s8  }
0x14: {  	s0 =	simm.s32 $0x5;
	s2 =	simm.s32 $0x3;
	[dreg:$0x5] =	wrdreg s21  }
0x15: {  	s8 =	simm.s32 $0x8;
	[dreg:$0x6] =	wrdreg s6;
	s7 =	sadd.s32 $0x3E80, s9  }
0x16: {  	s10 =	simm.s32 $0x0;
	s23 =	sadd.s32 $0x7D00, s9;
	[dreg:$0x7] =	wrdreg s7  }
0x17: {  	s24 =	sadd.s32 $0xBB80, s9;
	s25 =	sadd.s32 $0xFA00, s9;
	[dreg:$0x8] =	wrdreg s23  }
0x18: {  	s14 =	sadd.s32 $0x13880, s9;
	s21 =	simm.s32 $0x14000;
	[dreg:$0x9] =	wrdreg s24  }
0x19: {  	s6 =	simm.s32 $0x6;
	[dreg:$0xa] =	wrdreg s25;
	s23 =	simm.s32 $0x14080  }
0x1a: {  	v0 =	vimm.f32 $0.0e+00;
	s24 =	simm.s32 $0x14180;
	s25 =	simm.s32 $0x2;
	s7 =	simm.s32 $0x4  }
.LBB2_1:
0x1b: {  	s11 =	rddreg [dreg:$0x3]  }
0x1c: {  	[tilespmem:s21], [sflag:$0x1] =	stream.linear.gather [hbm4b:s11+s3], $0x80, $0x38;
	[tilespmem:$0x1C200] =	vst v63  }
0x1d: {  	s13 =	rddreg [dreg:$0x4]  }
0x1e: {  	[tilespmem:s22], [sflag:$0x3] =	stream.linear.gather [hbm4b:s13+s3], $0x80, $0x38;
	[tilespmem:$0x1C200] =	vst v63  }
0x1f: {  	s12 =	rddreg [dreg:$0x5]  }
0x20: {  	[tilespmem:s23], [sflag:$0x2] =	stream.linear.gather [hbm4b:s12+s3], $0x80, $0x38;
	[tilespmem:$0x1C200] =	vst v63  }
0x21: {  	s11 =	simm.s32 $0x0;
	s13 =	rddreg [dreg:$0x6];
	s12 =	simm.s32 $0x200  }
0x22: {  	[tilespmem:s24], [sflag:$0x4] =	stream.linear.gather [hbm4b:s13+s3], $0x80, $0x38;
	[tilespmem:$0x1C200] =	vst v63  }
.LBB2_2:
0x23: {  	p0 =	sne.s32 s12, $0xF800;
	[tilespmem:s11+$0x14270] =	vst v0  }
0x24: {  	[tilespmem:s11+$0x14200] =	vst v0  }
0x25: {  	[tilespmem:s11+$0x14210] =	vst v0  }
.Ltmp0:
0x26: {  	[tilespmem:s11+$0x14220] =	vst v0;
	(pc) =	sbr.rel @p0 .LBB2_2-.Ltmp0, $4  }
0x27: {  	[tilespmem:s11+$0x14230] =	vst v0  }
0x28: {  	[tilespmem:s11+$0x14240] =	vst v0  }
0x29: {  	[tilespmem:s11+$0x14250] =	vst v0  }
0x2a: {  	[tilespmem:s11+$0x14260] =	vst v0;
	s11 =	sshra.s32 s12, $0x2;
	s12 =	sadd.s32 $0x200, s12  }
0x2b: {  	[tilespmem:s11+$0x14270] =	vst v0  }
0x2c: {  	[tilespmem:s11+$0x14200] =	vst v0  }
0x2d: {  	[tilespmem:s11+$0x14210] =	vst v0  }
0x2e: {  	[tilespmem:s11+$0x14220] =	vst v0  }
0x2f: {  	[tilespmem:s11+$0x14230] =	vst v0  }
0x30: {  	[tilespmem:s11+$0x14240] =	vst v0  }
0x31: {  	[tilespmem:s11+$0x14250] =	vst v0  }
0x32: {  	[tilespmem:s11+$0x14260] =	vst v0  }
0x33: {  	_ =	swait.ge [sflag:s25], $0x80  }
0x34: {  	[sflag:s25] =	ssyncset.done $0x0  }
0x35: {  	[sflag:s25] =	ssyncadd.s32 $0xFFFFFF80  }
0x36: {  	[tilespmem:s28], [sflag:$0x6] =	stream.indirect.gather [hbm4b:s4+s26], $0x80, s23, s26, $0xb8;
	[tilespmem:$0x1C200] =	vst v63  }
0x37: {  	_ = 	snop  }
0x38: {  	[spmem:s9] =	stream.linear.scatter [tilespmem:s29], [sflag:$0x9], $0x3E80, $0x38;
	[tilespmem:$0x1C200] =	vst v63  }
0x39: {  	_ =	swait.ge [sflag:s30], $0x3E80  }
0x3a: {  	[sflag:s30] =	ssyncset.done $0x0  }
0x3b: {  	s12 =	rddreg [dreg:$0x7];
	[sflag:s30] =	ssyncadd.s32 $0xFFFFC180  }
0x3c: {  	[spmem:s12] =	stream.linear.scatter [tilespmem:s29], [sflag:$0x9], $0x3E80, $0x38;
	[tilespmem:$0x1C200] =	vst v63  }
0x3d: {  	_ =	swait.ge [sflag:s30], $0x3E80  }
0x3e: {  	[sflag:s30] =	ssyncset.done $0x0  }
0x3f: {  	s13 =	rddreg [dreg:$0x8];
	[sflag:s30] =	ssyncadd.s32 $0xFFFFC180  }
0x40: {  	[spmem:s13] =	stream.linear.scatter [tilespmem:s29], [sflag:$0x9], $0x3E80, $0x38;
	[tilespmem:$0x1C200] =	vst v63  }
0x41: {  	_ =	swait.ge [sflag:s30], $0x3E80  }
0x42: {  	[sflag:s30] =	ssyncset.done $0x0  }
0x43: {  	s12 =	rddreg [dreg:$0x9];
	[sflag:s30] =	ssyncadd.s32 $0xFFFFC180  }
0x44: {  	[spmem:s12] =	stream.linear.scatter [tilespmem:s29], [sflag:$0x9], $0x3E80, $0x38;
	[tilespmem:$0x1C200] =	vst v63  }
0x45: {  	_ =	swait.ge [sflag:s30], $0x3E80  }
0x46: {  	[sflag:s30] =	ssyncset.done $0x0  }
0x47: {  	s13 =	rddreg [dreg:$0xa];
	[sflag:s30] =	ssyncadd.s32 $0xFFFFC180  }
0x48: {  	[spmem:s13] =	stream.linear.scatter [tilespmem:s29], [sflag:$0x9], $0x3E80, $0x38;
	[tilespmem:$0x1C200] =	vst v63  }
0x49: {  	_ =	swait.ge [sflag:s30], $0x3E80  }
0x4a: {  	[sflag:s30] =	ssyncset.done $0x0  }
0x4b: {  	[sflag:s30] =	ssyncadd.s32 $0xFFFFC180  }
0x4c: {  	[spmem:s14] =	stream.linear.scatter [tilespmem:s29], [sflag:$0x9], $0x780, $0x38;
	[tilespmem:$0x1C200] =	vst v63  }
0x4d: {  	_ =	swait.ge [sflag:s30], $0x780  }
0x4e: {  	[sflag:s30] =	ssyncset.done $0x0  }
0x4f: {  	[sflag:s30] =	ssyncadd.s32 $0xFFFFF880  }
0x50: {  	_ =	swait.ge [sflag:s31], $0x80  }
0x51: {  	[sflag:s31] =	ssyncset.done $0x0  }
0x52: {  	[sflag:s31] =	ssyncadd.s32 $0xFFFFFF80  }
0x53: {  	[tilespmem:s29], [sflag:$0x5] =	stream.indirect.gather [hbm4b:s4+s26], $0x80, s21, s26, $0xb8;
	[tilespmem:$0x1C200] =	vst v63  }
0x54: {  	[bflag:$0x0] =	sbarrier.arrive $0xFFFF  }
0x55: {  	_ =	swait.ge [sflag:s0], $0x3E80  }
0x56: {  	[sflag:s0] =	ssyncset.done $0x0  }
0x57: {  	s12 =	sadd.s32 $0x0, s20;
	[sflag:s0] =	ssyncadd.s32 $0xFFFFC180  }
0x58: {  	[tilespmem:s21], [sflag:$0x1] =	stream.linear.gather [hbm4b:s12+s3], $0x80, $0x38;
	[tilespmem:$0x1C200] =	vst v63  }
0x59: {  	_ =	swait.ge [sflag:s2], $0x80  }
0x5a: {  	[sflag:s2] =	ssyncset.done $0x0  }
0x5b: {  	[sflag:s2] =	ssyncadd.s32 $0xFFFFFF80  }
0x5c: {  	[spmem:s1] =	stream.indirect.scatter.add.f32 [tilespmem:s29], [sflag:$0x7], $0x80, s22, s26, $0xb8;
	[tilespmem:$0x1C200] =	vst v63  }
0x5d: {  	_ =	swait.ge [sflag:s5], $0x3E80  }
0x5e: {  	[sflag:s5] =	ssyncset.done $0x0  }
0x5f: {  	s13 =	sadd.s32 $0x0, s19;
	[sflag:s5] =	ssyncadd.s32 $0xFFFFC180  }
0x60: {  	[tilespmem:s22], [sflag:$0x3] =	stream.linear.gather [hbm4b:s13+s3], $0x80, $0x38;
	[tilespmem:$0x1C200] =	vst v63  }
0x61: {  	_ =	swait.ge [sflag:s31], $0x80  }
0x62: {  	[sflag:s31] =	ssyncset.done $0x0  }
0x63: {  	[sflag:s31] =	ssyncadd.s32 $0xFFFFFF80  }
0x64: {  	[tilespmem:s29], [sflag:$0x5] =	stream.indirect.gather [hbm4b:s4+s26], $0x80, s21, s26, $0xb8;
	[tilespmem:$0x1C200] =	vst v63  }
0x65: {  	_ =	swait.ge [sflag:s6], $0x3E80  }
0x66: {  	[sflag:s6] =	ssyncset.done $0x0  }
0x67: {  	s12 =	sadd.s32 $0x0, s18;
	[sflag:s6] =	ssyncadd.s32 $0xFFFFC180  }
0x68: {  	[tilespmem:s23], [sflag:$0x2] =	stream.linear.gather [hbm4b:s12+s3], $0x80, $0x38;
	[tilespmem:$0x1C200] =	vst v63  }
0x69: {  	_ =	swait.ge [sflag:s7], $0x80  }
0x6a: {  	[sflag:s7] =	ssyncset.done $0x0  }
0x6b: {  	[sflag:s7] =	ssyncadd.s32 $0xFFFFFF80  }
0x6c: {  	[spmem:s1] =	stream.indirect.scatter.add.f32 [tilespmem:s28], [sflag:$0x8], $0x80, s24, s26, $0xb8;
	[tilespmem:$0x1C200] =	vst v63  }
0x6d: {  	_ =	swait.ge [sflag:s8], $0x3E80  }
0x6e: {  	[sflag:s8] =	ssyncset.done $0x0  }
0x6f: {  	s13 =	sadd.s32 $0x0, s17;
	[sflag:s8] =	ssyncadd.s32 $0xFFFFC180  }
0x70: {  	[tilespmem:s24], [sflag:$0x4] =	stream.linear.gather [hbm4b:s13+s3], $0x80, $0x38;
	[tilespmem:$0x1C200] =	vst v63  }
0x71: {  	_ =	swait.ge [sflag:s25], $0x80  }
0x72: {  	[sflag:s25] =	ssyncset.done $0x0  }
0x73: {  	s11 =	simm.s32 $0x20;
	[sflag:s25] =	ssyncadd.s32 $0xFFFFFF80  }
.LBB2_4:
0x74: {  	[tilespmem:s28], [sflag:$0x6] =	stream.indirect.gather [hbm4b:s4+s26], $0x80, s23, s26, $0xb8;
	[tilespmem:$0x1C200] =	vst v63  }
0x75: {  	s12 =	smov.u32 s11  }
0x76: {  	p0 =	sne.s32 s11, $0x4C0;
	s11 =	sadd.s32 $0x20, s11;
	_ =	swait.ge [sflag:s0], $0x3E80  }
0x77: {  	[sflag:s0] =	ssyncset.done $0x0  }
0x78: {  	s13 =	sadd.s32 s12, s20;
	[sflag:s0] =	ssyncadd.s32 $0xFFFFC180  }
0x79: {  	[tilespmem:s21], [sflag:$0x1] =	stream.linear.gather [hbm4b:s13+s3], $0x80, $0x38;
	[tilespmem:$0x1C200] =	vst v63  }
0x7a: {  	_ =	swait.ge [sflag:s2], $0x80  }
0x7b: {  	[sflag:s2] =	ssyncset.done $0x0  }
0x7c: {  	[sflag:s2] =	ssyncadd.s32 $0xFFFFFF80  }
0x7d: {  	[spmem:s1] =	stream.indirect.scatter.add.f32 [tilespmem:s29], [sflag:$0x7], $0x80, s22, s26, $0xb8;
	[tilespmem:$0x1C200] =	vst v63  }
0x7e: {  	_ =	swait.ge [sflag:s5], $0x3E80  }
0x7f: {  	[sflag:s5] =	ssyncset.done $0x0  }
0x80: {  	s13 =	sadd.s32 s12, s19;
	[sflag:s5] =	ssyncadd.s32 $0xFFFFC180  }
0x81: {  	[tilespmem:s22], [sflag:$0x3] =	stream.linear.gather [hbm4b:s13+s3], $0x80, $0x38;
	[tilespmem:$0x1C200] =	vst v63  }
0x82: {  	_ =	swait.ge [sflag:s31], $0x80  }
0x83: {  	[sflag:s31] =	ssyncset.done $0x0  }
0x84: {  	[sflag:s31] =	ssyncadd.s32 $0xFFFFFF80  }
0x85: {  	[tilespmem:s29], [sflag:$0x5] =	stream.indirect.gather [hbm4b:s4+s26], $0x80, s21, s26, $0xb8;
	[tilespmem:$0x1C200] =	vst v63  }
0x86: {  	_ =	swait.ge [sflag:s6], $0x3E80  }
0x87: {  	[sflag:s6] =	ssyncset.done $0x0  }
0x88: {  	s13 =	sadd.s32 s12, s18;
	[sflag:s6] =	ssyncadd.s32 $0xFFFFC180  }
0x89: {  	[tilespmem:s23], [sflag:$0x2] =	stream.linear.gather [hbm4b:s13+s3], $0x80, $0x38;
	[tilespmem:$0x1C200] =	vst v63  }
0x8a: {  	_ =	swait.ge [sflag:s7], $0x80  }
0x8b: {  	[sflag:s7] =	ssyncset.done $0x0  }
0x8c: {  	[sflag:s7] =	ssyncadd.s32 $0xFFFFFF80  }
0x8d: {  	[spmem:s1] =	stream.indirect.scatter.add.f32 [tilespmem:s28], [sflag:$0x8], $0x80, s24, s26, $0xb8;
	[tilespmem:$0x1C200] =	vst v63  }
0x8e: {  	_ =	swait.ge [sflag:s8], $0x3E80  }
0x8f: {  	[sflag:s8] =	ssyncset.done $0x0  }
.Ltmp1:
0x90: {  	s12 =	sadd.s32 s12, s17;
	[sflag:s8] =	ssyncadd.s32 $0xFFFFC180;
	(pc) =	sbr.rel @p0 .LBB2_4-.Ltmp1, $4  }
0x91: {  	[tilespmem:s24], [sflag:$0x4] =	stream.linear.gather [hbm4b:s12+s3], $0x80, $0x38;
	[tilespmem:$0x1C200] =	vst v63  }
0x92: {  	_ =	swait.ge [sflag:s25], $0x80  }
0x93: {  	[sflag:s25] =	ssyncset.done $0x0  }
0x94: {  	[sflag:s25] =	ssyncadd.s32 $0xFFFFFF80  }
0x95: {  	[tilespmem:s28], [sflag:$0x6] =	stream.indirect.gather [hbm4b:s4+s26], $0x80, s23, s26, $0xb8;
	[tilespmem:$0x1C200] =	vst v63  }
0x96: {  	_ =	swait.ge [sflag:s0], $0x3E80  }
0x97: {  	[sflag:s0] =	ssyncset.done $0x0  }
0x98: {  	[sflag:s0] =	ssyncadd.s32 $0xFFFFC180  }
0x99: {  	_ =	swait.ge [sflag:s2], $0x80  }
0x9a: {  	[sflag:s2] =	ssyncset.done $0x0  }
0x9b: {  	[sflag:s2] =	ssyncadd.s32 $0xFFFFFF80  }
0x9c: {  	[spmem:s1] =	stream.indirect.scatter.add.f32 [tilespmem:s29], [sflag:$0x7], $0x80, s22, s26, $0xb8;
	[tilespmem:$0x1C200] =	vst v63  }
0x9d: {  	_ =	swait.ge [sflag:s5], $0x3E80  }
0x9e: {  	[sflag:s5] =	ssyncset.done $0x0  }
0x9f: {  	[sflag:s5] =	ssyncadd.s32 $0xFFFFC180  }
0xa0: {  	_ =	swait.ge [sflag:s6], $0x3E80  }
0xa1: {  	[sflag:s6] =	ssyncset.done $0x0  }
0xa2: {  	[sflag:s6] =	ssyncadd.s32 $0xFFFFC180  }
0xa3: {  	_ =	swait.ge [sflag:s7], $0x80  }
0xa4: {  	[sflag:s7] =	ssyncset.done $0x0  }
0xa5: {  	[sflag:s7] =	ssyncadd.s32 $0xFFFFFF80  }
0xa6: {  	[spmem:s1] =	stream.indirect.scatter.add.f32 [tilespmem:s28], [sflag:$0x8], $0x80, s24, s26, $0xb8;
	[tilespmem:$0x1C200] =	vst v63  }
0xa7: {  	s11 =	stileid.u32;
	_ =	swait.ge [sflag:s8], $0x3E80  }
0xa8: {  	s12 =	sshrl.u32 s9, $0x3;
	s10 =	sadd.s32 $0x1, s10;
	[sflag:s8] =	ssyncset.done $0x0  }
0xa9: {  	s11 =	sshll.u32 s11, $0x6;
	p0 =	sne.s32 s10, s16;
	[sflag:s8] =	ssyncadd.s32 $0xFFFFC180  }
.Ltmp2:
0xaa: {  	s11 =	sor.u32 $0x1C09, s11;
	[bflag:$0x0] =	sbarrier.arrive $0xFFFF;
	(pc) =	sbr.rel @p0 .LBB2_1-.Ltmp2, $4  }
0xab: {  	[hbm:s15], [sflag:s11] =	dma.local [spmem:s12], $0x2800  }
0xac: {  	_ =	swait.ge [sflag:s30], $0x2800  }
0xad: {  	[sflag:s30] =	ssyncset.done $0x0  }
0xae: {  	[sflag:s30] =	ssyncadd.s32 $0xFFFFD800  }
0xaf: {  	_ =	sfence.sel $0x180000  }
0xb0: {  	[bflag:$0x0] =	sbarrier.arrive $0xFFFF  }
0xb1: {  	_ =	strace $0x9000004D  }
0xb2: {  	s0 =	stileid.u32;
	[bflag:$0x2] =	sbarrier.arrive $0xFFFF  }
0xb3: {  	p0 =	sne.s32 s0, $0x0;
	s0 =	rddreg [dreg:$0x2]  }
0xb4: {  	s0 =	sadd.s32 @!p0 $0x100000, s0  }
0xb5: {  	[sflag:s0] =	ssyncadd.tile.s32 @!p0 $0x1;
	_ =	shalt  }
.Lfunc_end2:
_tile_overlayer_lowered:
.L_overlay_start_2:
0xb6: {  	(tag) =	ssettag $0x2  }
0xb7: {  	s0 =	rddreg [dreg:$0x0];
	s2 =	stileid.u32  }
0xb8: {  	s1 =	rddreg [dreg:$0x1];
	p0 =	sne.s32 s2, $0x0  }
0xb9: {  	s3 =	rddreg [dreg:$0x2];
	[bflag:$0x3] =	sbarrier.arrive $0xFFFF;
	s2 =	simm.s32 @!p0 $0x1C09  }
0xba: {  	[timem:s3], [sflag:s2] =	dma.local @!p0 [hbm:s0], s1  }
0xbb: {  	s0 =	simm.s32 @!p0 $0x9  }
0xbc: {  	_ =	swait.ge @!p0 [sflag:s0], s1  }
0xbd: {  	s1 =	ssub.s32 @!p0 $0x0, s1;
	[sflag:s0] =	ssyncset.done @!p0 $0x0  }
0xbe: {  	[sflag:s0] =	ssyncadd.s32 @!p0 s1  }
0xbf: {  	[bflag:$0x3] =	sbarrier.arrive $0xFFFF  }
0xc0: {  	_ =	shalt  }

// kernel: kernel.19.cloned.1.call-start
scs
__scs_entry_jumppad:
0x0: {  	(pc) =	sbr.rel $0x88, $3  }
0x1: {  	(tag) =	ssettag $0x0;
	lr =	simm.s32 $0x1  }
0x2: {  	[smem:$0x3F97] =	sst lr;
	_ =	strace $0xD0000000  }
0x3: {  	_ = 	snop  }
0x4: {  	_ = 	snop  }
0x5: {  	_ = 	snop  }
0x6: {  	_ = 	snop  }
0x7: {  	_ = 	snop  }
__scs_overlays_trampoline_lowered:
0x8: {  	[smem:$0x3FA6] =	sst s0  }
0x9: {  	[smem:$0x3FA7] =	sst s1  }
0xa: {  	[smem:$0x3FA8] =	sst s2  }
0xb: {  	[smem:$0x3FA9] =	sst s3  }
0xc: {  	[smem:$0x3FAA] =	sst s4  }
0xd: {  	[smem:$0x3FAB] =	sst s5  }
0xe: {  	[smem:$0x3FAC] =	sst s6  }
0xf: {  	[smem:$0x3FAD] =	sst s7  }
0x10: {  	[smem:$0x3FAE] =	sst s8  }
0x11: {  	[smem:$0x3FAF] =	sst s9;
	s0 =	simm.s32 @!p0 $0x0  }
0x12: {  	s1 =	sld [smem:$0x3F95];
	s0 =	simm.s32 @p0 $0x1  }
0x13: {  	[smem:$0x3FB0] =	sst s0;
	s0 =	simm.s32 @!p1 $0x0  }
0x14: {  	s2 =	sld [smem:$0x3F94];
	s0 =	simm.s32 @p1 $0x1  }
0x15: {  	[smem:$0x3FB1] =	sst s0;
	s0 =	simm.s32 @!p2 $0x0  }
0x16: {  	s3 =	sld [smem:$0x3FDB];
	s0 =	simm.s32 @p2 $0x1  }
0x17: {  	s4 =	simm.s32 $0x1BF5;
	[smem:$0x3FB3] =	sst s0  }
0x18: {  	s0 =	sld [smem:$0x3F96];
	_ =	swait.ge [sflag:s4], $0x0  }
0x19: {  	s7 =	sld [smem:$0x3F97]  }
0x1a: {  	s8 =	sadd.s32 $0xFFFFE003, lr  }
0x1b: {  	s9 =	sadd.s32 $0xFFFFFEF7, lr;
	s5 =	simm.s32 $0xFFFFFFFF;
	p2 =	slt.u32 s8, $0xFFFFF086  }
0x1c: {  	p1 =	slt.u32 s9, $0xF7A;
	s5 =	simm.s32 @!p2 $0x0  }
0x1d: {  	s5 =	simm.s32 @p1 $0x1;
	p0 =	seq.s32 s7, s2  }
0x1e: {  	s7 =	smul.u32 @!p0 $0xF7A, s2;
	p2 =	seq.s32 @!p0 s5, $0x0  }
0x1f: {  	s9 =	smul.u32 $0xF7A, s1;
	s8 =	simm.s32 @!p0 $0x1BF5;
	p2 =	por !p2, p0  }
0x20: {  	[sflag:s8] =	ssyncset.s32 @!p0 $0xFFFFF086;
	s6 =	sadd.s32 @!p0 s3, s7;
	s7 =	simm.s32 @!p0 $0x108  }
0x21: {  	s3 =	sadd.s32 s3, s9;
	s6 =	sadd.s32 @!p0 $0x88, s6;
	s7 =	simm.s32 @p2 $0x1082  }
0x22: {  	[simem:s7], [sflag:s8] =	dma.local @!p0 [hbm:s6], $0xF7A  }
0x23: {  	s9 =	sor.u32 $0xD0000000, s2;
	s6 =	simm.s32 $0x108;
	_ =	swait.ge @!p0 [sflag:s8], $0x0  }
0x24: {  	s3 =	sadd.s32 $0x88, s3;
	s6 =	simm.s32 @!p1 $0x1082;
	[sflag:s4] =	ssyncset.s32 $0xFFFFF086  }
0x25: {  	[simem:s6], [sflag:s4] =	dma.local [hbm:s3], $0xF7A  }
0x26: {  	[smem:$0x3F97] =	sst s1;
	(tag) =	ssettag s2;
	_ =	strace s9  }
0x27: {  	s1 =	sld [smem:$0x3FA7]  }
0x28: {  	s2 =	sld [smem:$0x3FA8]  }
0x29: {  	s4 =	sld [smem:$0x3FAA]  }
0x2a: {  	p0 =	seq.s32 s5, $0x0;
	s5 =	sld [smem:$0x3FAB]  }
0x2b: {  	s6 =	sld [smem:$0x3FAC]  }
0x2c: {  	s7 =	sld [smem:$0x3FAD]  }
0x2d: {  	s3 =	simm.s32 $0x108;
	s8 =	sld [smem:$0x3FAE]  }
0x2e: {  	s3 =	simm.s32 @!p0 $0x1082;
	s9 =	sld [smem:$0x3FAF]  }
0x2f: {  	lr =	sadd.s32 s0, s3;
	s0 =	sld [smem:$0x3FA6]  }
0x30: {  	s3 =	sld [smem:$0x3FA9]  }
0x31: {  	[smem:$0x3FB2] =	sst s10  }
0x32: {  	s10 =	sld [smem:$0x3FB0];
	_ =	sdelay $0x3  }
0x33: {  	p0 =	seq.s32 s10, $0x1;
	s10 =	sld [smem:$0x3FB2];
	_ =	sdelay $0x3  }
0x34: {  	[smem:$0x3FB2] =	sst s10  }
0x35: {  	s10 =	sld [smem:$0x3FB1];
	_ =	sdelay $0x3  }
0x36: {  	p1 =	seq.s32 s10, $0x1;
	s10 =	sld [smem:$0x3FB2];
	_ =	sdelay $0x3  }
0x37: {  	[smem:$0x3FB2] =	sst s10  }
0x38: {  	s10 =	sld [smem:$0x3FB3]  }
0x39: {  	_ = 	snop;
	(pc) =	sbr.ind lr, $3  }
0x3a: {  	_ = 	snop  }
0x3b: {  	_ = 	snop  }
0x3c: {  	p2 =	seq.s32 s10, $0x1;
	s10 =	sld [smem:$0x3FB2]  }
0x3d: {  	_ =	shalt  }
0x3e: {  	_ =	shalt  }
0x3f: {  	_ =	shalt  }
0x40: {  	_ =	shalt  }
0x41: {  	_ =	shalt  }
0x42: {  	_ =	shalt  }
0x43: {  	_ =	shalt  }
0x44: {  	_ =	shalt  }
0x45: {  	_ =	shalt  }
0x46: {  	_ =	shalt  }
0x47: {  	_ =	shalt  }
0x48: {  	_ =	shalt  }
0x49: {  	_ =	shalt  }
0x4a: {  	_ =	shalt  }
0x4b: {  	_ =	shalt  }
0x4c: {  	_ =	shalt  }
0x4d: {  	_ =	shalt  }
0x4e: {  	_ =	shalt  }
0x4f: {  	_ =	shalt  }
0x50: {  	_ =	shalt  }
0x51: {  	_ =	shalt  }
0x52: {  	_ =	shalt  }
0x53: {  	_ =	shalt  }
0x54: {  	_ =	shalt  }
0x55: {  	_ =	shalt  }
0x56: {  	_ =	shalt  }
0x57: {  	_ =	shalt  }
0x58: {  	_ =	shalt  }
0x59: {  	_ =	shalt  }
0x5a: {  	_ =	shalt  }
0x5b: {  	_ =	shalt  }
0x5c: {  	_ =	shalt  }
0x5d: {  	_ =	shalt  }
0x5e: {  	_ =	shalt  }
0x5f: {  	_ =	shalt  }
0x60: {  	_ =	shalt  }
0x61: {  	_ =	shalt  }
0x62: {  	_ =	shalt  }
0x63: {  	_ =	shalt  }
0x64: {  	_ =	shalt  }
0x65: {  	_ =	shalt  }
0x66: {  	_ =	shalt  }
0x67: {  	_ =	shalt  }
0x68: {  	_ =	shalt  }
0x69: {  	_ =	shalt  }
0x6a: {  	_ =	shalt  }
0x6b: {  	_ =	shalt  }
0x6c: {  	_ =	shalt  }
0x6d: {  	_ =	shalt  }
0x6e: {  	_ =	shalt  }
0x6f: {  	_ =	shalt  }
0x70: {  	_ =	shalt  }
0x71: {  	_ =	shalt  }
0x72: {  	_ =	shalt  }
0x73: {  	_ =	shalt  }
0x74: {  	_ =	shalt  }
0x75: {  	_ =	shalt  }
0x76: {  	_ =	shalt  }
0x77: {  	_ =	shalt  }
0x78: {  	_ =	shalt  }
0x79: {  	_ =	shalt  }
0x7a: {  	_ =	shalt  }
0x7b: {  	_ =	shalt  }
0x7c: {  	_ =	shalt  }
0x7d: {  	_ =	shalt  }
0x7e: {  	_ =	shalt  }
0x7f: {  	_ =	shalt  }
0x80: {  	_ =	shalt  }
0x81: {  	_ =	shalt  }
0x82: {  	_ =	shalt  }
0x83: {  	_ =	shalt  }
0x84: {  	_ =	shalt  }
0x85: {  	_ =	shalt  }
0x86: {  	_ =	shalt  }
0x87: {  	_ =	shalt  }
.Lfunc_end0:
.L_simem_size_0:
called_computation.3_lowered:
.L_overlay_start_0:
0x88: {  	s2 =	sld [smem:$0x3FD9]  }
0x89: {  	s3 =	sld [smem:$0x3FFE];
	_ =	sdelay $0x1  }
0x8a: {  	s1 =	srdreg.scid  }
0x8b: {  	s0 =	sand.u32 $0x1, s1  }
0x8c: {  	s16 =	sshll.u32 s0, $0xA;
	s2 =	sadd.s32 s3, s2  }
0x8d: {  	s2 =	sadd.s32 s2, s16  }
0x8e: {  	[smem:$0x3FBE] =	sst s2  }
0x8f: {  	_ = 	snop  }
0x90: {  	(tm) =	ssettm $0x1  }
0x91: {  	s17 =	sld [smem:$0x3FFB];
	_ =	sdelay $0x3  }
0x92: {  	_ =	strace s17  }
0x93: {  	s2 =	sld [smem:$0x3FFC];
	_ =	sdelay $0x3  }
0x94: {  	_ =	strace s2  }
0x95: {  	s2 =	sld [smem:$0x3FFD];
	_ =	sdelay $0x3  }
0x96: {  	_ =	strace s2  }
0x97: {  	_ =	strace $0x8FFFFFFF  }
0x98: {  	s18 =	sld [smem:$0x3FDB];
	_ =	sdelay $0x1  }
0x99: {  	s19 =	simm.s32 $_scs_section_size  }
0x9a: {  	s4 =	simm.s32 $_size__tile_overlayer_lowered;
	s5 =	simm.s32 $_tile_overlayer_lowered  }
0x9b: {  	s22 =	simm.s32 $0x1BFF;
	s21 =	sshll.u32 s5, $0x1;
	s2 =	sadd.s32 s19, s18  }
0x9c: {  	s6 =	simm.s32 $0x0;
	s20 =	sshll.u32 s4, $0x1;
	s4 =	sadd.s32 s21, s2  }
0x9d: {  	[timem:s6], [sflag:s22] =	dma.local [hbm:s4], s20  }
0x9e: {  	_ =	swait.ge [sflag:s22], s20  }
0x9f: {  	s3 =	ssub.s32 $0x0, s20;
	[sflag:s22] =	ssyncset.done $0x0  }
0xa0: {  	[sflag:s22] =	ssyncadd.s32 s3;
	_ =	sdelay $0x1  }
0xa1: {  	s23 =	simm.s32 $0x1B8B  }
0xa2: {  	_ =	swait.ge [sflag:s23], $0x1  }
0xa3: {  	[sflag:s23] =	ssyncset.done $0x0  }
0xa4: {  	s25 =	simm.s32 $0x1B8E;
	s24 =	sld [smem:$0x3FFE];
	[sflag:s23] =	ssyncadd.s32 $0xFFFFFFFF  }
0xa5: {  	s26 =	simm.s32 $execute0_lowered;
	[smem:$0x3FD2] =	sst s25  }
0xa6: {  	s4 =	sshll.u32 s26, $0x1;
	_ =	strace $0x8000004F;
	[dreg:$0x1] =	wrdreg $0xFFFFFFFF  }
0xa7: {  	s28 =	simm.s32 $_size_execute0_lowered;
	s2 =	sadd.s32 s2, s4;
	[dreg:$0x0] =	wrdreg $0x0  }
0xa8: {  	s4 =	sshll.u32 s28, $0x1;
	[dreg:$0x2] =	wrdreg s2  }
0xa9: {  	[dreg:$0x3] =	wrdreg s4  }
0xaa: {  	[dreg:$0x4] =	wrdreg $0xC0  }
0xab: {  	_ =	task [dreg:s6], $0x5FFFF  }
0xac: {  	[dreg:$0x1] =	wrdreg $0xFFFFFFFF  }
0xad: {  	[dreg:$0x0] =	wrdreg $0x60  }
0xae: {  	[dreg:$0x2] =	wrdreg s24  }
0xaf: {  	[dreg:$0x3] =	wrdreg $0x0  }
0xb0: {  	[dreg:$0x4] =	wrdreg $0x9  }
0xb1: {  	_ =	task.clear_ibuf [dreg:s6], $0x5FFFF;
	_ =	strace $0x9000004F  }
0xb2: {  	s29 =	simm.s32 $0x9;
	_ =	strace $0x80000051  }
0xb3: {  	_ =	swait.ge [sflag:s29], $0x1  }
0xb4: {  	[sflag:s29] =	ssyncadd.s32 $0xFFFFFFFF  }
0xb5: {  	_ =	strace $0x90000051  }
0xb6: {  	_ =	sfence  }
0xb7: {  	s30 =	sld [smem:$0x0];
	_ =	sdelay $0x2  }
0xb8: {  	s31 =	sshll.u32 s1, $0xD;
	s1 =	sshrl.u32 s1, $0x2  }
0xb9: {  	s3 =	sand.u32 $0x4000, s31;
	s1 =	sadd.s32 s1, s30  }
0xba: {  	s0 =	sor.u32 s3, s0;
	s1 =	sshll.u32 s1, $0x11  }
0xbb: {  	s0 =	sor.u32 s1, s0  }
0xbc: {  	s0 =	sadd.s32 $0x8F2B, s0  }
0xbd: {  	[sflag:s0] =	ssyncadd.remote.s32 $0x1  }
0xbe: {  	_ =	sfence.sel $0xFFFF  }
0xbf: {  	[dreg:$0x0] =	wrdreg $0xFFFFFFFF;
	(pc) =	sbr.abs _section_cstart, $3  }
0xc0: {  	[dreg:$0x1] =	wrdreg $0xFFFFFFFF  }
0xc1: {  	_ =	task.clear_ibuf [dreg:s6], $0x2FFFF;
	_ =	strace $0x9FFFFFFF  }
0xc2: {  	(tm) =	ssettm $0x7FFFFFFF  }
0xc3: {  	_ =	shalt  }
tec
execute0_lowered:
.L_overlay_start_1:
0x0: {  	(tag) =	ssettag $0x1  }
0x1: {  	s0 =	rddreg [dreg:$0x0]  }
0x2: {  	s1 =	rddreg [dreg:$0x1]  }
0x3: {  	s2 =	srdreg.scid;
	s3 =	simm.s32 $0x0;
	s11 =	stileid.u32  }
0x4: {  	s28 =	simm.s32 $0x18200;
	s29 =	simm.s32 $0x14200;
	s30 =	simm.s32 $0x9  }
0x5: {  	s31 =	simm.s32 $0x1;
	s2 =	sand.u32 $0x1, s2;
	s6 =	smul.u32 $0x14000, s11  }
0x6: {  	[smem:$0x7FF] =	sst s3;
	s4 =	sadd.s32 $0x3600, s0;
	s19 =	smul.u32 $0x50000, s11  }
0x7: {  	s8 =	sadd.s32 $0x67600, s0;
	s10 =	sadd.s32 $0x5D600, s0;
	s22 =	smul.u32 $0x2800, s11  }
0x8: {  	s5 =	smul.u32 $0x140000, s2;
	_ =	strace $0x80000050;
	s7 =	sshll.u32 s2, $0x4  }
0x9: {  	s17 =	ssub.s32 $0x2, s2;
	s2 =	smul.u32 $0x28000, s2;
	s16 =	sor.u32 s11, s7  }
0xa: {  	s18 =	sshrl.u32 s17, $0x1;
	s7 =	sshrl.u32 s19, $0x2;
	s5 =	sadd.s32 s6, s5  }
0xb: {  	s6 =	smul.u32 $0x2800, s16;
	s2 =	sadd.s32 s22, s2;
	s22 =	simm.s32 $0x14100  }
0xc: {  	s5 =	sshrl.u32 s5, $0x3;
	s26 =	sor.u32 $0x180, s2;
	s2 =	sor.u32 $0x100, s2  }
0xd: {  	s0 =	sadd.s32 s5, s0;
	s5 =	ssub.s32 s17, s18;
	s6 =	sshrl.u32 s6, $0x3  }
0xe: {  	s2 =	sshrl.u32 s2, $0x3;
	s9 =	sadd.s32 s8, s6;
	s20 =	sadd.s32 s10, s6  }
0xf: {  	s6 =	sor.u32 $0x10, s6;
	s15 =	sadd.s32 $0x71600, s0;
	s16 =	smax.u32 s5, $0x1  }
0x10: {  	s0 =	sshrl.u32 s26, $0x3;
	s19 =	sadd.s32 s2, s10;
	[dreg:$0x3] =	wrdreg s9  }
0x11: {  	s26 =	simm.s32 $0x7D;
	s5 =	simm.s32 $0x7;
	[dreg:$0x4] =	wrdreg s20  }
0x12: {  	s21 =	sadd.s32 s8, s6;
	s6 =	sadd.s32 s10, s6;
	s9 =	sadd.s32 s7, s1  }
0x13: {  	s17 =	sadd.s32 s0, s10;
	s18 =	sadd.s32 s0, s8;
	s20 =	sadd.s32 s2, s8  }
0x14: {  	s0 =	simm.s32 $0x5;
	s2 =	simm.s32 $0x3;
	[dreg:$0x5] =	wrdreg s21  }
0x15: {  	s8 =	simm.s32 $0x8;
	[dreg:$0x6] =	wrdreg s6;
	s7 =	sadd.s32 $0x3E80, s9  }
0x16: {  	s10 =	simm.s32 $0x0;
	s23 =	sadd.s32 $0x7D00, s9;
	[dreg:$0x7] =	wrdreg s7  }
0x17: {  	s24 =	sadd.s32 $0xBB80, s9;
	s25 =	sadd.s32 $0xFA00, s9;
	[dreg:$0x8] =	wrdreg s23  }
0x18: {  	s14 =	sadd.s32 $0x13880, s9;
	s21 =	simm.s32 $0x14000;
	[dreg:$0x9] =	wrdreg s24  }
0x19: {  	s6 =	simm.s32 $0x6;
	[dreg:$0xa] =	wrdreg s25;
	s23 =	simm.s32 $0x14080  }
0x1a: {  	v0 =	vimm.f32 $0.0e+00;
	s24 =	simm.s32 $0x14180;
	s25 =	simm.s32 $0x2;
	s7 =	simm.s32 $0x4  }
.LBB2_1:
0x1b: {  	s11 =	rddreg [dreg:$0x3]  }
0x1c: {  	[tilespmem:s21], [sflag:$0x1] =	stream.linear.gather [hbm4b:s11+s3], $0x80, $0x38;
	[tilespmem:$0x1C200] =	vst v63  }
0x1d: {  	s13 =	rddreg [dreg:$0x4]  }
0x1e: {  	[tilespmem:s22], [sflag:$0x3] =	stream.linear.gather [hbm4b:s13+s3], $0x80, $0x38;
	[tilespmem:$0x1C200] =	vst v63  }
0x1f: {  	s12 =	rddreg [dreg:$0x5]  }
0x20: {  	[tilespmem:s23], [sflag:$0x2] =	stream.linear.gather [hbm4b:s12+s3], $0x80, $0x38;
	[tilespmem:$0x1C200] =	vst v63  }
0x21: {  	s11 =	simm.s32 $0x0;
	s13 =	rddreg [dreg:$0x6];
	s12 =	simm.s32 $0x200  }
0x22: {  	[tilespmem:s24], [sflag:$0x4] =	stream.linear.gather [hbm4b:s13+s3], $0x80, $0x38;
	[tilespmem:$0x1C200] =	vst v63  }
.LBB2_2:
0x23: {  	p0 =	sne.s32 s12, $0xF800;
	[tilespmem:s11+$0x14270] =	vst v0  }
0x24: {  	[tilespmem:s11+$0x14200] =	vst v0  }
0x25: {  	[tilespmem:s11+$0x14210] =	vst v0  }
.Ltmp0:
0x26: {  	[tilespmem:s11+$0x14220] =	vst v0;
	(pc) =	sbr.rel @p0 .LBB2_2-.Ltmp0, $4  }
0x27: {  	[tilespmem:s11+$0x14230] =	vst v0  }
0x28: {  	[tilespmem:s11+$0x14240] =	vst v0  }
0x29: {  	[tilespmem:s11+$0x14250] =	vst v0  }
0x2a: {  	[tilespmem:s11+$0x14260] =	vst v0;
	s11 =	sshra.s32 s12, $0x2;
	s12 =	sadd.s32 $0x200, s12  }
0x2b: {  	[tilespmem:s11+$0x14270] =	vst v0  }
0x2c: {  	[tilespmem:s11+$0x14200] =	vst v0  }
0x2d: {  	[tilespmem:s11+$0x14210] =	vst v0  }
0x2e: {  	[tilespmem:s11+$0x14220] =	vst v0  }
0x2f: {  	[tilespmem:s11+$0x14230] =	vst v0  }
0x30: {  	[tilespmem:s11+$0x14240] =	vst v0  }
0x31: {  	[tilespmem:s11+$0x14250] =	vst v0  }
0x32: {  	[tilespmem:s11+$0x14260] =	vst v0  }
0x33: {  	_ =	swait.ge [sflag:s25], $0x80  }
0x34: {  	[sflag:s25] =	ssyncset.done $0x0  }
0x35: {  	[sflag:s25] =	ssyncadd.s32 $0xFFFFFF80  }
0x36: {  	[tilespmem:s28], [sflag:$0x6] =	stream.indirect.gather [hbm4b:s4+s26], $0x80, s23, s26, $0xb8;
	[tilespmem:$0x1C200] =	vst v63  }
0x37: {  	_ = 	snop  }
0x38: {  	[spmem:s9] =	stream.linear.scatter [tilespmem:s29], [sflag:$0x9], $0x3E80, $0x38;
	[tilespmem:$0x1C200] =	vst v63  }
0x39: {  	_ =	swait.ge [sflag:s30], $0x3E80  }
0x3a: {  	[sflag:s30] =	ssyncset.done $0x0  }
0x3b: {  	s12 =	rddreg [dreg:$0x7];
	[sflag:s30] =	ssyncadd.s32 $0xFFFFC180  }
0x3c: {  	[spmem:s12] =	stream.linear.scatter [tilespmem:s29], [sflag:$0x9], $0x3E80, $0x38;
	[tilespmem:$0x1C200] =	vst v63  }
0x3d: {  	_ =	swait.ge [sflag:s30], $0x3E80  }
0x3e: {  	[sflag:s30] =	ssyncset.done $0x0  }
0x3f: {  	s13 =	rddreg [dreg:$0x8];
	[sflag:s30] =	ssyncadd.s32 $0xFFFFC180  }
0x40: {  	[spmem:s13] =	stream.linear.scatter [tilespmem:s29], [sflag:$0x9], $0x3E80, $0x38;
	[tilespmem:$0x1C200] =	vst v63  }
0x41: {  	_ =	swait.ge [sflag:s30], $0x3E80  }
0x42: {  	[sflag:s30] =	ssyncset.done $0x0  }
0x43: {  	s12 =	rddreg [dreg:$0x9];
	[sflag:s30] =	ssyncadd.s32 $0xFFFFC180  }
0x44: {  	[spmem:s12] =	stream.linear.scatter [tilespmem:s29], [sflag:$0x9], $0x3E80, $0x38;
	[tilespmem:$0x1C200] =	vst v63  }
0x45: {  	_ =	swait.ge [sflag:s30], $0x3E80  }
0x46: {  	[sflag:s30] =	ssyncset.done $0x0  }
0x47: {  	s13 =	rddreg [dreg:$0xa];
	[sflag:s30] =	ssyncadd.s32 $0xFFFFC180  }
0x48: {  	[spmem:s13] =	stream.linear.scatter [tilespmem:s29], [sflag:$0x9], $0x3E80, $0x38;
	[tilespmem:$0x1C200] =	vst v63  }
0x49: {  	_ =	swait.ge [sflag:s30], $0x3E80  }
0x4a: {  	[sflag:s30] =	ssyncset.done $0x0  }
0x4b: {  	[sflag:s30] =	ssyncadd.s32 $0xFFFFC180  }
0x4c: {  	[spmem:s14] =	stream.linear.scatter [tilespmem:s29], [sflag:$0x9], $0x780, $0x38;
	[tilespmem:$0x1C200] =	vst v63  }
0x4d: {  	_ =	swait.ge [sflag:s30], $0x780  }
0x4e: {  	[sflag:s30] =	ssyncset.done $0x0  }
0x4f: {  	[sflag:s30] =	ssyncadd.s32 $0xFFFFF880  }
0x50: {  	_ =	swait.ge [sflag:s31], $0x80  }
0x51: {  	[sflag:s31] =	ssyncset.done $0x0  }
0x52: {  	[sflag:s31] =	ssyncadd.s32 $0xFFFFFF80  }
0x53: {  	[tilespmem:s29], [sflag:$0x5] =	stream.indirect.gather [hbm4b:s4+s26], $0x80, s21, s26, $0xb8;
	[tilespmem:$0x1C200] =	vst v63  }
0x54: {  	[bflag:$0x0] =	sbarrier.arrive $0xFFFF  }
0x55: {  	_ =	swait.ge [sflag:s0], $0x3E80  }
0x56: {  	[sflag:s0] =	ssyncset.done $0x0  }
0x57: {  	s12 =	sadd.s32 $0x0, s20;
	[sflag:s0] =	ssyncadd.s32 $0xFFFFC180  }
0x58: {  	[tilespmem:s21], [sflag:$0x1] =	stream.linear.gather [hbm4b:s12+s3], $0x80, $0x38;
	[tilespmem:$0x1C200] =	vst v63  }
0x59: {  	_ =	swait.ge [sflag:s2], $0x80  }
0x5a: {  	[sflag:s2] =	ssyncset.done $0x0  }
0x5b: {  	[sflag:s2] =	ssyncadd.s32 $0xFFFFFF80  }
0x5c: {  	[spmem:s1] =	stream.indirect.scatter.add.f32 [tilespmem:s29], [sflag:$0x7], $0x80, s22, s26, $0xb8;
	[tilespmem:$0x1C200] =	vst v63  }
0x5d: {  	_ =	swait.ge [sflag:s5], $0x3E80  }
0x5e: {  	[sflag:s5] =	ssyncset.done $0x0  }
0x5f: {  	s13 =	sadd.s32 $0x0, s19;
	[sflag:s5] =	ssyncadd.s32 $0xFFFFC180  }
0x60: {  	[tilespmem:s22], [sflag:$0x3] =	stream.linear.gather [hbm4b:s13+s3], $0x80, $0x38;
	[tilespmem:$0x1C200] =	vst v63  }
0x61: {  	_ =	swait.ge [sflag:s31], $0x80  }
0x62: {  	[sflag:s31] =	ssyncset.done $0x0  }
0x63: {  	[sflag:s31] =	ssyncadd.s32 $0xFFFFFF80  }
0x64: {  	[tilespmem:s29], [sflag:$0x5] =	stream.indirect.gather [hbm4b:s4+s26], $0x80, s21, s26, $0xb8;
	[tilespmem:$0x1C200] =	vst v63  }
0x65: {  	_ =	swait.ge [sflag:s6], $0x3E80  }
0x66: {  	[sflag:s6] =	ssyncset.done $0x0  }
0x67: {  	s12 =	sadd.s32 $0x0, s18;
	[sflag:s6] =	ssyncadd.s32 $0xFFFFC180  }
0x68: {  	[tilespmem:s23], [sflag:$0x2] =	stream.linear.gather [hbm4b:s12+s3], $0x80, $0x38;
	[tilespmem:$0x1C200] =	vst v63  }
0x69: {  	_ =	swait.ge [sflag:s7], $0x80  }
0x6a: {  	[sflag:s7] =	ssyncset.done $0x0  }
0x6b: {  	[sflag:s7] =	ssyncadd.s32 $0xFFFFFF80  }
0x6c: {  	[spmem:s1] =	stream.indirect.scatter.add.f32 [tilespmem:s28], [sflag:$0x8], $0x80, s24, s26, $0xb8;
	[tilespmem:$0x1C200] =	vst v63  }
0x6d: {  	_ =	swait.ge [sflag:s8], $0x3E80  }
0x6e: {  	[sflag:s8] =	ssyncset.done $0x0  }
0x6f: {  	s13 =	sadd.s32 $0x0, s17;
	[sflag:s8] =	ssyncadd.s32 $0xFFFFC180  }
0x70: {  	[tilespmem:s24], [sflag:$0x4] =	stream.linear.gather [hbm4b:s13+s3], $0x80, $0x38;
	[tilespmem:$0x1C200] =	vst v63  }
0x71: {  	_ =	swait.ge [sflag:s25], $0x80  }
0x72: {  	[sflag:s25] =	ssyncset.done $0x0  }
0x73: {  	s11 =	simm.s32 $0x20;
	[sflag:s25] =	ssyncadd.s32 $0xFFFFFF80  }
.LBB2_4:
0x74: {  	[tilespmem:s28], [sflag:$0x6] =	stream.indirect.gather [hbm4b:s4+s26], $0x80, s23, s26, $0xb8;
	[tilespmem:$0x1C200] =	vst v63  }
0x75: {  	s12 =	smov.u32 s11  }
0x76: {  	p0 =	sne.s32 s11, $0x4C0;
	s11 =	sadd.s32 $0x20, s11;
	_ =	swait.ge [sflag:s0], $0x3E80  }
0x77: {  	[sflag:s0] =	ssyncset.done $0x0  }
0x78: {  	s13 =	sadd.s32 s12, s20;
	[sflag:s0] =	ssyncadd.s32 $0xFFFFC180  }
0x79: {  	[tilespmem:s21], [sflag:$0x1] =	stream.linear.gather [hbm4b:s13+s3], $0x80, $0x38;
	[tilespmem:$0x1C200] =	vst v63  }
0x7a: {  	_ =	swait.ge [sflag:s2], $0x80  }
0x7b: {  	[sflag:s2] =	ssyncset.done $0x0  }
0x7c: {  	[sflag:s2] =	ssyncadd.s32 $0xFFFFFF80  }
0x7d: {  	[spmem:s1] =	stream.indirect.scatter.add.f32 [tilespmem:s29], [sflag:$0x7], $0x80, s22, s26, $0xb8;
	[tilespmem:$0x1C200] =	vst v63  }
0x7e: {  	_ =	swait.ge [sflag:s5], $0x3E80  }
0x7f: {  	[sflag:s5] =	ssyncset.done $0x0  }
0x80: {  	s13 =	sadd.s32 s12, s19;
	[sflag:s5] =	ssyncadd.s32 $0xFFFFC180  }
0x81: {  	[tilespmem:s22], [sflag:$0x3] =	stream.linear.gather [hbm4b:s13+s3], $0x80, $0x38;
	[tilespmem:$0x1C200] =	vst v63  }
0x82: {  	_ =	swait.ge [sflag:s31], $0x80  }
0x83: {  	[sflag:s31] =	ssyncset.done $0x0  }
0x84: {  	[sflag:s31] =	ssyncadd.s32 $0xFFFFFF80  }
0x85: {  	[tilespmem:s29], [sflag:$0x5] =	stream.indirect.gather [hbm4b:s4+s26], $0x80, s21, s26, $0xb8;
	[tilespmem:$0x1C200] =	vst v63  }
0x86: {  	_ =	swait.ge [sflag:s6], $0x3E80  }
0x87: {  	[sflag:s6] =	ssyncset.done $0x0  }
0x88: {  	s13 =	sadd.s32 s12, s18;
	[sflag:s6] =	ssyncadd.s32 $0xFFFFC180  }
0x89: {  	[tilespmem:s23], [sflag:$0x2] =	stream.linear.gather [hbm4b:s13+s3], $0x80, $0x38;
	[tilespmem:$0x1C200] =	vst v63  }
0x8a: {  	_ =	swait.ge [sflag:s7], $0x80  }
0x8b: {  	[sflag:s7] =	ssyncset.done $0x0  }
0x8c: {  	[sflag:s7] =	ssyncadd.s32 $0xFFFFFF80  }
0x8d: {  	[spmem:s1] =	stream.indirect.scatter.add.f32 [tilespmem:s28], [sflag:$0x8], $0x80, s24, s26, $0xb8;
	[tilespmem:$0x1C200] =	vst v63  }
0x8e: {  	_ =	swait.ge [sflag:s8], $0x3E80  }
0x8f: {  	[sflag:s8] =	ssyncset.done $0x0  }
.Ltmp1:
0x90: {  	s12 =	sadd.s32 s12, s17;
	[sflag:s8] =	ssyncadd.s32 $0xFFFFC180;
	(pc) =	sbr.rel @p0 .LBB2_4-.Ltmp1, $4  }
0x91: {  	[tilespmem:s24], [sflag:$0x4] =	stream.linear.gather [hbm4b:s12+s3], $0x80, $0x38;
	[tilespmem:$0x1C200] =	vst v63  }
0x92: {  	_ =	swait.ge [sflag:s25], $0x80  }
0x93: {  	[sflag:s25] =	ssyncset.done $0x0  }
0x94: {  	[sflag:s25] =	ssyncadd.s32 $0xFFFFFF80  }
0x95: {  	[tilespmem:s28], [sflag:$0x6] =	stream.indirect.gather [hbm4b:s4+s26], $0x80, s23, s26, $0xb8;
	[tilespmem:$0x1C200] =	vst v63  }
0x96: {  	_ =	swait.ge [sflag:s0], $0x3E80  }
0x97: {  	[sflag:s0] =	ssyncset.done $0x0  }
0x98: {  	[sflag:s0] =	ssyncadd.s32 $0xFFFFC180  }
0x99: {  	_ =	swait.ge [sflag:s2], $0x80  }
0x9a: {  	[sflag:s2] =	ssyncset.done $0x0  }
0x9b: {  	[sflag:s2] =	ssyncadd.s32 $0xFFFFFF80  }
0x9c: {  	[spmem:s1] =	stream.indirect.scatter.add.f32 [tilespmem:s29], [sflag:$0x7], $0x80, s22, s26, $0xb8;
	[tilespmem:$0x1C200] =	vst v63  }
0x9d: {  	_ =	swait.ge [sflag:s5], $0x3E80  }
0x9e: {  	[sflag:s5] =	ssyncset.done $0x0  }
0x9f: {  	[sflag:s5] =	ssyncadd.s32 $0xFFFFC180  }
0xa0: {  	_ =	swait.ge [sflag:s6], $0x3E80  }
0xa1: {  	[sflag:s6] =	ssyncset.done $0x0  }
0xa2: {  	[sflag:s6] =	ssyncadd.s32 $0xFFFFC180  }
0xa3: {  	_ =	swait.ge [sflag:s7], $0x80  }
0xa4: {  	[sflag:s7] =	ssyncset.done $0x0  }
0xa5: {  	[sflag:s7] =	ssyncadd.s32 $0xFFFFFF80  }
0xa6: {  	[spmem:s1] =	stream.indirect.scatter.add.f32 [tilespmem:s28], [sflag:$0x8], $0x80, s24, s26, $0xb8;
	[tilespmem:$0x1C200] =	vst v63  }
0xa7: {  	s11 =	stileid.u32;
	_ =	swait.ge [sflag:s8], $0x3E80  }
0xa8: {  	s12 =	sshrl.u32 s9, $0x3;
	s10 =	sadd.s32 $0x1, s10;
	[sflag:s8] =	ssyncset.done $0x0  }
0xa9: {  	s11 =	sshll.u32 s11, $0x6;
	p0 =	sne.s32 s10, s16;
	[sflag:s8] =	ssyncadd.s32 $0xFFFFC180  }
.Ltmp2:
0xaa: {  	s11 =	sor.u32 $0x1C09, s11;
	[bflag:$0x0] =	sbarrier.arrive $0xFFFF;
	(pc) =	sbr.rel @p0 .LBB2_1-.Ltmp2, $4  }
0xab: {  	[hbm:s15], [sflag:s11] =	dma.local [spmem:s12], $0x2800  }
0xac: {  	_ =	swait.ge [sflag:s30], $0x2800  }
0xad: {  	[sflag:s30] =	ssyncset.done $0x0  }
0xae: {  	[sflag:s30] =	ssyncadd.s32 $0xFFFFD800  }
0xaf: {  	_ =	sfence.sel $0x180000  }
0xb0: {  	[bflag:$0x0] =	sbarrier.arrive $0xFFFF  }
0xb1: {  	_ =	strace $0x90000050  }
0xb2: {  	s0 =	stileid.u32;
	[bflag:$0x2] =	sbarrier.arrive $0xFFFF  }
0xb3: {  	p0 =	sne.s32 s0, $0x0;
	s0 =	rddreg [dreg:$0x2]  }
0xb4: {  	s0 =	sadd.s32 @!p0 $0x100000, s0  }
0xb5: {  	[sflag:s0] =	ssyncadd.tile.s32 @!p0 $0x1;
	_ =	shalt  }
.Lfunc_end2:
_tile_overlayer_lowered:
.L_overlay_start_2:
0xb6: {  	(tag) =	ssettag $0x2  }
0xb7: {  	s0 =	rddreg [dreg:$0x0];
	s2 =	stileid.u32  }
0xb8: {  	s1 =	rddreg [dreg:$0x1];
	p0 =	sne.s32 s2, $0x0  }
0xb9: {  	s3 =	rddreg [dreg:$0x2];
	[bflag:$0x3] =	sbarrier.arrive $0xFFFF;
	s2 =	simm.s32 @!p0 $0x1C09  }
0xba: {  	[timem:s3], [sflag:s2] =	dma.local @!p0 [hbm:s0], s1  }
0xbb: {  	s0 =	simm.s32 @!p0 $0x9  }
0xbc: {  	_ =	swait.ge @!p0 [sflag:s0], s1  }
0xbd: {  	s1 =	ssub.s32 @!p0 $0x0, s1;
	[sflag:s0] =	ssyncset.done @!p0 $0x0  }
0xbe: {  	[sflag:s0] =	ssyncadd.s32 @!p0 s1  }
0xbf: {  	[bflag:$0x3] =	sbarrier.arrive $0xFFFF  }
0xc0: {  	_ =	shalt  }

</sc_bundles>
